<compile_context>
chip_gen: v7x
topology: tpu7x:2x2x1
jax: 0.10.2.dev20260603
libtpu: 0.0.44.dev20260713+nightly
codegen_flags: <defaults>
</compile_context>

<pallas_src>
import functools
import jax
import jax.numpy as jnp
from jax import lax
from jax.experimental import pallas as pl
from jax.experimental.pallas import tpu as pltpu
from jax.experimental.pallas import tpu_sc as plsc

NC = 2
NS = 16
NW = NC * NS

V = 1_000_000
C1 = 31_744
R1 = C1 // 128
PV = NW * C1
SPC = PV // NS
RS = SPC // 128
GRP = 16
SG = 8
NSG = RS // SG
CG = 8
NCG = R1 // CG

XR = 800
RC = 80
NCH = XR // RC

_mesh = plsc.VectorSubcoreMesh(core_axis_name="c", subcore_axis_name="s")


@functools.partial(
    pl.kernel,
    mesh=_mesh,
    out_type=jax.ShapeDtypeStruct((NW, R1, 128), jnp.int32),
    scratch_types=[
        pltpu.VMEM((RS, 128), jnp.int32),
        pltpu.VMEM((GRP, 128), jnp.int32),
        pltpu.VMEM_SHARED((PV,), jnp.int32),
        pltpu.SemaphoreType.DMA,
        pltpu.SemaphoreType.DMA,
    ],
)
def _build_kernel(perm2d, t3, idx_v, val_v, inv_sh, sem, sem_w):
    cid = lax.axis_index("c")
    sid = lax.axis_index("s")
    wid = sid * NC + cid
    base = sid * SPC
    lane = lax.iota(jnp.int32, 16)

    pltpu.sync_copy(perm2d.at[pl.ds(sid * RS, RS)], idx_v)

    def build_fire(g, h):
        def mkval(t, c2):
            val_v[h + t // 8, pl.ds((t % 8) * 16, 16)] = lane + (
                base + g * (SG * 128) + t * 16)
            return c2

        lax.fori_loop(0, SG * 8, mkval, 0)

        def fire(j, c2):
            pltpu.async_copy(val_v.at[h + j], inv_sh.at[idx_v.at[g * SG + j]],
                             sem)
            return c2

        lax.fori_loop(0, SG, fire, 0)

    build_fire(0, 0)
    build_fire(1, SG)

    def grp(g, carry):
        pltpu.make_async_copy(t3.at[wid, pl.ds(0, SG)],
                              val_v.at[pl.ds(0, SG)], sem).wait()
        build_fire(g, (g % 2) * SG)
        return carry

    lax.fori_loop(2, NSG, grp, 0)
    pltpu.make_async_copy(t3.at[wid, pl.ds(0, GRP)], val_v, sem).wait()
    plsc.subcore_barrier()

    def cfire(g, h):
        def fire2(j, c2):
            pltpu.async_copy(
                inv_sh.at[idx_v.at[cid * R1 + g * CG + j]],
                val_v.at[h + j], sem)
            return c2

        lax.fori_loop(0, CG, fire2, 0)

    def cdrain_write(g, h):
        pltpu.make_async_copy(t3.at[wid, pl.ds(0, CG)],
                              val_v.at[pl.ds(0, CG)], sem).wait()
        pltpu.async_copy(val_v.at[pl.ds(h, CG)],
                         t3.at[wid, pl.ds(g * CG, CG)], sem_w)

    cfire(0, 0)
    cfire(1, CG)
    cdrain_write(0, 0)

    def cgrp(g, carry):
        pltpu.make_async_copy(t3.at[wid, pl.ds(0, CG)],
                              val_v.at[pl.ds(0, CG)], sem_w).wait()
        cfire(g, (g % 2) * CG)
        cdrain_write(g - 1, ((g - 1) % 2) * CG)
        return carry

    lax.fori_loop(2, NCG, cgrp, 0)
    cdrain_write(NCG - 1, ((NCG - 1) % 2) * CG)
    pltpu.make_async_copy(t3.at[wid, pl.ds(0, GRP)], val_v, sem_w).wait()


@functools.partial(
    pl.kernel,
    mesh=_mesh,
    out_type=jax.ShapeDtypeStruct((NW, XR, 128), jnp.int32),
    scratch_types=[
        pltpu.VMEM((2, RC, 128), jnp.int32),
        pltpu.VMEM((2, RC, 128), jnp.int32),
        pltpu.VMEM_SHARED((PV,), jnp.int32),
        pltpu.SemaphoreType.DMA,
        pltpu.SemaphoreType.DMA,
        pltpu.SemaphoreType.DMA,
    ],
)
def _lookup_kernel(x3, t_flat, out3, x_v, o_v, t_sh, sem_g, sem_ld, sem_st):
    sid = lax.axis_index("s")
    wid = sid * NC + lax.axis_index("c")

    pltpu.async_copy(x3.at[wid, pl.ds(0, RC)], x_v.at[0], sem_ld)
    pltpu.sync_copy(t_flat.at[pl.ds(sid * SPC, SPC)],
                    t_sh.at[pl.ds(sid * SPC, SPC)])
    plsc.subcore_barrier()

    for ch in range(NCH):
        b = ch % 2
        pltpu.make_async_copy(x3.at[wid, pl.ds(0, RC)], x_v.at[b],
                              sem_ld).wait()
        if ch + 1 < NCH:
            pltpu.async_copy(x3.at[wid, pl.ds((ch + 1) * RC, RC)],
                             x_v.at[1 - b], sem_ld)
        if ch >= 2:
            pltpu.make_async_copy(x3.at[wid, pl.ds(0, RC)], o_v.at[b],
                                  sem_st).wait()

        def g1(j, carry):
            pltpu.async_copy(t_sh.at[x_v.at[b, j]], o_v.at[b, j], sem_g)
            return carry

        lax.fori_loop(0, RC, g1, 0)
        pltpu.make_async_copy(x3.at[wid, pl.ds(0, RC)], o_v.at[b],
                              sem_g).wait()
        pltpu.async_copy(o_v.at[b], out3.at[wid, pl.ds(ch * RC, RC)], sem_st)

    pltpu.make_async_copy(x3.at[wid, pl.ds(0, RC)], o_v.at[0], sem_st).wait()
    pltpu.make_async_copy(x3.at[wid, pl.ds(0, RC)], o_v.at[1], sem_st).wait()


def kernel(x, input_perm):
    pad = jnp.arange(V, PV, dtype=jnp.int32)
    perm_p = jnp.concatenate([input_perm.astype(jnp.int32), pad])
    t3 = _build_kernel(perm_p.reshape(NS * RS, 128))
    x3 = x.reshape(NW, XR, 128)
    out3 = _lookup_kernel(x3, t3.reshape(PV))
    return out3.reshape(x.shape)

# --- scband reference (transcript-rebuilt; emitter-appended) ---
"""Pipeline reference for scband-adtnsublayer-32100585570574 (READ-ONLY COPY).

The authoritative reference and input builder live on the scoring server;
editing this copy changes nothing except your own understanding.
"""

import jax, jax.numpy as jnp
import numpy as np

VOCAB = 1000000
BATCH = 16384
HIST = 200


def setup_inputs(seed: int = 0) -> dict:
    key = jax.random.key(seed)
    k1, k2 = jax.random.split(key)
    # x is an integer tensor of indices into the permutation table (values < VOCAB)
    x = jax.random.randint(k1, (BATCH, HIST), 0, VOCAB, dtype=jnp.int32)
    # input_perm is a learned/fixed permutation of [0, VOCAB) stored by the module
    input_perm = jax.random.permutation(k2, VOCAB).astype(jnp.int32)
    return {"x": x, "input_perm": input_perm}


def reference(x, input_perm):
    # Faithful translation of ADTNSublayer.forward:
    #   input_inv_perm = argsort(input_perm)   (computed in __init__)
    #   xperm = input_perm[x]                  (gather: permute indices)
    #   yperm = xperm                          (linears are never applied in forward)
    #   return input_inv_perm[yperm]           (gather: un-permute)
    input_inv_perm = jnp.argsort(input_perm)
    xperm = jnp.take(input_perm, x, axis=0)
    yperm = xperm
    out = jnp.take(input_inv_perm, yperm, axis=0)
    return out

if __name__ == "__main__":
    import jax
    _d = setup_inputs()
    print(jax.jit(kernel)(*tuple(_d.values())))

</pallas_src>

<mosaic_0001>
#map = affine_map<(d0, d1) -> (0, 0, 0)>
#map1 = affine_map<(d0, d1) -> (0)>
module attributes {stable_mosaic.version = 14 : i64} {
  func.func @_lookup_kernel(%arg0: i32, %arg1: i32, %arg2: memref<32x800x128xi32, #tpu.memory_space<hbm>>, %arg3: memref<1015808xi32, #tpu.memory_space<hbm>>, %arg4: memref<32x800x128xi32, #tpu.memory_space<hbm>>, %arg5: memref<2x80x128xi32, #tpu.memory_space<vmem>>, %arg6: memref<2x80x128xi32, #tpu.memory_space<vmem>>, %arg7: memref<1015808xi32, #tpu.memory_space<vmem_shared>>, %arg8: memref<!tpu.dma_semaphore, #tpu.memory_space<semaphore_mem>>, %arg9: memref<!tpu.dma_semaphore, #tpu.memory_space<semaphore_mem>>, %arg10: memref<!tpu.dma_semaphore, #tpu.memory_space<semaphore_mem>>) attributes {dimension_semantics = [#tpu.dimension_semantics<core_parallel>, #tpu.dimension_semantics<subcore_parallel>], iteration_bounds = array<i64: 2, 16>, scalar_prefetch = 0 : i64, scratch_operands = 6 : i64, tpu.core_type = #tpu.core_type<sc_vector_subcore>, window_params = [{transform_indices = #map}, {transform_indices = #map1}, {transform_indices = #map}]} {
    %mul3A = arith.constant 2 : i32
    %mul3A_0 = arith.muli %arg1, %mul3A : i32
    %add3A = arith.addi %mul3A_0, %arg0 : i32
    %dma_start3A = arith.constant 0 : i32
    %dma_start3A_1 = arith.constant 0 : i32
    %dma_start3A_2 = arith.constant 0 : i32
    %dma_start3A_3 = tpu.memref_slice %arg5[%dma_start3A, %dma_start3A_1, %dma_start3A_2] : memref<2x80x128xi32, #tpu.memory_space<vmem>> -> memref<1x80x128xi32, #tpu.memory_space<vmem>>
    %dma_start3A_4 = tpu.memref_squeeze %dma_start3A_3 : memref<1x80x128xi32, #tpu.memory_space<vmem>> -> memref<80x128xi32, #tpu.memory_space<vmem>>
    %dma_start3A_5 = arith.constant 0 : i32
    %dma_start3A_6 = arith.constant 0 : i32
    %dma_start3A_7 = tpu.memref_slice %arg2[%add3A, %dma_start3A_5, %dma_start3A_6] : memref<32x800x128xi32, #tpu.memory_space<hbm>> -> memref<1x80x128xi32, #tpu.memory_space<hbm>>
    %dma_start3A_8 = tpu.memref_squeeze %dma_start3A_7 : memref<1x80x128xi32, #tpu.memory_space<hbm>> -> memref<80x128xi32, #tpu.memory_space<hbm>>
    %dma_start3A_9 = arith.constant 0 : i32
    %dma_start3A_10 = arith.constant 0 : i32
    %dma_start3A_11 = tpu.memref_slice %arg5[%dma_start3A, %dma_start3A_9, %dma_start3A_10] : memref<2x80x128xi32, #tpu.memory_space<vmem>> -> memref<1x80x128xi32, #tpu.memory_space<vmem>>
    %dma_start3A_12 = tpu.memref_squeeze %dma_start3A_11 : memref<1x80x128xi32, #tpu.memory_space<vmem>> -> memref<80x128xi32, #tpu.memory_space<vmem>>
    %dma_start3A_13 = arith.constant 0 : i32
    %dma_start3A_14 = arith.constant 0 : i32
    %dma_start3A_15 = tpu.memref_slice %arg2[%add3A, %dma_start3A_13, %dma_start3A_14] : memref<32x800x128xi32, #tpu.memory_space<hbm>> -> memref<1x80x128xi32, #tpu.memory_space<hbm>>
    %dma_start3A_16 = tpu.memref_squeeze %dma_start3A_15 : memref<1x80x128xi32, #tpu.memory_space<hbm>> -> memref<80x128xi32, #tpu.memory_space<hbm>>
    tpu.enqueue_dma source(%dma_start3A_16 : memref<80x128xi32, #tpu.memory_space<hbm>>) target(%dma_start3A_12 : memref<80x128xi32, #tpu.memory_space<vmem>>) target_semaphore(%arg9 : memref<!tpu.dma_semaphore, #tpu.memory_space<semaphore_mem>>)
    %mul3A_17 = arith.constant 63488 : i32
    %mul3A_18 = arith.muli %arg1, %mul3A_17 : i32
    %mul3A_19 = arith.constant 63488 : i32
    %mul3A_20 = arith.muli %arg1, %mul3A_19 : i32
    "tpu.region"() ({
      %run_scoped3A = tpu.sem_alloc : memref<!tpu.dma_semaphore, #tpu.memory_space<semaphore_mem>>
      %dma_start3A_912 = tpu.memref_slice %arg7[%mul3A_20] : memref<1015808xi32, #tpu.memory_space<vmem_shared>> -> memref<63488xi32, #tpu.memory_space<vmem_shared>>
      %dma_start3A_913 = tpu.memref_slice %arg3[%mul3A_18] : memref<1015808xi32, #tpu.memory_space<hbm>> -> memref<63488xi32, #tpu.memory_space<hbm>>
      tpu.enqueue_dma source(%dma_start3A_913 : memref<63488xi32, #tpu.memory_space<hbm>>) target(%dma_start3A_912 : memref<63488xi32, #tpu.memory_space<vmem_shared>>) target_semaphore(%run_scoped3A : memref<!tpu.dma_semaphore, #tpu.memory_space<semaphore_mem>>)
      %dma_wait3A_914 = tpu.memref_slice %arg7[%mul3A_20] : memref<1015808xi32, #tpu.memory_space<vmem_shared>> -> memref<63488xi32, #tpu.memory_space<vmem_shared>>
      %dma_wait3A_915 = tpu.memref_slice %arg3[%mul3A_18] : memref<1015808xi32, #tpu.memory_space<hbm>> -> memref<63488xi32, #tpu.memory_space<hbm>>
      tpu.wait_dma2 semaphore(%run_scoped3A : memref<!tpu.dma_semaphore, #tpu.memory_space<semaphore_mem>>) src(%dma_wait3A_915 : memref<63488xi32, #tpu.memory_space<hbm>>) dst(%dma_wait3A_914 : memref<63488xi32, #tpu.memory_space<vmem_shared>>)
      tpu.yield
    }) : () -> ()
    %barrier3A = arith.constant 0 : index
    tpu.barrier barrier_id(%barrier3A)
    %dma_wait3A = arith.constant 0 : i32
    %dma_wait3A_21 = arith.constant 0 : i32
    %dma_wait3A_22 = arith.constant 0 : i32
    %dma_wait3A_23 = tpu.memref_slice %arg5[%dma_wait3A, %dma_wait3A_21, %dma_wait3A_22] : memref<2x80x128xi32, #tpu.memory_space<vmem>> -> memref<1x80x128xi32, #tpu.memory_space<vmem>>
    %dma_wait3A_24 = tpu.memref_squeeze %dma_wait3A_23 : memref<1x80x128xi32, #tpu.memory_space<vmem>> -> memref<80x128xi32, #tpu.memory_space<vmem>>
    %dma_wait3A_25 = arith.constant 0 : i32
    %dma_wait3A_26 = arith.constant 0 : i32
    %dma_wait3A_27 = tpu.memref_slice %arg2[%add3A, %dma_wait3A_25, %dma_wait3A_26] : memref<32x800x128xi32, #tpu.memory_space<hbm>> -> memref<1x80x128xi32, #tpu.memory_space<hbm>>
    %dma_wait3A_28 = tpu.memref_squeeze %dma_wait3A_27 : memref<1x80x128xi32, #tpu.memory_space<hbm>> -> memref<80x128xi32, #tpu.memory_space<hbm>>
    %dma_wait3A_29 = arith.constant 0 : i32
    %dma_wait3A_30 = arith.constant 0 : i32
    %dma_wait3A_31 = tpu.memref_slice %arg5[%dma_wait3A, %dma_wait3A_29, %dma_wait3A_30] : memref<2x80x128xi32, #tpu.memory_space<vmem>> -> memref<1x80x128xi32, #tpu.memory_space<vmem>>
    %dma_wait3A_32 = tpu.memref_squeeze %dma_wait3A_31 : memref<1x80x128xi32, #tpu.memory_space<vmem>> -> memref<80x128xi32, #tpu.memory_space<vmem>>
    %dma_wait3A_33 = arith.constant 0 : i32
    %dma_wait3A_34 = arith.constant 0 : i32
    %dma_wait3A_35 = tpu.memref_slice %arg2[%add3A, %dma_wait3A_33, %dma_wait3A_34] : memref<32x800x128xi32, #tpu.memory_space<hbm>> -> memref<1x80x128xi32, #tpu.memory_space<hbm>>
    %dma_wait3A_36 = tpu.memref_squeeze %dma_wait3A_35 : memref<1x80x128xi32, #tpu.memory_space<hbm>> -> memref<80x128xi32, #tpu.memory_space<hbm>>
    tpu.wait_dma2 semaphore(%arg9 : memref<!tpu.dma_semaphore, #tpu.memory_space<semaphore_mem>>) src(%dma_wait3A_36 : memref<80x128xi32, #tpu.memory_space<hbm>>) dst(%dma_wait3A_32 : memref<80x128xi32, #tpu.memory_space<vmem>>)
    %dma_start3A_37 = arith.constant 1 : i32
    %dma_start3A_38 = arith.constant 0 : i32
    %dma_start3A_39 = arith.constant 0 : i32
    %dma_start3A_40 = tpu.memref_slice %arg5[%dma_start3A_37, %dma_start3A_38, %dma_start3A_39] : memref<2x80x128xi32, #tpu.memory_space<vmem>> -> memref<1x80x128xi32, #tpu.memory_space<vmem>>
    %dma_start3A_41 = tpu.memref_squeeze %dma_start3A_40 : memref<1x80x128xi32, #tpu.memory_space<vmem>> -> memref<80x128xi32, #tpu.memory_space<vmem>>
    %dma_start3A_42 = arith.constant 80 : i32
    %dma_start3A_43 = arith.constant 0 : i32
    %dma_start3A_44 = tpu.memref_slice %arg2[%add3A, %dma_start3A_42, %dma_start3A_43] : memref<32x800x128xi32, #tpu.memory_space<hbm>> -> memref<1x80x128xi32, #tpu.memory_space<hbm>>
    %dma_start3A_45 = tpu.memref_squeeze %dma_start3A_44 : memref<1x80x128xi32, #tpu.memory_space<hbm>> -> memref<80x128xi32, #tpu.memory_space<hbm>>
    %dma_start3A_46 = arith.constant 0 : i32
    %dma_start3A_47 = arith.constant 0 : i32
    %dma_start3A_48 = tpu.memref_slice %arg5[%dma_start3A_37, %dma_start3A_46, %dma_start3A_47] : memref<2x80x128xi32, #tpu.memory_space<vmem>> -> memref<1x80x128xi32, #tpu.memory_space<vmem>>
    %dma_start3A_49 = tpu.memref_squeeze %dma_start3A_48 : memref<1x80x128xi32, #tpu.memory_space<vmem>> -> memref<80x128xi32, #tpu.memory_space<vmem>>
    %dma_start3A_50 = arith.constant 80 : i32
    %dma_start3A_51 = arith.constant 0 : i32
    %dma_start3A_52 = tpu.memref_slice %arg2[%add3A, %dma_start3A_50, %dma_start3A_51] : memref<32x800x128xi32, #tpu.memory_space<hbm>> -> memref<1x80x128xi32, #tpu.memory_space<hbm>>
    %dma_start3A_53 = tpu.memref_squeeze %dma_start3A_52 : memref<1x80x128xi32, #tpu.memory_space<hbm>> -> memref<80x128xi32, #tpu.memory_space<hbm>>
    tpu.enqueue_dma source(%dma_start3A_53 : memref<80x128xi32, #tpu.memory_space<hbm>>) target(%dma_start3A_49 : memref<80x128xi32, #tpu.memory_space<vmem>>) target_semaphore(%arg9 : memref<!tpu.dma_semaphore, #tpu.memory_space<semaphore_mem>>)
    %scan3A = arith.constant 0 : i32
    %scan3A_54 = arith.constant 0 : i32
    %scan3A_55 = arith.constant 80 : i32
    %scan3A_56 = arith.addi %scan3A_54, %scan3A_55 : i32
    %scan3A_57 = arith.constant 1 : i32
    scf.for %scan3A_912 = %scan3A_54 to %scan3A_56 step %scan3A_57  : i32 {
      %dma_start3A_913 = arith.constant 0 : i32
      %dma_start3A_914 = arith.constant 0 : i32
      %dma_start3A_915 = arith.constant 0 : i32
      %dma_start3A_916 = tpu.memref_slice %arg6[%dma_start3A_914, %scan3A_912, %dma_start3A_915] : memref<2x80x128xi32, #tpu.memory_space<vmem>> -> memref<1x1x128xi32, #tpu.memory_space<vmem>>
      %dma_start3A_917 = tpu.memref_squeeze %dma_start3A_916 : memref<1x1x128xi32, #tpu.memory_space<vmem>> -> memref<128xi32, #tpu.memory_space<vmem>>
      %dma_start3A_918 = arith.constant 0 : i32
      %dma_start3A_919 = tpu.memref_slice %arg5[%dma_start3A_913, %scan3A_912, %dma_start3A_918] : memref<2x80x128xi32, #tpu.memory_space<vmem>> -> memref<1x1x128xi32, #tpu.memory_space<vmem>>
      %dma_start3A_920 = tpu.memref_squeeze %dma_start3A_919 : memref<1x1x128xi32, #tpu.memory_space<vmem>> -> memref<128xi32, #tpu.memory_space<vmem>>
      %dma_start3A_921 = arith.constant 0 : i32
      %dma_start3A_922 = tpu.memref_slice %arg7[%dma_start3A_921] : memref<1015808xi32, #tpu.memory_space<vmem_shared>> -> memref<1015808xi32, #tpu.memory_space<vmem_shared>>
      tpu.enqueue_indirect_dma source(%dma_start3A_922 : memref<1015808xi32, #tpu.memory_space<vmem_shared>>) target(%dma_start3A_917 : memref<128xi32, #tpu.memory_space<vmem>>) offsets(%dma_start3A_920 : memref<128xi32, #tpu.memory_space<vmem>>) semaphore(%arg8 : memref<!tpu.dma_semaphore, #tpu.memory_space<semaphore_mem>>)
    }
    %scan3A_58 = arith.constant 80 : i32
    %dma_wait3A_59 = arith.constant 0 : i32
    %dma_wait3A_60 = arith.constant 0 : i32
    %dma_wait3A_61 = arith.constant 0 : i32
    %dma_wait3A_62 = tpu.memref_slice %arg6[%dma_wait3A_59, %dma_wait3A_60, %dma_wait3A_61] : memref<2x80x128xi32, #tpu.memory_space<vmem>> -> memref<1x80x128xi32, #tpu.memory_space<vmem>>
    %dma_wait3A_63 = tpu.memref_squeeze %dma_wait3A_62 : memref<1x80x128xi32, #tpu.memory_space<vmem>> -> memref<80x128xi32, #tpu.memory_space<vmem>>
    %dma_wait3A_64 = arith.constant 0 : i32
    %dma_wait3A_65 = arith.constant 0 : i32
    %dma_wait3A_66 = tpu.memref_slice %arg2[%add3A, %dma_wait3A_64, %dma_wait3A_65] : memref<32x800x128xi32, #tpu.memory_space<hbm>> -> memref<1x80x128xi32, #tpu.memory_space<hbm>>
    %dma_wait3A_67 = tpu.memref_squeeze %dma_wait3A_66 : memref<1x80x128xi32, #tpu.memory_space<hbm>> -> memref<80x128xi32, #tpu.memory_space<hbm>>
    %dma_wait3A_68 = arith.constant 0 : i32
    %dma_wait3A_69 = arith.constant 0 : i32
    %dma_wait3A_70 = tpu.memref_slice %arg6[%dma_wait3A_59, %dma_wait3A_68, %dma_wait3A_69] : memref<2x80x128xi32, #tpu.memory_space<vmem>> -> memref<1x80x128xi32, #tpu.memory_space<vmem>>
    %dma_wait3A_71 = tpu.memref_squeeze %dma_wait3A_70 : memref<1x80x128xi32, #tpu.memory_space<vmem>> -> memref<80x128xi32, #tpu.memory_space<vmem>>
    %dma_wait3A_72 = arith.constant 0 : i32
    %dma_wait3A_73 = arith.constant 0 : i32
    %dma_wait3A_74 = tpu.memref_slice %arg2[%add3A, %dma_wait3A_72, %dma_wait3A_73] : memref<32x800x128xi32, #tpu.memory_space<hbm>> -> memref<1x80x128xi32, #tpu.memory_space<hbm>>
    %dma_wait3A_75 = tpu.memref_squeeze %dma_wait3A_74 : memref<1x80x128xi32, #tpu.memory_space<hbm>> -> memref<80x128xi32, #tpu.memory_space<hbm>>
    tpu.wait_dma2 semaphore(%arg8 : memref<!tpu.dma_semaphore, #tpu.memory_space<semaphore_mem>>) src(%dma_wait3A_75 : memref<80x128xi32, #tpu.memory_space<hbm>>) dst(%dma_wait3A_71 : memref<80x128xi32, #tpu.memory_space<vmem>>)
    %dma_start3A_76 = arith.constant 0 : i32
    %dma_start3A_77 = arith.constant 0 : i32
    %dma_start3A_78 = arith.constant 0 : i32
    %dma_start3A_79 = tpu.memref_slice %arg6[%dma_start3A_76, %dma_start3A_77, %dma_start3A_78] : memref<2x80x128xi32, #tpu.memory_space<vmem>> -> memref<1x80x128xi32, #tpu.memory_space<vmem>>
    %dma_start3A_80 = tpu.memref_squeeze %dma_start3A_79 : memref<1x80x128xi32, #tpu.memory_space<vmem>> -> memref<80x128xi32, #tpu.memory_space<vmem>>
    %dma_start3A_81 = arith.constant 0 : i32
    %dma_start3A_82 = arith.constant 0 : i32
    %dma_start3A_83 = tpu.memref_slice %arg4[%add3A, %dma_start3A_81, %dma_start3A_82] : memref<32x800x128xi32, #tpu.memory_space<hbm>> -> memref<1x80x128xi32, #tpu.memory_space<hbm>>
    %dma_start3A_84 = tpu.memref_squeeze %dma_start3A_83 : memref<1x80x128xi32, #tpu.memory_space<hbm>> -> memref<80x128xi32, #tpu.memory_space<hbm>>
    %dma_start3A_85 = arith.constant 0 : i32
    %dma_start3A_86 = arith.constant 0 : i32
    %dma_start3A_87 = tpu.memref_slice %arg4[%add3A, %dma_start3A_85, %dma_start3A_86] : memref<32x800x128xi32, #tpu.memory_space<hbm>> -> memref<1x80x128xi32, #tpu.memory_space<hbm>>
    %dma_start3A_88 = tpu.memref_squeeze %dma_start3A_87 : memref<1x80x128xi32, #tpu.memory_space<hbm>> -> memref<80x128xi32, #tpu.memory_space<hbm>>
    %dma_start3A_89 = arith.constant 0 : i32
    %dma_start3A_90 = arith.constant 0 : i32
    %dma_start3A_91 = tpu.memref_slice %arg6[%dma_start3A_76, %dma_start3A_89, %dma_start3A_90] : memref<2x80x128xi32, #tpu.memory_space<vmem>> -> memref<1x80x128xi32, #tpu.memory_space<vmem>>
    %dma_start3A_92 = tpu.memref_squeeze %dma_start3A_91 : memref<1x80x128xi32, #tpu.memory_space<vmem>> -> memref<80x128xi32, #tpu.memory_space<vmem>>
    tpu.enqueue_dma source(%dma_start3A_92 : memref<80x128xi32, #tpu.memory_space<vmem>>) target(%dma_start3A_88 : memref<80x128xi32, #tpu.memory_space<hbm>>) target_semaphore(%arg10 : memref<!tpu.dma_semaphore, #tpu.memory_space<semaphore_mem>>)
    %dma_wait3A_93 = arith.constant 1 : i32
    %dma_wait3A_94 = arith.constant 0 : i32
    %dma_wait3A_95 = arith.constant 0 : i32
    %dma_wait3A_96 = tpu.memref_slice %arg5[%dma_wait3A_93, %dma_wait3A_94, %dma_wait3A_95] : memref<2x80x128xi32, #tpu.memory_space<vmem>> -> memref<1x80x128xi32, #tpu.memory_space<vmem>>
    %dma_wait3A_97 = tpu.memref_squeeze %dma_wait3A_96 : memref<1x80x128xi32, #tpu.memory_space<vmem>> -> memref<80x128xi32, #tpu.memory_space<vmem>>
    %dma_wait3A_98 = arith.constant 0 : i32
    %dma_wait3A_99 = arith.constant 0 : i32
    %dma_wait3A_100 = tpu.memref_slice %arg2[%add3A, %dma_wait3A_98, %dma_wait3A_99] : memref<32x800x128xi32, #tpu.memory_space<hbm>> -> memref<1x80x128xi32, #tpu.memory_space<hbm>>
    %dma_wait3A_101 = tpu.memref_squeeze %dma_wait3A_100 : memref<1x80x128xi32, #tpu.memory_space<hbm>> -> memref<80x128xi32, #tpu.memory_space<hbm>>
    %dma_wait3A_102 = arith.constant 0 : i32
    %dma_wait3A_103 = arith.constant 0 : i32
    %dma_wait3A_104 = tpu.memref_slice %arg5[%dma_wait3A_93, %dma_wait3A_102, %dma_wait3A_103] : memref<2x80x128xi32, #tpu.memory_space<vmem>> -> memref<1x80x128xi32, #tpu.memory_space<vmem>>
    %dma_wait3A_105 = tpu.memref_squeeze %dma_wait3A_104 : memref<1x80x128xi32, #tpu.memory_space<vmem>> -> memref<80x128xi32, #tpu.memory_space<vmem>>
    %dma_wait3A_106 = arith.constant 0 : i32
    %dma_wait3A_107 = arith.constant 0 : i32
    %dma_wait3A_108 = tpu.memref_slice %arg2[%add3A, %dma_wait3A_106, %dma_wait3A_107] : memref<32x800x128xi32, #tpu.memory_space<hbm>> -> memref<1x80x128xi32, #tpu.memory_space<hbm>>
    %dma_wait3A_109 = tpu.memref_squeeze %dma_wait3A_108 : memref<1x80x128xi32, #tpu.memory_space<hbm>> -> memref<80x128xi32, #tpu.memory_space<hbm>>
    tpu.wait_dma2 semaphore(%arg9 : memref<!tpu.dma_semaphore, #tpu.memory_space<semaphore_mem>>) src(%dma_wait3A_109 : memref<80x128xi32, #tpu.memory_space<hbm>>) dst(%dma_wait3A_105 : memref<80x128xi32, #tpu.memory_space<vmem>>)
    %dma_start3A_110 = arith.constant 0 : i32
    %dma_start3A_111 = arith.constant 0 : i32
    %dma_start3A_112 = arith.constant 0 : i32
    %dma_start3A_113 = tpu.memref_slice %arg5[%dma_start3A_110, %dma_start3A_111, %dma_start3A_112] : memref<2x80x128xi32, #tpu.memory_space<vmem>> -> memref<1x80x128xi32, #tpu.memory_space<vmem>>
    %dma_start3A_114 = tpu.memref_squeeze %dma_start3A_113 : memref<1x80x128xi32, #tpu.memory_space<vmem>> -> memref<80x128xi32, #tpu.memory_space<vmem>>
    %dma_start3A_115 = arith.constant 160 : i32
    %dma_start3A_116 = arith.constant 0 : i32
    %dma_start3A_117 = tpu.memref_slice %arg2[%add3A, %dma_start3A_115, %dma_start3A_116] : memref<32x800x128xi32, #tpu.memory_space<hbm>> -> memref<1x80x128xi32, #tpu.memory_space<hbm>>
    %dma_start3A_118 = tpu.memref_squeeze %dma_start3A_117 : memref<1x80x128xi32, #tpu.memory_space<hbm>> -> memref<80x128xi32, #tpu.memory_space<hbm>>
    %dma_start3A_119 = arith.constant 0 : i32
    %dma_start3A_120 = arith.constant 0 : i32
    %dma_start3A_121 = tpu.memref_slice %arg5[%dma_start3A_110, %dma_start3A_119, %dma_start3A_120] : memref<2x80x128xi32, #tpu.memory_space<vmem>> -> memref<1x80x128xi32, #tpu.memory_space<vmem>>
    %dma_start3A_122 = tpu.memref_squeeze %dma_start3A_121 : memref<1x80x128xi32, #tpu.memory_space<vmem>> -> memref<80x128xi32, #tpu.memory_space<vmem>>
    %dma_start3A_123 = arith.constant 160 : i32
    %dma_start3A_124 = arith.constant 0 : i32
    %dma_start3A_125 = tpu.memref_slice %arg2[%add3A, %dma_start3A_123, %dma_start3A_124] : memref<32x800x128xi32, #tpu.memory_space<hbm>> -> memref<1x80x128xi32, #tpu.memory_space<hbm>>
    %dma_start3A_126 = tpu.memref_squeeze %dma_start3A_125 : memref<1x80x128xi32, #tpu.memory_space<hbm>> -> memref<80x128xi32, #tpu.memory_space<hbm>>
    tpu.enqueue_dma source(%dma_start3A_126 : memref<80x128xi32, #tpu.memory_space<hbm>>) target(%dma_start3A_122 : memref<80x128xi32, #tpu.memory_space<vmem>>) target_semaphore(%arg9 : memref<!tpu.dma_semaphore, #tpu.memory_space<semaphore_mem>>)
    %scan3A_127 = arith.constant 0 : i32
    %scan3A_128 = arith.constant 0 : i32
    %scan3A_129 = arith.constant 80 : i32
    %scan3A_130 = arith.addi %scan3A_128, %scan3A_129 : i32
    %scan3A_131 = arith.constant 1 : i32
    scf.for %scan3A_912 = %scan3A_128 to %scan3A_130 step %scan3A_131  : i32 {
      %dma_start3A_913 = arith.constant 1 : i32
      %dma_start3A_914 = arith.constant 1 : i32
      %dma_start3A_915 = arith.constant 0 : i32
      %dma_start3A_916 = tpu.memref_slice %arg6[%dma_start3A_914, %scan3A_912, %dma_start3A_915] : memref<2x80x128xi32, #tpu.memory_space<vmem>> -> memref<1x1x128xi32, #tpu.memory_space<vmem>>
      %dma_start3A_917 = tpu.memref_squeeze %dma_start3A_916 : memref<1x1x128xi32, #tpu.memory_space<vmem>> -> memref<128xi32, #tpu.memory_space<vmem>>
      %dma_start3A_918 = arith.constant 0 : i32
      %dma_start3A_919 = tpu.memref_slice %arg5[%dma_start3A_913, %scan3A_912, %dma_start3A_918] : memref<2x80x128xi32, #tpu.memory_space<vmem>> -> memref<1x1x128xi32, #tpu.memory_space<vmem>>
      %dma_start3A_920 = tpu.memref_squeeze %dma_start3A_919 : memref<1x1x128xi32, #tpu.memory_space<vmem>> -> memref<128xi32, #tpu.memory_space<vmem>>
      %dma_start3A_921 = arith.constant 0 : i32
      %dma_start3A_922 = tpu.memref_slice %arg7[%dma_start3A_921] : memref<1015808xi32, #tpu.memory_space<vmem_shared>> -> memref<1015808xi32, #tpu.memory_space<vmem_shared>>
      tpu.enqueue_indirect_dma source(%dma_start3A_922 : memref<1015808xi32, #tpu.memory_space<vmem_shared>>) target(%dma_start3A_917 : memref<128xi32, #tpu.memory_space<vmem>>) offsets(%dma_start3A_920 : memref<128xi32, #tpu.memory_space<vmem>>) semaphore(%arg8 : memref<!tpu.dma_semaphore, #tpu.memory_space<semaphore_mem>>)
    }
    %scan3A_132 = arith.constant 80 : i32
    %dma_wait3A_133 = arith.constant 1 : i32
    %dma_wait3A_134 = arith.constant 0 : i32
    %dma_wait3A_135 = arith.constant 0 : i32
    %dma_wait3A_136 = tpu.memref_slice %arg6[%dma_wait3A_133, %dma_wait3A_134, %dma_wait3A_135] : memref<2x80x128xi32, #tpu.memory_space<vmem>> -> memref<1x80x128xi32, #tpu.memory_space<vmem>>
    %dma_wait3A_137 = tpu.memref_squeeze %dma_wait3A_136 : memref<1x80x128xi32, #tpu.memory_space<vmem>> -> memref<80x128xi32, #tpu.memory_space<vmem>>
    %dma_wait3A_138 = arith.constant 0 : i32
    %dma_wait3A_139 = arith.constant 0 : i32
    %dma_wait3A_140 = tpu.memref_slice %arg2[%add3A, %dma_wait3A_138, %dma_wait3A_139] : memref<32x800x128xi32, #tpu.memory_space<hbm>> -> memref<1x80x128xi32, #tpu.memory_space<hbm>>
    %dma_wait3A_141 = tpu.memref_squeeze %dma_wait3A_140 : memref<1x80x128xi32, #tpu.memory_space<hbm>> -> memref<80x128xi32, #tpu.memory_space<hbm>>
    %dma_wait3A_142 = arith.constant 0 : i32
    %dma_wait3A_143 = arith.constant 0 : i32
    %dma_wait3A_144 = tpu.memref_slice %arg6[%dma_wait3A_133, %dma_wait3A_142, %dma_wait3A_143] : memref<2x80x128xi32, #tpu.memory_space<vmem>> -> memref<1x80x128xi32, #tpu.memory_space<vmem>>
    %dma_wait3A_145 = tpu.memref_squeeze %dma_wait3A_144 : memref<1x80x128xi32, #tpu.memory_space<vmem>> -> memref<80x128xi32, #tpu.memory_space<vmem>>
    %dma_wait3A_146 = arith.constant 0 : i32
    %dma_wait3A_147 = arith.constant 0 : i32
    %dma_wait3A_148 = tpu.memref_slice %arg2[%add3A, %dma_wait3A_146, %dma_wait3A_147] : memref<32x800x128xi32, #tpu.memory_space<hbm>> -> memref<1x80x128xi32, #tpu.memory_space<hbm>>
    %dma_wait3A_149 = tpu.memref_squeeze %dma_wait3A_148 : memref<1x80x128xi32, #tpu.memory_space<hbm>> -> memref<80x128xi32, #tpu.memory_space<hbm>>
    tpu.wait_dma2 semaphore(%arg8 : memref<!tpu.dma_semaphore, #tpu.memory_space<semaphore_mem>>) src(%dma_wait3A_149 : memref<80x128xi32, #tpu.memory_space<hbm>>) dst(%dma_wait3A_145 : memref<80x128xi32, #tpu.memory_space<vmem>>)
    %dma_start3A_150 = arith.constant 1 : i32
    %dma_start3A_151 = arith.constant 0 : i32
    %dma_start3A_152 = arith.constant 0 : i32
    %dma_start3A_153 = tpu.memref_slice %arg6[%dma_start3A_150, %dma_start3A_151, %dma_start3A_152] : memref<2x80x128xi32, #tpu.memory_space<vmem>> -> memref<1x80x128xi32, #tpu.memory_space<vmem>>
    %dma_start3A_154 = tpu.memref_squeeze %dma_start3A_153 : memref<1x80x128xi32, #tpu.memory_space<vmem>> -> memref<80x128xi32, #tpu.memory_space<vmem>>
    %dma_start3A_155 = arith.constant 80 : i32
    %dma_start3A_156 = arith.constant 0 : i32
    %dma_start3A_157 = tpu.memref_slice %arg4[%add3A, %dma_start3A_155, %dma_start3A_156] : memref<32x800x128xi32, #tpu.memory_space<hbm>> -> memref<1x80x128xi32, #tpu.memory_space<hbm>>
    %dma_start3A_158 = tpu.memref_squeeze %dma_start3A_157 : memref<1x80x128xi32, #tpu.memory_space<hbm>> -> memref<80x128xi32, #tpu.memory_space<hbm>>
    %dma_start3A_159 = arith.constant 80 : i32
    %dma_start3A_160 = arith.constant 0 : i32
    %dma_start3A_161 = tpu.memref_slice %arg4[%add3A, %dma_start3A_159, %dma_start3A_160] : memref<32x800x128xi32, #tpu.memory_space<hbm>> -> memref<1x80x128xi32, #tpu.memory_space<hbm>>
    %dma_start3A_162 = tpu.memref_squeeze %dma_start3A_161 : memref<1x80x128xi32, #tpu.memory_space<hbm>> -> memref<80x128xi32, #tpu.memory_space<hbm>>
    %dma_start3A_163 = arith.constant 0 : i32
    %dma_start3A_164 = arith.constant 0 : i32
    %dma_start3A_165 = tpu.memref_slice %arg6[%dma_start3A_150, %dma_start3A_163, %dma_start3A_164] : memref<2x80x128xi32, #tpu.memory_space<vmem>> -> memref<1x80x128xi32, #tpu.memory_space<vmem>>
    %dma_start3A_166 = tpu.memref_squeeze %dma_start3A_165 : memref<1x80x128xi32, #tpu.memory_space<vmem>> -> memref<80x128xi32, #tpu.memory_space<vmem>>
    tpu.enqueue_dma source(%dma_start3A_166 : memref<80x128xi32, #tpu.memory_space<vmem>>) target(%dma_start3A_162 : memref<80x128xi32, #tpu.memory_space<hbm>>) target_semaphore(%arg10 : memref<!tpu.dma_semaphore, #tpu.memory_space<semaphore_mem>>)
    %dma_wait3A_167 = arith.constant 0 : i32
    %dma_wait3A_168 = arith.constant 0 : i32
    %dma_wait3A_169 = arith.constant 0 : i32
    %dma_wait3A_170 = tpu.memref_slice %arg5[%dma_wait3A_167, %dma_wait3A_168, %dma_wait3A_169] : memref<2x80x128xi32, #tpu.memory_space<vmem>> -> memref<1x80x128xi32, #tpu.memory_space<vmem>>
    %dma_wait3A_171 = tpu.memref_squeeze %dma_wait3A_170 : memref<1x80x128xi32, #tpu.memory_space<vmem>> -> memref<80x128xi32, #tpu.memory_space<vmem>>
    %dma_wait3A_172 = arith.constant 0 : i32
    %dma_wait3A_173 = arith.constant 0 : i32
    %dma_wait3A_174 = tpu.memref_slice %arg2[%add3A, %dma_wait3A_172, %dma_wait3A_173] : memref<32x800x128xi32, #tpu.memory_space<hbm>> -> memref<1x80x128xi32, #tpu.memory_space<hbm>>
    %dma_wait3A_175 = tpu.memref_squeeze %dma_wait3A_174 : memref<1x80x128xi32, #tpu.memory_space<hbm>> -> memref<80x128xi32, #tpu.memory_space<hbm>>
    %dma_wait3A_176 = arith.constant 0 : i32
    %dma_wait3A_177 = arith.constant 0 : i32
    %dma_wait3A_178 = tpu.memref_slice %arg5[%dma_wait3A_167, %dma_wait3A_176, %dma_wait3A_177] : memref<2x80x128xi32, #tpu.memory_space<vmem>> -> memref<1x80x128xi32, #tpu.memory_space<vmem>>
    %dma_wait3A_179 = tpu.memref_squeeze %dma_wait3A_178 : memref<1x80x128xi32, #tpu.memory_space<vmem>> -> memref<80x128xi32, #tpu.memory_space<vmem>>
    %dma_wait3A_180 = arith.constant 0 : i32
    %dma_wait3A_181 = arith.constant 0 : i32
    %dma_wait3A_182 = tpu.memref_slice %arg2[%add3A, %dma_wait3A_180, %dma_wait3A_181] : memref<32x800x128xi32, #tpu.memory_space<hbm>> -> memref<1x80x128xi32, #tpu.memory_space<hbm>>
    %dma_wait3A_183 = tpu.memref_squeeze %dma_wait3A_182 : memref<1x80x128xi32, #tpu.memory_space<hbm>> -> memref<80x128xi32, #tpu.memory_space<hbm>>
    tpu.wait_dma2 semaphore(%arg9 : memref<!tpu.dma_semaphore, #tpu.memory_space<semaphore_mem>>) src(%dma_wait3A_183 : memref<80x128xi32, #tpu.memory_space<hbm>>) dst(%dma_wait3A_179 : memref<80x128xi32, #tpu.memory_space<vmem>>)
    %dma_start3A_184 = arith.constant 1 : i32
    %dma_start3A_185 = arith.constant 0 : i32
    %dma_start3A_186 = arith.constant 0 : i32
    %dma_start3A_187 = tpu.memref_slice %arg5[%dma_start3A_184, %dma_start3A_185, %dma_start3A_186] : memref<2x80x128xi32, #tpu.memory_space<vmem>> -> memref<1x80x128xi32, #tpu.memory_space<vmem>>
    %dma_start3A_188 = tpu.memref_squeeze %dma_start3A_187 : memref<1x80x128xi32, #tpu.memory_space<vmem>> -> memref<80x128xi32, #tpu.memory_space<vmem>>
    %dma_start3A_189 = arith.constant 240 : i32
    %dma_start3A_190 = arith.constant 0 : i32
    %dma_start3A_191 = tpu.memref_slice %arg2[%add3A, %dma_start3A_189, %dma_start3A_190] : memref<32x800x128xi32, #tpu.memory_space<hbm>> -> memref<1x80x128xi32, #tpu.memory_space<hbm>>
    %dma_start3A_192 = tpu.memref_squeeze %dma_start3A_191 : memref<1x80x128xi32, #tpu.memory_space<hbm>> -> memref<80x128xi32, #tpu.memory_space<hbm>>
    %dma_start3A_193 = arith.constant 0 : i32
    %dma_start3A_194 = arith.constant 0 : i32
    %dma_start3A_195 = tpu.memref_slice %arg5[%dma_start3A_184, %dma_start3A_193, %dma_start3A_194] : memref<2x80x128xi32, #tpu.memory_space<vmem>> -> memref<1x80x128xi32, #tpu.memory_space<vmem>>
    %dma_start3A_196 = tpu.memref_squeeze %dma_start3A_195 : memref<1x80x128xi32, #tpu.memory_space<vmem>> -> memref<80x128xi32, #tpu.memory_space<vmem>>
    %dma_start3A_197 = arith.constant 240 : i32
    %dma_start3A_198 = arith.constant 0 : i32
    %dma_start3A_199 = tpu.memref_slice %arg2[%add3A, %dma_start3A_197, %dma_start3A_198] : memref<32x800x128xi32, #tpu.memory_space<hbm>> -> memref<1x80x128xi32, #tpu.memory_space<hbm>>
    %dma_start3A_200 = tpu.memref_squeeze %dma_start3A_199 : memref<1x80x128xi32, #tpu.memory_space<hbm>> -> memref<80x128xi32, #tpu.memory_space<hbm>>
    tpu.enqueue_dma source(%dma_start3A_200 : memref<80x128xi32, #tpu.memory_space<hbm>>) target(%dma_start3A_196 : memref<80x128xi32, #tpu.memory_space<vmem>>) target_semaphore(%arg9 : memref<!tpu.dma_semaphore, #tpu.memory_space<semaphore_mem>>)
    %dma_wait3A_201 = arith.constant 0 : i32
    %dma_wait3A_202 = arith.constant 0 : i32
    %dma_wait3A_203 = arith.constant 0 : i32
    %dma_wait3A_204 = tpu.memref_slice %arg6[%dma_wait3A_201, %dma_wait3A_202, %dma_wait3A_203] : memref<2x80x128xi32, #tpu.memory_space<vmem>> -> memref<1x80x128xi32, #tpu.memory_space<vmem>>
    %dma_wait3A_205 = tpu.memref_squeeze %dma_wait3A_204 : memref<1x80x128xi32, #tpu.memory_space<vmem>> -> memref<80x128xi32, #tpu.memory_space<vmem>>
    %dma_wait3A_206 = arith.constant 0 : i32
    %dma_wait3A_207 = arith.constant 0 : i32
    %dma_wait3A_208 = tpu.memref_slice %arg2[%add3A, %dma_wait3A_206, %dma_wait3A_207] : memref<32x800x128xi32, #tpu.memory_space<hbm>> -> memref<1x80x128xi32, #tpu.memory_space<hbm>>
    %dma_wait3A_209 = tpu.memref_squeeze %dma_wait3A_208 : memref<1x80x128xi32, #tpu.memory_space<hbm>> -> memref<80x128xi32, #tpu.memory_space<hbm>>
    %dma_wait3A_210 = arith.constant 0 : i32
    %dma_wait3A_211 = arith.constant 0 : i32
    %dma_wait3A_212 = tpu.memref_slice %arg6[%dma_wait3A_201, %dma_wait3A_210, %dma_wait3A_211] : memref<2x80x128xi32, #tpu.memory_space<vmem>> -> memref<1x80x128xi32, #tpu.memory_space<vmem>>
    %dma_wait3A_213 = tpu.memref_squeeze %dma_wait3A_212 : memref<1x80x128xi32, #tpu.memory_space<vmem>> -> memref<80x128xi32, #tpu.memory_space<vmem>>
    %dma_wait3A_214 = arith.constant 0 : i32
    %dma_wait3A_215 = arith.constant 0 : i32
    %dma_wait3A_216 = tpu.memref_slice %arg2[%add3A, %dma_wait3A_214, %dma_wait3A_215] : memref<32x800x128xi32, #tpu.memory_space<hbm>> -> memref<1x80x128xi32, #tpu.memory_space<hbm>>
    %dma_wait3A_217 = tpu.memref_squeeze %dma_wait3A_216 : memref<1x80x128xi32, #tpu.memory_space<hbm>> -> memref<80x128xi32, #tpu.memory_space<hbm>>
    tpu.wait_dma2 semaphore(%arg10 : memref<!tpu.dma_semaphore, #tpu.memory_space<semaphore_mem>>) src(%dma_wait3A_217 : memref<80x128xi32, #tpu.memory_space<hbm>>) dst(%dma_wait3A_213 : memref<80x128xi32, #tpu.memory_space<vmem>>)
    %scan3A_218 = arith.constant 0 : i32
    %scan3A_219 = arith.constant 0 : i32
    %scan3A_220 = arith.constant 80 : i32
    %scan3A_221 = arith.addi %scan3A_219, %scan3A_220 : i32
    %scan3A_222 = arith.constant 1 : i32
    scf.for %scan3A_912 = %scan3A_219 to %scan3A_221 step %scan3A_222  : i32 {
      %dma_start3A_913 = arith.constant 0 : i32
      %dma_start3A_914 = arith.constant 0 : i32
      %dma_start3A_915 = arith.constant 0 : i32
      %dma_start3A_916 = tpu.memref_slice %arg6[%dma_start3A_914, %scan3A_912, %dma_start3A_915] : memref<2x80x128xi32, #tpu.memory_space<vmem>> -> memref<1x1x128xi32, #tpu.memory_space<vmem>>
      %dma_start3A_917 = tpu.memref_squeeze %dma_start3A_916 : memref<1x1x128xi32, #tpu.memory_space<vmem>> -> memref<128xi32, #tpu.memory_space<vmem>>
      %dma_start3A_918 = arith.constant 0 : i32
      %dma_start3A_919 = tpu.memref_slice %arg5[%dma_start3A_913, %scan3A_912, %dma_start3A_918] : memref<2x80x128xi32, #tpu.memory_space<vmem>> -> memref<1x1x128xi32, #tpu.memory_space<vmem>>
      %dma_start3A_920 = tpu.memref_squeeze %dma_start3A_919 : memref<1x1x128xi32, #tpu.memory_space<vmem>> -> memref<128xi32, #tpu.memory_space<vmem>>
      %dma_start3A_921 = arith.constant 0 : i32
      %dma_start3A_922 = tpu.memref_slice %arg7[%dma_start3A_921] : memref<1015808xi32, #tpu.memory_space<vmem_shared>> -> memref<1015808xi32, #tpu.memory_space<vmem_shared>>
      tpu.enqueue_indirect_dma source(%dma_start3A_922 : memref<1015808xi32, #tpu.memory_space<vmem_shared>>) target(%dma_start3A_917 : memref<128xi32, #tpu.memory_space<vmem>>) offsets(%dma_start3A_920 : memref<128xi32, #tpu.memory_space<vmem>>) semaphore(%arg8 : memref<!tpu.dma_semaphore, #tpu.memory_space<semaphore_mem>>)
    }
    %scan3A_223 = arith.constant 80 : i32
    %dma_wait3A_224 = arith.constant 0 : i32
    %dma_wait3A_225 = arith.constant 0 : i32
    %dma_wait3A_226 = arith.constant 0 : i32
    %dma_wait3A_227 = tpu.memref_slice %arg6[%dma_wait3A_224, %dma_wait3A_225, %dma_wait3A_226] : memref<2x80x128xi32, #tpu.memory_space<vmem>> -> memref<1x80x128xi32, #tpu.memory_space<vmem>>
    %dma_wait3A_228 = tpu.memref_squeeze %dma_wait3A_227 : memref<1x80x128xi32, #tpu.memory_space<vmem>> -> memref<80x128xi32, #tpu.memory_space<vmem>>
    %dma_wait3A_229 = arith.constant 0 : i32
    %dma_wait3A_230 = arith.constant 0 : i32
    %dma_wait3A_231 = tpu.memref_slice %arg2[%add3A, %dma_wait3A_229, %dma_wait3A_230] : memref<32x800x128xi32, #tpu.memory_space<hbm>> -> memref<1x80x128xi32, #tpu.memory_space<hbm>>
    %dma_wait3A_232 = tpu.memref_squeeze %dma_wait3A_231 : memref<1x80x128xi32, #tpu.memory_space<hbm>> -> memref<80x128xi32, #tpu.memory_space<hbm>>
    %dma_wait3A_233 = arith.constant 0 : i32
    %dma_wait3A_234 = arith.constant 0 : i32
    %dma_wait3A_235 = tpu.memref_slice %arg6[%dma_wait3A_224, %dma_wait3A_233, %dma_wait3A_234] : memref<2x80x128xi32, #tpu.memory_space<vmem>> -> memref<1x80x128xi32, #tpu.memory_space<vmem>>
    %dma_wait3A_236 = tpu.memref_squeeze %dma_wait3A_235 : memref<1x80x128xi32, #tpu.memory_space<vmem>> -> memref<80x128xi32, #tpu.memory_space<vmem>>
    %dma_wait3A_237 = arith.constant 0 : i32
    %dma_wait3A_238 = arith.constant 0 : i32
    %dma_wait3A_239 = tpu.memref_slice %arg2[%add3A, %dma_wait3A_237, %dma_wait3A_238] : memref<32x800x128xi32, #tpu.memory_space<hbm>> -> memref<1x80x128xi32, #tpu.memory_space<hbm>>
    %dma_wait3A_240 = tpu.memref_squeeze %dma_wait3A_239 : memref<1x80x128xi32, #tpu.memory_space<hbm>> -> memref<80x128xi32, #tpu.memory_space<hbm>>
    tpu.wait_dma2 semaphore(%arg8 : memref<!tpu.dma_semaphore, #tpu.memory_space<semaphore_mem>>) src(%dma_wait3A_240 : memref<80x128xi32, #tpu.memory_space<hbm>>) dst(%dma_wait3A_236 : memref<80x128xi32, #tpu.memory_space<vmem>>)
    %dma_start3A_241 = arith.constant 0 : i32
    %dma_start3A_242 = arith.constant 0 : i32
    %dma_start3A_243 = arith.constant 0 : i32
    %dma_start3A_244 = tpu.memref_slice %arg6[%dma_start3A_241, %dma_start3A_242, %dma_start3A_243] : memref<2x80x128xi32, #tpu.memory_space<vmem>> -> memref<1x80x128xi32, #tpu.memory_space<vmem>>
    %dma_start3A_245 = tpu.memref_squeeze %dma_start3A_244 : memref<1x80x128xi32, #tpu.memory_space<vmem>> -> memref<80x128xi32, #tpu.memory_space<vmem>>
    %dma_start3A_246 = arith.constant 160 : i32
    %dma_start3A_247 = arith.constant 0 : i32
    %dma_start3A_248 = tpu.memref_slice %arg4[%add3A, %dma_start3A_246, %dma_start3A_247] : memref<32x800x128xi32, #tpu.memory_space<hbm>> -> memref<1x80x128xi32, #tpu.memory_space<hbm>>
    %dma_start3A_249 = tpu.memref_squeeze %dma_start3A_248 : memref<1x80x128xi32, #tpu.memory_space<hbm>> -> memref<80x128xi32, #tpu.memory_space<hbm>>
    %dma_start3A_250 = arith.constant 160 : i32
    %dma_start3A_251 = arith.constant 0 : i32
    %dma_start3A_252 = tpu.memref_slice %arg4[%add3A, %dma_start3A_250, %dma_start3A_251] : memref<32x800x128xi32, #tpu.memory_space<hbm>> -> memref<1x80x128xi32, #tpu.memory_space<hbm>>
    %dma_start3A_253 = tpu.memref_squeeze %dma_start3A_252 : memref<1x80x128xi32, #tpu.memory_space<hbm>> -> memref<80x128xi32, #tpu.memory_space<hbm>>
    %dma_start3A_254 = arith.constant 0 : i32
    %dma_start3A_255 = arith.constant 0 : i32
    %dma_start3A_256 = tpu.memref_slice %arg6[%dma_start3A_241, %dma_start3A_254, %dma_start3A_255] : memref<2x80x128xi32, #tpu.memory_space<vmem>> -> memref<1x80x128xi32, #tpu.memory_space<vmem>>
    %dma_start3A_257 = tpu.memref_squeeze %dma_start3A_256 : memref<1x80x128xi32, #tpu.memory_space<vmem>> -> memref<80x128xi32, #tpu.memory_space<vmem>>
    tpu.enqueue_dma source(%dma_start3A_257 : memref<80x128xi32, #tpu.memory_space<vmem>>) target(%dma_start3A_253 : memref<80x128xi32, #tpu.memory_space<hbm>>) target_semaphore(%arg10 : memref<!tpu.dma_semaphore, #tpu.memory_space<semaphore_mem>>)
    %dma_wait3A_258 = arith.constant 1 : i32
    %dma_wait3A_259 = arith.constant 0 : i32
    %dma_wait3A_260 = arith.constant 0 : i32
    %dma_wait3A_261 = tpu.memref_slice %arg5[%dma_wait3A_258, %dma_wait3A_259, %dma_wait3A_260] : memref<2x80x128xi32, #tpu.memory_space<vmem>> -> memref<1x80x128xi32, #tpu.memory_space<vmem>>
    %dma_wait3A_262 = tpu.memref_squeeze %dma_wait3A_261 : memref<1x80x128xi32, #tpu.memory_space<vmem>> -> memref<80x128xi32, #tpu.memory_space<vmem>>
    %dma_wait3A_263 = arith.constant 0 : i32
    %dma_wait3A_264 = arith.constant 0 : i32
    %dma_wait3A_265 = tpu.memref_slice %arg2[%add3A, %dma_wait3A_263, %dma_wait3A_264] : memref<32x800x128xi32, #tpu.memory_space<hbm>> -> memref<1x80x128xi32, #tpu.memory_space<hbm>>
    %dma_wait3A_266 = tpu.memref_squeeze %dma_wait3A_265 : memref<1x80x128xi32, #tpu.memory_space<hbm>> -> memref<80x128xi32, #tpu.memory_space<hbm>>
    %dma_wait3A_267 = arith.constant 0 : i32
    %dma_wait3A_268 = arith.constant 0 : i32
    %dma_wait3A_269 = tpu.memref_slice %arg5[%dma_wait3A_258, %dma_wait3A_267, %dma_wait3A_268] : memref<2x80x128xi32, #tpu.memory_space<vmem>> -> memref<1x80x128xi32, #tpu.memory_space<vmem>>
    %dma_wait3A_270 = tpu.memref_squeeze %dma_wait3A_269 : memref<1x80x128xi32, #tpu.memory_space<vmem>> -> memref<80x128xi32, #tpu.memory_space<vmem>>
    %dma_wait3A_271 = arith.constant 0 : i32
    %dma_wait3A_272 = arith.constant 0 : i32
    %dma_wait3A_273 = tpu.memref_slice %arg2[%add3A, %dma_wait3A_271, %dma_wait3A_272] : memref<32x800x128xi32, #tpu.memory_space<hbm>> -> memref<1x80x128xi32, #tpu.memory_space<hbm>>
    %dma_wait3A_274 = tpu.memref_squeeze %dma_wait3A_273 : memref<1x80x128xi32, #tpu.memory_space<hbm>> -> memref<80x128xi32, #tpu.memory_space<hbm>>
    tpu.wait_dma2 semaphore(%arg9 : memref<!tpu.dma_semaphore, #tpu.memory_space<semaphore_mem>>) src(%dma_wait3A_274 : memref<80x128xi32, #tpu.memory_space<hbm>>) dst(%dma_wait3A_270 : memref<80x128xi32, #tpu.memory_space<vmem>>)
    %dma_start3A_275 = arith.constant 0 : i32
    %dma_start3A_276 = arith.constant 0 : i32
    %dma_start3A_277 = arith.constant 0 : i32
    %dma_start3A_278 = tpu.memref_slice %arg5[%dma_start3A_275, %dma_start3A_276, %dma_start3A_277] : memref<2x80x128xi32, #tpu.memory_space<vmem>> -> memref<1x80x128xi32, #tpu.memory_space<vmem>>
    %dma_start3A_279 = tpu.memref_squeeze %dma_start3A_278 : memref<1x80x128xi32, #tpu.memory_space<vmem>> -> memref<80x128xi32, #tpu.memory_space<vmem>>
    %dma_start3A_280 = arith.constant 320 : i32
    %dma_start3A_281 = arith.constant 0 : i32
    %dma_start3A_282 = tpu.memref_slice %arg2[%add3A, %dma_start3A_280, %dma_start3A_281] : memref<32x800x128xi32, #tpu.memory_space<hbm>> -> memref<1x80x128xi32, #tpu.memory_space<hbm>>
    %dma_start3A_283 = tpu.memref_squeeze %dma_start3A_282 : memref<1x80x128xi32, #tpu.memory_space<hbm>> -> memref<80x128xi32, #tpu.memory_space<hbm>>
    %dma_start3A_284 = arith.constant 0 : i32
    %dma_start3A_285 = arith.constant 0 : i32
    %dma_start3A_286 = tpu.memref_slice %arg5[%dma_start3A_275, %dma_start3A_284, %dma_start3A_285] : memref<2x80x128xi32, #tpu.memory_space<vmem>> -> memref<1x80x128xi32, #tpu.memory_space<vmem>>
    %dma_start3A_287 = tpu.memref_squeeze %dma_start3A_286 : memref<1x80x128xi32, #tpu.memory_space<vmem>> -> memref<80x128xi32, #tpu.memory_space<vmem>>
    %dma_start3A_288 = arith.constant 320 : i32
    %dma_start3A_289 = arith.constant 0 : i32
    %dma_start3A_290 = tpu.memref_slice %arg2[%add3A, %dma_start3A_288, %dma_start3A_289] : memref<32x800x128xi32, #tpu.memory_space<hbm>> -> memref<1x80x128xi32, #tpu.memory_space<hbm>>
    %dma_start3A_291 = tpu.memref_squeeze %dma_start3A_290 : memref<1x80x128xi32, #tpu.memory_space<hbm>> -> memref<80x128xi32, #tpu.memory_space<hbm>>
    tpu.enqueue_dma source(%dma_start3A_291 : memref<80x128xi32, #tpu.memory_space<hbm>>) target(%dma_start3A_287 : memref<80x128xi32, #tpu.memory_space<vmem>>) target_semaphore(%arg9 : memref<!tpu.dma_semaphore, #tpu.memory_space<semaphore_mem>>)
    %dma_wait3A_292 = arith.constant 1 : i32
    %dma_wait3A_293 = arith.constant 0 : i32
    %dma_wait3A_294 = arith.constant 0 : i32
    %dma_wait3A_295 = tpu.memref_slice %arg6[%dma_wait3A_292, %dma_wait3A_293, %dma_wait3A_294] : memref<2x80x128xi32, #tpu.memory_space<vmem>> -> memref<1x80x128xi32, #tpu.memory_space<vmem>>
    %dma_wait3A_296 = tpu.memref_squeeze %dma_wait3A_295 : memref<1x80x128xi32, #tpu.memory_space<vmem>> -> memref<80x128xi32, #tpu.memory_space<vmem>>
    %dma_wait3A_297 = arith.constant 0 : i32
    %dma_wait3A_298 = arith.constant 0 : i32
    %dma_wait3A_299 = tpu.memref_slice %arg2[%add3A, %dma_wait3A_297, %dma_wait3A_298] : memref<32x800x128xi32, #tpu.memory_space<hbm>> -> memref<1x80x128xi32, #tpu.memory_space<hbm>>
    %dma_wait3A_300 = tpu.memref_squeeze %dma_wait3A_299 : memref<1x80x128xi32, #tpu.memory_space<hbm>> -> memref<80x128xi32, #tpu.memory_space<hbm>>
    %dma_wait3A_301 = arith.constant 0 : i32
    %dma_wait3A_302 = arith.constant 0 : i32
    %dma_wait3A_303 = tpu.memref_slice %arg6[%dma_wait3A_292, %dma_wait3A_301, %dma_wait3A_302] : memref<2x80x128xi32, #tpu.memory_space<vmem>> -> memref<1x80x128xi32, #tpu.memory_space<vmem>>
    %dma_wait3A_304 = tpu.memref_squeeze %dma_wait3A_303 : memref<1x80x128xi32, #tpu.memory_space<vmem>> -> memref<80x128xi32, #tpu.memory_space<vmem>>
    %dma_wait3A_305 = arith.constant 0 : i32
    %dma_wait3A_306 = arith.constant 0 : i32
    %dma_wait3A_307 = tpu.memref_slice %arg2[%add3A, %dma_wait3A_305, %dma_wait3A_306] : memref<32x800x128xi32, #tpu.memory_space<hbm>> -> memref<1x80x128xi32, #tpu.memory_space<hbm>>
    %dma_wait3A_308 = tpu.memref_squeeze %dma_wait3A_307 : memref<1x80x128xi32, #tpu.memory_space<hbm>> -> memref<80x128xi32, #tpu.memory_space<hbm>>
    tpu.wait_dma2 semaphore(%arg10 : memref<!tpu.dma_semaphore, #tpu.memory_space<semaphore_mem>>) src(%dma_wait3A_308 : memref<80x128xi32, #tpu.memory_space<hbm>>) dst(%dma_wait3A_304 : memref<80x128xi32, #tpu.memory_space<vmem>>)
    %scan3A_309 = arith.constant 0 : i32
    %scan3A_310 = arith.constant 0 : i32
    %scan3A_311 = arith.constant 80 : i32
    %scan3A_312 = arith.addi %scan3A_310, %scan3A_311 : i32
    %scan3A_313 = arith.constant 1 : i32
    scf.for %scan3A_912 = %scan3A_310 to %scan3A_312 step %scan3A_313  : i32 {
      %dma_start3A_913 = arith.constant 1 : i32
      %dma_start3A_914 = arith.constant 1 : i32
      %dma_start3A_915 = arith.constant 0 : i32
      %dma_start3A_916 = tpu.memref_slice %arg6[%dma_start3A_914, %scan3A_912, %dma_start3A_915] : memref<2x80x128xi32, #tpu.memory_space<vmem>> -> memref<1x1x128xi32, #tpu.memory_space<vmem>>
      %dma_start3A_917 = tpu.memref_squeeze %dma_start3A_916 : memref<1x1x128xi32, #tpu.memory_space<vmem>> -> memref<128xi32, #tpu.memory_space<vmem>>
      %dma_start3A_918 = arith.constant 0 : i32
      %dma_start3A_919 = tpu.memref_slice %arg5[%dma_start3A_913, %scan3A_912, %dma_start3A_918] : memref<2x80x128xi32, #tpu.memory_space<vmem>> -> memref<1x1x128xi32, #tpu.memory_space<vmem>>
      %dma_start3A_920 = tpu.memref_squeeze %dma_start3A_919 : memref<1x1x128xi32, #tpu.memory_space<vmem>> -> memref<128xi32, #tpu.memory_space<vmem>>
      %dma_start3A_921 = arith.constant 0 : i32
      %dma_start3A_922 = tpu.memref_slice %arg7[%dma_start3A_921] : memref<1015808xi32, #tpu.memory_space<vmem_shared>> -> memref<1015808xi32, #tpu.memory_space<vmem_shared>>
      tpu.enqueue_indirect_dma source(%dma_start3A_922 : memref<1015808xi32, #tpu.memory_space<vmem_shared>>) target(%dma_start3A_917 : memref<128xi32, #tpu.memory_space<vmem>>) offsets(%dma_start3A_920 : memref<128xi32, #tpu.memory_space<vmem>>) semaphore(%arg8 : memref<!tpu.dma_semaphore, #tpu.memory_space<semaphore_mem>>)
    }
    %scan3A_314 = arith.constant 80 : i32
    %dma_wait3A_315 = arith.constant 1 : i32
    %dma_wait3A_316 = arith.constant 0 : i32
    %dma_wait3A_317 = arith.constant 0 : i32
    %dma_wait3A_318 = tpu.memref_slice %arg6[%dma_wait3A_315, %dma_wait3A_316, %dma_wait3A_317] : memref<2x80x128xi32, #tpu.memory_space<vmem>> -> memref<1x80x128xi32, #tpu.memory_space<vmem>>
    %dma_wait3A_319 = tpu.memref_squeeze %dma_wait3A_318 : memref<1x80x128xi32, #tpu.memory_space<vmem>> -> memref<80x128xi32, #tpu.memory_space<vmem>>
    %dma_wait3A_320 = arith.constant 0 : i32
    %dma_wait3A_321 = arith.constant 0 : i32
    %dma_wait3A_322 = tpu.memref_slice %arg2[%add3A, %dma_wait3A_320, %dma_wait3A_321] : memref<32x800x128xi32, #tpu.memory_space<hbm>> -> memref<1x80x128xi32, #tpu.memory_space<hbm>>
    %dma_wait3A_323 = tpu.memref_squeeze %dma_wait3A_322 : memref<1x80x128xi32, #tpu.memory_space<hbm>> -> memref<80x128xi32, #tpu.memory_space<hbm>>
    %dma_wait3A_324 = arith.constant 0 : i32
    %dma_wait3A_325 = arith.constant 0 : i32
    %dma_wait3A_326 = tpu.memref_slice %arg6[%dma_wait3A_315, %dma_wait3A_324, %dma_wait3A_325] : memref<2x80x128xi32, #tpu.memory_space<vmem>> -> memref<1x80x128xi32, #tpu.memory_space<vmem>>
    %dma_wait3A_327 = tpu.memref_squeeze %dma_wait3A_326 : memref<1x80x128xi32, #tpu.memory_space<vmem>> -> memref<80x128xi32, #tpu.memory_space<vmem>>
    %dma_wait3A_328 = arith.constant 0 : i32
    %dma_wait3A_329 = arith.constant 0 : i32
    %dma_wait3A_330 = tpu.memref_slice %arg2[%add3A, %dma_wait3A_328, %dma_wait3A_329] : memref<32x800x128xi32, #tpu.memory_space<hbm>> -> memref<1x80x128xi32, #tpu.memory_space<hbm>>
    %dma_wait3A_331 = tpu.memref_squeeze %dma_wait3A_330 : memref<1x80x128xi32, #tpu.memory_space<hbm>> -> memref<80x128xi32, #tpu.memory_space<hbm>>
    tpu.wait_dma2 semaphore(%arg8 : memref<!tpu.dma_semaphore, #tpu.memory_space<semaphore_mem>>) src(%dma_wait3A_331 : memref<80x128xi32, #tpu.memory_space<hbm>>) dst(%dma_wait3A_327 : memref<80x128xi32, #tpu.memory_space<vmem>>)
    %dma_start3A_332 = arith.constant 1 : i32
    %dma_start3A_333 = arith.constant 0 : i32
    %dma_start3A_334 = arith.constant 0 : i32
    %dma_start3A_335 = tpu.memref_slice %arg6[%dma_start3A_332, %dma_start3A_333, %dma_start3A_334] : memref<2x80x128xi32, #tpu.memory_space<vmem>> -> memref<1x80x128xi32, #tpu.memory_space<vmem>>
    %dma_start3A_336 = tpu.memref_squeeze %dma_start3A_335 : memref<1x80x128xi32, #tpu.memory_space<vmem>> -> memref<80x128xi32, #tpu.memory_space<vmem>>
    %dma_start3A_337 = arith.constant 240 : i32
    %dma_start3A_338 = arith.constant 0 : i32
    %dma_start3A_339 = tpu.memref_slice %arg4[%add3A, %dma_start3A_337, %dma_start3A_338] : memref<32x800x128xi32, #tpu.memory_space<hbm>> -> memref<1x80x128xi32, #tpu.memory_space<hbm>>
    %dma_start3A_340 = tpu.memref_squeeze %dma_start3A_339 : memref<1x80x128xi32, #tpu.memory_space<hbm>> -> memref<80x128xi32, #tpu.memory_space<hbm>>
    %dma_start3A_341 = arith.constant 240 : i32
    %dma_start3A_342 = arith.constant 0 : i32
    %dma_start3A_343 = tpu.memref_slice %arg4[%add3A, %dma_start3A_341, %dma_start3A_342] : memref<32x800x128xi32, #tpu.memory_space<hbm>> -> memref<1x80x128xi32, #tpu.memory_space<hbm>>
    %dma_start3A_344 = tpu.memref_squeeze %dma_start3A_343 : memref<1x80x128xi32, #tpu.memory_space<hbm>> -> memref<80x128xi32, #tpu.memory_space<hbm>>
    %dma_start3A_345 = arith.constant 0 : i32
    %dma_start3A_346 = arith.constant 0 : i32
    %dma_start3A_347 = tpu.memref_slice %arg6[%dma_start3A_332, %dma_start3A_345, %dma_start3A_346] : memref<2x80x128xi32, #tpu.memory_space<vmem>> -> memref<1x80x128xi32, #tpu.memory_space<vmem>>
    %dma_start3A_348 = tpu.memref_squeeze %dma_start3A_347 : memref<1x80x128xi32, #tpu.memory_space<vmem>> -> memref<80x128xi32, #tpu.memory_space<vmem>>
    tpu.enqueue_dma source(%dma_start3A_348 : memref<80x128xi32, #tpu.memory_space<vmem>>) target(%dma_start3A_344 : memref<80x128xi32, #tpu.memory_space<hbm>>) target_semaphore(%arg10 : memref<!tpu.dma_semaphore, #tpu.memory_space<semaphore_mem>>)
    %dma_wait3A_349 = arith.constant 0 : i32
    %dma_wait3A_350 = arith.constant 0 : i32
    %dma_wait3A_351 = arith.constant 0 : i32
    %dma_wait3A_352 = tpu.memref_slice %arg5[%dma_wait3A_349, %dma_wait3A_350, %dma_wait3A_351] : memref<2x80x128xi32, #tpu.memory_space<vmem>> -> memref<1x80x128xi32, #tpu.memory_space<vmem>>
    %dma_wait3A_353 = tpu.memref_squeeze %dma_wait3A_352 : memref<1x80x128xi32, #tpu.memory_space<vmem>> -> memref<80x128xi32, #tpu.memory_space<vmem>>
    %dma_wait3A_354 = arith.constant 0 : i32
    %dma_wait3A_355 = arith.constant 0 : i32
    %dma_wait3A_356 = tpu.memref_slice %arg2[%add3A, %dma_wait3A_354, %dma_wait3A_355] : memref<32x800x128xi32, #tpu.memory_space<hbm>> -> memref<1x80x128xi32, #tpu.memory_space<hbm>>
    %dma_wait3A_357 = tpu.memref_squeeze %dma_wait3A_356 : memref<1x80x128xi32, #tpu.memory_space<hbm>> -> memref<80x128xi32, #tpu.memory_space<hbm>>
    %dma_wait3A_358 = arith.constant 0 : i32
    %dma_wait3A_359 = arith.constant 0 : i32
    %dma_wait3A_360 = tpu.memref_slice %arg5[%dma_wait3A_349, %dma_wait3A_358, %dma_wait3A_359] : memref<2x80x128xi32, #tpu.memory_space<vmem>> -> memref<1x80x128xi32, #tpu.memory_space<vmem>>
    %dma_wait3A_361 = tpu.memref_squeeze %dma_wait3A_360 : memref<1x80x128xi32, #tpu.memory_space<vmem>> -> memref<80x128xi32, #tpu.memory_space<vmem>>
    %dma_wait3A_362 = arith.constant 0 : i32
    %dma_wait3A_363 = arith.constant 0 : i32
    %dma_wait3A_364 = tpu.memref_slice %arg2[%add3A, %dma_wait3A_362, %dma_wait3A_363] : memref<32x800x128xi32, #tpu.memory_space<hbm>> -> memref<1x80x128xi32, #tpu.memory_space<hbm>>
    %dma_wait3A_365 = tpu.memref_squeeze %dma_wait3A_364 : memref<1x80x128xi32, #tpu.memory_space<hbm>> -> memref<80x128xi32, #tpu.memory_space<hbm>>
    tpu.wait_dma2 semaphore(%arg9 : memref<!tpu.dma_semaphore, #tpu.memory_space<semaphore_mem>>) src(%dma_wait3A_365 : memref<80x128xi32, #tpu.memory_space<hbm>>) dst(%dma_wait3A_361 : memref<80x128xi32, #tpu.memory_space<vmem>>)
    %dma_start3A_366 = arith.constant 1 : i32
    %dma_start3A_367 = arith.constant 0 : i32
    %dma_start3A_368 = arith.constant 0 : i32
    %dma_start3A_369 = tpu.memref_slice %arg5[%dma_start3A_366, %dma_start3A_367, %dma_start3A_368] : memref<2x80x128xi32, #tpu.memory_space<vmem>> -> memref<1x80x128xi32, #tpu.memory_space<vmem>>
    %dma_start3A_370 = tpu.memref_squeeze %dma_start3A_369 : memref<1x80x128xi32, #tpu.memory_space<vmem>> -> memref<80x128xi32, #tpu.memory_space<vmem>>
    %dma_start3A_371 = arith.constant 400 : i32
    %dma_start3A_372 = arith.constant 0 : i32
    %dma_start3A_373 = tpu.memref_slice %arg2[%add3A, %dma_start3A_371, %dma_start3A_372] : memref<32x800x128xi32, #tpu.memory_space<hbm>> -> memref<1x80x128xi32, #tpu.memory_space<hbm>>
    %dma_start3A_374 = tpu.memref_squeeze %dma_start3A_373 : memref<1x80x128xi32, #tpu.memory_space<hbm>> -> memref<80x128xi32, #tpu.memory_space<hbm>>
    %dma_start3A_375 = arith.constant 0 : i32
    %dma_start3A_376 = arith.constant 0 : i32
    %dma_start3A_377 = tpu.memref_slice %arg5[%dma_start3A_366, %dma_start3A_375, %dma_start3A_376] : memref<2x80x128xi32, #tpu.memory_space<vmem>> -> memref<1x80x128xi32, #tpu.memory_space<vmem>>
    %dma_start3A_378 = tpu.memref_squeeze %dma_start3A_377 : memref<1x80x128xi32, #tpu.memory_space<vmem>> -> memref<80x128xi32, #tpu.memory_space<vmem>>
    %dma_start3A_379 = arith.constant 400 : i32
    %dma_start3A_380 = arith.constant 0 : i32
    %dma_start3A_381 = tpu.memref_slice %arg2[%add3A, %dma_start3A_379, %dma_start3A_380] : memref<32x800x128xi32, #tpu.memory_space<hbm>> -> memref<1x80x128xi32, #tpu.memory_space<hbm>>
    %dma_start3A_382 = tpu.memref_squeeze %dma_start3A_381 : memref<1x80x128xi32, #tpu.memory_space<hbm>> -> memref<80x128xi32, #tpu.memory_space<hbm>>
    tpu.enqueue_dma source(%dma_start3A_382 : memref<80x128xi32, #tpu.memory_space<hbm>>) target(%dma_start3A_378 : memref<80x128xi32, #tpu.memory_space<vmem>>) target_semaphore(%arg9 : memref<!tpu.dma_semaphore, #tpu.memory_space<semaphore_mem>>)
    %dma_wait3A_383 = arith.constant 0 : i32
    %dma_wait3A_384 = arith.constant 0 : i32
    %dma_wait3A_385 = arith.constant 0 : i32
    %dma_wait3A_386 = tpu.memref_slice %arg6[%dma_wait3A_383, %dma_wait3A_384, %dma_wait3A_385] : memref<2x80x128xi32, #tpu.memory_space<vmem>> -> memref<1x80x128xi32, #tpu.memory_space<vmem>>
    %dma_wait3A_387 = tpu.memref_squeeze %dma_wait3A_386 : memref<1x80x128xi32, #tpu.memory_space<vmem>> -> memref<80x128xi32, #tpu.memory_space<vmem>>
    %dma_wait3A_388 = arith.constant 0 : i32
    %dma_wait3A_389 = arith.constant 0 : i32
    %dma_wait3A_390 = tpu.memref_slice %arg2[%add3A, %dma_wait3A_388, %dma_wait3A_389] : memref<32x800x128xi32, #tpu.memory_space<hbm>> -> memref<1x80x128xi32, #tpu.memory_space<hbm>>
    %dma_wait3A_391 = tpu.memref_squeeze %dma_wait3A_390 : memref<1x80x128xi32, #tpu.memory_space<hbm>> -> memref<80x128xi32, #tpu.memory_space<hbm>>
    %dma_wait3A_392 = arith.constant 0 : i32
    %dma_wait3A_393 = arith.constant 0 : i32
    %dma_wait3A_394 = tpu.memref_slice %arg6[%dma_wait3A_383, %dma_wait3A_392, %dma_wait3A_393] : memref<2x80x128xi32, #tpu.memory_space<vmem>> -> memref<1x80x128xi32, #tpu.memory_space<vmem>>
    %dma_wait3A_395 = tpu.memref_squeeze %dma_wait3A_394 : memref<1x80x128xi32, #tpu.memory_space<vmem>> -> memref<80x128xi32, #tpu.memory_space<vmem>>
    %dma_wait3A_396 = arith.constant 0 : i32
    %dma_wait3A_397 = arith.constant 0 : i32
    %dma_wait3A_398 = tpu.memref_slice %arg2[%add3A, %dma_wait3A_396, %dma_wait3A_397] : memref<32x800x128xi32, #tpu.memory_space<hbm>> -> memref<1x80x128xi32, #tpu.memory_space<hbm>>
    %dma_wait3A_399 = tpu.memref_squeeze %dma_wait3A_398 : memref<1x80x128xi32, #tpu.memory_space<hbm>> -> memref<80x128xi32, #tpu.memory_space<hbm>>
    tpu.wait_dma2 semaphore(%arg10 : memref<!tpu.dma_semaphore, #tpu.memory_space<semaphore_mem>>) src(%dma_wait3A_399 : memref<80x128xi32, #tpu.memory_space<hbm>>) dst(%dma_wait3A_395 : memref<80x128xi32, #tpu.memory_space<vmem>>)
    %scan3A_400 = arith.constant 0 : i32
    %scan3A_401 = arith.constant 0 : i32
    %scan3A_402 = arith.constant 80 : i32
    %scan3A_403 = arith.addi %scan3A_401, %scan3A_402 : i32
    %scan3A_404 = arith.constant 1 : i32
    scf.for %scan3A_912 = %scan3A_401 to %scan3A_403 step %scan3A_404  : i32 {
      %dma_start3A_913 = arith.constant 0 : i32
      %dma_start3A_914 = arith.constant 0 : i32
      %dma_start3A_915 = arith.constant 0 : i32
      %dma_start3A_916 = tpu.memref_slice %arg6[%dma_start3A_914, %scan3A_912, %dma_start3A_915] : memref<2x80x128xi32, #tpu.memory_space<vmem>> -> memref<1x1x128xi32, #tpu.memory_space<vmem>>
      %dma_start3A_917 = tpu.memref_squeeze %dma_start3A_916 : memref<1x1x128xi32, #tpu.memory_space<vmem>> -> memref<128xi32, #tpu.memory_space<vmem>>
      %dma_start3A_918 = arith.constant 0 : i32
      %dma_start3A_919 = tpu.memref_slice %arg5[%dma_start3A_913, %scan3A_912, %dma_start3A_918] : memref<2x80x128xi32, #tpu.memory_space<vmem>> -> memref<1x1x128xi32, #tpu.memory_space<vmem>>
      %dma_start3A_920 = tpu.memref_squeeze %dma_start3A_919 : memref<1x1x128xi32, #tpu.memory_space<vmem>> -> memref<128xi32, #tpu.memory_space<vmem>>
      %dma_start3A_921 = arith.constant 0 : i32
      %dma_start3A_922 = tpu.memref_slice %arg7[%dma_start3A_921] : memref<1015808xi32, #tpu.memory_space<vmem_shared>> -> memref<1015808xi32, #tpu.memory_space<vmem_shared>>
      tpu.enqueue_indirect_dma source(%dma_start3A_922 : memref<1015808xi32, #tpu.memory_space<vmem_shared>>) target(%dma_start3A_917 : memref<128xi32, #tpu.memory_space<vmem>>) offsets(%dma_start3A_920 : memref<128xi32, #tpu.memory_space<vmem>>) semaphore(%arg8 : memref<!tpu.dma_semaphore, #tpu.memory_space<semaphore_mem>>)
    }
    %scan3A_405 = arith.constant 80 : i32
    %dma_wait3A_406 = arith.constant 0 : i32
    %dma_wait3A_407 = arith.constant 0 : i32
    %dma_wait3A_408 = arith.constant 0 : i32
    %dma_wait3A_409 = tpu.memref_slice %arg6[%dma_wait3A_406, %dma_wait3A_407, %dma_wait3A_408] : memref<2x80x128xi32, #tpu.memory_space<vmem>> -> memref<1x80x128xi32, #tpu.memory_space<vmem>>
    %dma_wait3A_410 = tpu.memref_squeeze %dma_wait3A_409 : memref<1x80x128xi32, #tpu.memory_space<vmem>> -> memref<80x128xi32, #tpu.memory_space<vmem>>
    %dma_wait3A_411 = arith.constant 0 : i32
    %dma_wait3A_412 = arith.constant 0 : i32
    %dma_wait3A_413 = tpu.memref_slice %arg2[%add3A, %dma_wait3A_411, %dma_wait3A_412] : memref<32x800x128xi32, #tpu.memory_space<hbm>> -> memref<1x80x128xi32, #tpu.memory_space<hbm>>
    %dma_wait3A_414 = tpu.memref_squeeze %dma_wait3A_413 : memref<1x80x128xi32, #tpu.memory_space<hbm>> -> memref<80x128xi32, #tpu.memory_space<hbm>>
    %dma_wait3A_415 = arith.constant 0 : i32
    %dma_wait3A_416 = arith.constant 0 : i32
    %dma_wait3A_417 = tpu.memref_slice %arg6[%dma_wait3A_406, %dma_wait3A_415, %dma_wait3A_416] : memref<2x80x128xi32, #tpu.memory_space<vmem>> -> memref<1x80x128xi32, #tpu.memory_space<vmem>>
    %dma_wait3A_418 = tpu.memref_squeeze %dma_wait3A_417 : memref<1x80x128xi32, #tpu.memory_space<vmem>> -> memref<80x128xi32, #tpu.memory_space<vmem>>
    %dma_wait3A_419 = arith.constant 0 : i32
    %dma_wait3A_420 = arith.constant 0 : i32
    %dma_wait3A_421 = tpu.memref_slice %arg2[%add3A, %dma_wait3A_419, %dma_wait3A_420] : memref<32x800x128xi32, #tpu.memory_space<hbm>> -> memref<1x80x128xi32, #tpu.memory_space<hbm>>
    %dma_wait3A_422 = tpu.memref_squeeze %dma_wait3A_421 : memref<1x80x128xi32, #tpu.memory_space<hbm>> -> memref<80x128xi32, #tpu.memory_space<hbm>>
    tpu.wait_dma2 semaphore(%arg8 : memref<!tpu.dma_semaphore, #tpu.memory_space<semaphore_mem>>) src(%dma_wait3A_422 : memref<80x128xi32, #tpu.memory_space<hbm>>) dst(%dma_wait3A_418 : memref<80x128xi32, #tpu.memory_space<vmem>>)
    %dma_start3A_423 = arith.constant 0 : i32
    %dma_start3A_424 = arith.constant 0 : i32
    %dma_start3A_425 = arith.constant 0 : i32
    %dma_start3A_426 = tpu.memref_slice %arg6[%dma_start3A_423, %dma_start3A_424, %dma_start3A_425] : memref<2x80x128xi32, #tpu.memory_space<vmem>> -> memref<1x80x128xi32, #tpu.memory_space<vmem>>
    %dma_start3A_427 = tpu.memref_squeeze %dma_start3A_426 : memref<1x80x128xi32, #tpu.memory_space<vmem>> -> memref<80x128xi32, #tpu.memory_space<vmem>>
    %dma_start3A_428 = arith.constant 320 : i32
    %dma_start3A_429 = arith.constant 0 : i32
    %dma_start3A_430 = tpu.memref_slice %arg4[%add3A, %dma_start3A_428, %dma_start3A_429] : memref<32x800x128xi32, #tpu.memory_space<hbm>> -> memref<1x80x128xi32, #tpu.memory_space<hbm>>
    %dma_start3A_431 = tpu.memref_squeeze %dma_start3A_430 : memref<1x80x128xi32, #tpu.memory_space<hbm>> -> memref<80x128xi32, #tpu.memory_space<hbm>>
    %dma_start3A_432 = arith.constant 320 : i32
    %dma_start3A_433 = arith.constant 0 : i32
    %dma_start3A_434 = tpu.memref_slice %arg4[%add3A, %dma_start3A_432, %dma_start3A_433] : memref<32x800x128xi32, #tpu.memory_space<hbm>> -> memref<1x80x128xi32, #tpu.memory_space<hbm>>
    %dma_start3A_435 = tpu.memref_squeeze %dma_start3A_434 : memref<1x80x128xi32, #tpu.memory_space<hbm>> -> memref<80x128xi32, #tpu.memory_space<hbm>>
    %dma_start3A_436 = arith.constant 0 : i32
    %dma_start3A_437 = arith.constant 0 : i32
    %dma_start3A_438 = tpu.memref_slice %arg6[%dma_start3A_423, %dma_start3A_436, %dma_start3A_437] : memref<2x80x128xi32, #tpu.memory_space<vmem>> -> memref<1x80x128xi32, #tpu.memory_space<vmem>>
    %dma_start3A_439 = tpu.memref_squeeze %dma_start3A_438 : memref<1x80x128xi32, #tpu.memory_space<vmem>> -> memref<80x128xi32, #tpu.memory_space<vmem>>
    tpu.enqueue_dma source(%dma_start3A_439 : memref<80x128xi32, #tpu.memory_space<vmem>>) target(%dma_start3A_435 : memref<80x128xi32, #tpu.memory_space<hbm>>) target_semaphore(%arg10 : memref<!tpu.dma_semaphore, #tpu.memory_space<semaphore_mem>>)
    %dma_wait3A_440 = arith.constant 1 : i32
    %dma_wait3A_441 = arith.constant 0 : i32
    %dma_wait3A_442 = arith.constant 0 : i32
    %dma_wait3A_443 = tpu.memref_slice %arg5[%dma_wait3A_440, %dma_wait3A_441, %dma_wait3A_442] : memref<2x80x128xi32, #tpu.memory_space<vmem>> -> memref<1x80x128xi32, #tpu.memory_space<vmem>>
    %dma_wait3A_444 = tpu.memref_squeeze %dma_wait3A_443 : memref<1x80x128xi32, #tpu.memory_space<vmem>> -> memref<80x128xi32, #tpu.memory_space<vmem>>
    %dma_wait3A_445 = arith.constant 0 : i32
    %dma_wait3A_446 = arith.constant 0 : i32
    %dma_wait3A_447 = tpu.memref_slice %arg2[%add3A, %dma_wait3A_445, %dma_wait3A_446] : memref<32x800x128xi32, #tpu.memory_space<hbm>> -> memref<1x80x128xi32, #tpu.memory_space<hbm>>
    %dma_wait3A_448 = tpu.memref_squeeze %dma_wait3A_447 : memref<1x80x128xi32, #tpu.memory_space<hbm>> -> memref<80x128xi32, #tpu.memory_space<hbm>>
    %dma_wait3A_449 = arith.constant 0 : i32
    %dma_wait3A_450 = arith.constant 0 : i32
    %dma_wait3A_451 = tpu.memref_slice %arg5[%dma_wait3A_440, %dma_wait3A_449, %dma_wait3A_450] : memref<2x80x128xi32, #tpu.memory_space<vmem>> -> memref<1x80x128xi32, #tpu.memory_space<vmem>>
    %dma_wait3A_452 = tpu.memref_squeeze %dma_wait3A_451 : memref<1x80x128xi32, #tpu.memory_space<vmem>> -> memref<80x128xi32, #tpu.memory_space<vmem>>
    %dma_wait3A_453 = arith.constant 0 : i32
    %dma_wait3A_454 = arith.constant 0 : i32
    %dma_wait3A_455 = tpu.memref_slice %arg2[%add3A, %dma_wait3A_453, %dma_wait3A_454] : memref<32x800x128xi32, #tpu.memory_space<hbm>> -> memref<1x80x128xi32, #tpu.memory_space<hbm>>
    %dma_wait3A_456 = tpu.memref_squeeze %dma_wait3A_455 : memref<1x80x128xi32, #tpu.memory_space<hbm>> -> memref<80x128xi32, #tpu.memory_space<hbm>>
    tpu.wait_dma2 semaphore(%arg9 : memref<!tpu.dma_semaphore, #tpu.memory_space<semaphore_mem>>) src(%dma_wait3A_456 : memref<80x128xi32, #tpu.memory_space<hbm>>) dst(%dma_wait3A_452 : memref<80x128xi32, #tpu.memory_space<vmem>>)
    %dma_start3A_457 = arith.constant 0 : i32
    %dma_start3A_458 = arith.constant 0 : i32
    %dma_start3A_459 = arith.constant 0 : i32
    %dma_start3A_460 = tpu.memref_slice %arg5[%dma_start3A_457, %dma_start3A_458, %dma_start3A_459] : memref<2x80x128xi32, #tpu.memory_space<vmem>> -> memref<1x80x128xi32, #tpu.memory_space<vmem>>
    %dma_start3A_461 = tpu.memref_squeeze %dma_start3A_460 : memref<1x80x128xi32, #tpu.memory_space<vmem>> -> memref<80x128xi32, #tpu.memory_space<vmem>>
    %dma_start3A_462 = arith.constant 480 : i32
    %dma_start3A_463 = arith.constant 0 : i32
    %dma_start3A_464 = tpu.memref_slice %arg2[%add3A, %dma_start3A_462, %dma_start3A_463] : memref<32x800x128xi32, #tpu.memory_space<hbm>> -> memref<1x80x128xi32, #tpu.memory_space<hbm>>
    %dma_start3A_465 = tpu.memref_squeeze %dma_start3A_464 : memref<1x80x128xi32, #tpu.memory_space<hbm>> -> memref<80x128xi32, #tpu.memory_space<hbm>>
    %dma_start3A_466 = arith.constant 0 : i32
    %dma_start3A_467 = arith.constant 0 : i32
    %dma_start3A_468 = tpu.memref_slice %arg5[%dma_start3A_457, %dma_start3A_466, %dma_start3A_467] : memref<2x80x128xi32, #tpu.memory_space<vmem>> -> memref<1x80x128xi32, #tpu.memory_space<vmem>>
    %dma_start3A_469 = tpu.memref_squeeze %dma_start3A_468 : memref<1x80x128xi32, #tpu.memory_space<vmem>> -> memref<80x128xi32, #tpu.memory_space<vmem>>
    %dma_start3A_470 = arith.constant 480 : i32
    %dma_start3A_471 = arith.constant 0 : i32
    %dma_start3A_472 = tpu.memref_slice %arg2[%add3A, %dma_start3A_470, %dma_start3A_471] : memref<32x800x128xi32, #tpu.memory_space<hbm>> -> memref<1x80x128xi32, #tpu.memory_space<hbm>>
    %dma_start3A_473 = tpu.memref_squeeze %dma_start3A_472 : memref<1x80x128xi32, #tpu.memory_space<hbm>> -> memref<80x128xi32, #tpu.memory_space<hbm>>
    tpu.enqueue_dma source(%dma_start3A_473 : memref<80x128xi32, #tpu.memory_space<hbm>>) target(%dma_start3A_469 : memref<80x128xi32, #tpu.memory_space<vmem>>) target_semaphore(%arg9 : memref<!tpu.dma_semaphore, #tpu.memory_space<semaphore_mem>>)
    %dma_wait3A_474 = arith.constant 1 : i32
    %dma_wait3A_475 = arith.constant 0 : i32
    %dma_wait3A_476 = arith.constant 0 : i32
    %dma_wait3A_477 = tpu.memref_slice %arg6[%dma_wait3A_474, %dma_wait3A_475, %dma_wait3A_476] : memref<2x80x128xi32, #tpu.memory_space<vmem>> -> memref<1x80x128xi32, #tpu.memory_space<vmem>>
    %dma_wait3A_478 = tpu.memref_squeeze %dma_wait3A_477 : memref<1x80x128xi32, #tpu.memory_space<vmem>> -> memref<80x128xi32, #tpu.memory_space<vmem>>
    %dma_wait3A_479 = arith.constant 0 : i32
    %dma_wait3A_480 = arith.constant 0 : i32
    %dma_wait3A_481 = tpu.memref_slice %arg2[%add3A, %dma_wait3A_479, %dma_wait3A_480] : memref<32x800x128xi32, #tpu.memory_space<hbm>> -> memref<1x80x128xi32, #tpu.memory_space<hbm>>
    %dma_wait3A_482 = tpu.memref_squeeze %dma_wait3A_481 : memref<1x80x128xi32, #tpu.memory_space<hbm>> -> memref<80x128xi32, #tpu.memory_space<hbm>>
    %dma_wait3A_483 = arith.constant 0 : i32
    %dma_wait3A_484 = arith.constant 0 : i32
    %dma_wait3A_485 = tpu.memref_slice %arg6[%dma_wait3A_474, %dma_wait3A_483, %dma_wait3A_484] : memref<2x80x128xi32, #tpu.memory_space<vmem>> -> memref<1x80x128xi32, #tpu.memory_space<vmem>>
    %dma_wait3A_486 = tpu.memref_squeeze %dma_wait3A_485 : memref<1x80x128xi32, #tpu.memory_space<vmem>> -> memref<80x128xi32, #tpu.memory_space<vmem>>
    %dma_wait3A_487 = arith.constant 0 : i32
    %dma_wait3A_488 = arith.constant 0 : i32
    %dma_wait3A_489 = tpu.memref_slice %arg2[%add3A, %dma_wait3A_487, %dma_wait3A_488] : memref<32x800x128xi32, #tpu.memory_space<hbm>> -> memref<1x80x128xi32, #tpu.memory_space<hbm>>
    %dma_wait3A_490 = tpu.memref_squeeze %dma_wait3A_489 : memref<1x80x128xi32, #tpu.memory_space<hbm>> -> memref<80x128xi32, #tpu.memory_space<hbm>>
    tpu.wait_dma2 semaphore(%arg10 : memref<!tpu.dma_semaphore, #tpu.memory_space<semaphore_mem>>) src(%dma_wait3A_490 : memref<80x128xi32, #tpu.memory_space<hbm>>) dst(%dma_wait3A_486 : memref<80x128xi32, #tpu.memory_space<vmem>>)
    %scan3A_491 = arith.constant 0 : i32
    %scan3A_492 = arith.constant 0 : i32
    %scan3A_493 = arith.constant 80 : i32
    %scan3A_494 = arith.addi %scan3A_492, %scan3A_493 : i32
    %scan3A_495 = arith.constant 1 : i32
    scf.for %scan3A_912 = %scan3A_492 to %scan3A_494 step %scan3A_495  : i32 {
      %dma_start3A_913 = arith.constant 1 : i32
      %dma_start3A_914 = arith.constant 1 : i32
      %dma_start3A_915 = arith.constant 0 : i32
      %dma_start3A_916 = tpu.memref_slice %arg6[%dma_start3A_914, %scan3A_912, %dma_start3A_915] : memref<2x80x128xi32, #tpu.memory_space<vmem>> -> memref<1x1x128xi32, #tpu.memory_space<vmem>>
      %dma_start3A_917 = tpu.memref_squeeze %dma_start3A_916 : memref<1x1x128xi32, #tpu.memory_space<vmem>> -> memref<128xi32, #tpu.memory_space<vmem>>
      %dma_start3A_918 = arith.constant 0 : i32
      %dma_start3A_919 = tpu.memref_slice %arg5[%dma_start3A_913, %scan3A_912, %dma_start3A_918] : memref<2x80x128xi32, #tpu.memory_space<vmem>> -> memref<1x1x128xi32, #tpu.memory_space<vmem>>
      %dma_start3A_920 = tpu.memref_squeeze %dma_start3A_919 : memref<1x1x128xi32, #tpu.memory_space<vmem>> -> memref<128xi32, #tpu.memory_space<vmem>>
      %dma_start3A_921 = arith.constant 0 : i32
      %dma_start3A_922 = tpu.memref_slice %arg7[%dma_start3A_921] : memref<1015808xi32, #tpu.memory_space<vmem_shared>> -> memref<1015808xi32, #tpu.memory_space<vmem_shared>>
      tpu.enqueue_indirect_dma source(%dma_start3A_922 : memref<1015808xi32, #tpu.memory_space<vmem_shared>>) target(%dma_start3A_917 : memref<128xi32, #tpu.memory_space<vmem>>) offsets(%dma_start3A_920 : memref<128xi32, #tpu.memory_space<vmem>>) semaphore(%arg8 : memref<!tpu.dma_semaphore, #tpu.memory_space<semaphore_mem>>)
    }
    %scan3A_496 = arith.constant 80 : i32
    %dma_wait3A_497 = arith.constant 1 : i32
    %dma_wait3A_498 = arith.constant 0 : i32
    %dma_wait3A_499 = arith.constant 0 : i32
    %dma_wait3A_500 = tpu.memref_slice %arg6[%dma_wait3A_497, %dma_wait3A_498, %dma_wait3A_499] : memref<2x80x128xi32, #tpu.memory_space<vmem>> -> memref<1x80x128xi32, #tpu.memory_space<vmem>>
    %dma_wait3A_501 = tpu.memref_squeeze %dma_wait3A_500 : memref<1x80x128xi32, #tpu.memory_space<vmem>> -> memref<80x128xi32, #tpu.memory_space<vmem>>
    %dma_wait3A_502 = arith.constant 0 : i32
    %dma_wait3A_503 = arith.constant 0 : i32
    %dma_wait3A_504 = tpu.memref_slice %arg2[%add3A, %dma_wait3A_502, %dma_wait3A_503] : memref<32x800x128xi32, #tpu.memory_space<hbm>> -> memref<1x80x128xi32, #tpu.memory_space<hbm>>
    %dma_wait3A_505 = tpu.memref_squeeze %dma_wait3A_504 : memref<1x80x128xi32, #tpu.memory_space<hbm>> -> memref<80x128xi32, #tpu.memory_space<hbm>>
    %dma_wait3A_506 = arith.constant 0 : i32
    %dma_wait3A_507 = arith.constant 0 : i32
    %dma_wait3A_508 = tpu.memref_slice %arg6[%dma_wait3A_497, %dma_wait3A_506, %dma_wait3A_507] : memref<2x80x128xi32, #tpu.memory_space<vmem>> -> memref<1x80x128xi32, #tpu.memory_space<vmem>>
    %dma_wait3A_509 = tpu.memref_squeeze %dma_wait3A_508 : memref<1x80x128xi32, #tpu.memory_space<vmem>> -> memref<80x128xi32, #tpu.memory_space<vmem>>
    %dma_wait3A_510 = arith.constant 0 : i32
    %dma_wait3A_511 = arith.constant 0 : i32
    %dma_wait3A_512 = tpu.memref_slice %arg2[%add3A, %dma_wait3A_510, %dma_wait3A_511] : memref<32x800x128xi32, #tpu.memory_space<hbm>> -> memref<1x80x128xi32, #tpu.memory_space<hbm>>
    %dma_wait3A_513 = tpu.memref_squeeze %dma_wait3A_512 : memref<1x80x128xi32, #tpu.memory_space<hbm>> -> memref<80x128xi32, #tpu.memory_space<hbm>>
    tpu.wait_dma2 semaphore(%arg8 : memref<!tpu.dma_semaphore, #tpu.memory_space<semaphore_mem>>) src(%dma_wait3A_513 : memref<80x128xi32, #tpu.memory_space<hbm>>) dst(%dma_wait3A_509 : memref<80x128xi32, #tpu.memory_space<vmem>>)
    %dma_start3A_514 = arith.constant 1 : i32
    %dma_start3A_515 = arith.constant 0 : i32
    %dma_start3A_516 = arith.constant 0 : i32
    %dma_start3A_517 = tpu.memref_slice %arg6[%dma_start3A_514, %dma_start3A_515, %dma_start3A_516] : memref<2x80x128xi32, #tpu.memory_space<vmem>> -> memref<1x80x128xi32, #tpu.memory_space<vmem>>
    %dma_start3A_518 = tpu.memref_squeeze %dma_start3A_517 : memref<1x80x128xi32, #tpu.memory_space<vmem>> -> memref<80x128xi32, #tpu.memory_space<vmem>>
    %dma_start3A_519 = arith.constant 400 : i32
    %dma_start3A_520 = arith.constant 0 : i32
    %dma_start3A_521 = tpu.memref_slice %arg4[%add3A, %dma_start3A_519, %dma_start3A_520] : memref<32x800x128xi32, #tpu.memory_space<hbm>> -> memref<1x80x128xi32, #tpu.memory_space<hbm>>
    %dma_start3A_522 = tpu.memref_squeeze %dma_start3A_521 : memref<1x80x128xi32, #tpu.memory_space<hbm>> -> memref<80x128xi32, #tpu.memory_space<hbm>>
    %dma_start3A_523 = arith.constant 400 : i32
    %dma_start3A_524 = arith.constant 0 : i32
    %dma_start3A_525 = tpu.memref_slice %arg4[%add3A, %dma_start3A_523, %dma_start3A_524] : memref<32x800x128xi32, #tpu.memory_space<hbm>> -> memref<1x80x128xi32, #tpu.memory_space<hbm>>
    %dma_start3A_526 = tpu.memref_squeeze %dma_start3A_525 : memref<1x80x128xi32, #tpu.memory_space<hbm>> -> memref<80x128xi32, #tpu.memory_space<hbm>>
    %dma_start3A_527 = arith.constant 0 : i32
    %dma_start3A_528 = arith.constant 0 : i32
    %dma_start3A_529 = tpu.memref_slice %arg6[%dma_start3A_514, %dma_start3A_527, %dma_start3A_528] : memref<2x80x128xi32, #tpu.memory_space<vmem>> -> memref<1x80x128xi32, #tpu.memory_space<vmem>>
    %dma_start3A_530 = tpu.memref_squeeze %dma_start3A_529 : memref<1x80x128xi32, #tpu.memory_space<vmem>> -> memref<80x128xi32, #tpu.memory_space<vmem>>
    tpu.enqueue_dma source(%dma_start3A_530 : memref<80x128xi32, #tpu.memory_space<vmem>>) target(%dma_start3A_526 : memref<80x128xi32, #tpu.memory_space<hbm>>) target_semaphore(%arg10 : memref<!tpu.dma_semaphore, #tpu.memory_space<semaphore_mem>>)
    %dma_wait3A_531 = arith.constant 0 : i32
    %dma_wait3A_532 = arith.constant 0 : i32
    %dma_wait3A_533 = arith.constant 0 : i32
    %dma_wait3A_534 = tpu.memref_slice %arg5[%dma_wait3A_531, %dma_wait3A_532, %dma_wait3A_533] : memref<2x80x128xi32, #tpu.memory_space<vmem>> -> memref<1x80x128xi32, #tpu.memory_space<vmem>>
    %dma_wait3A_535 = tpu.memref_squeeze %dma_wait3A_534 : memref<1x80x128xi32, #tpu.memory_space<vmem>> -> memref<80x128xi32, #tpu.memory_space<vmem>>
    %dma_wait3A_536 = arith.constant 0 : i32
    %dma_wait3A_537 = arith.constant 0 : i32
    %dma_wait3A_538 = tpu.memref_slice %arg2[%add3A, %dma_wait3A_536, %dma_wait3A_537] : memref<32x800x128xi32, #tpu.memory_space<hbm>> -> memref<1x80x128xi32, #tpu.memory_space<hbm>>
    %dma_wait3A_539 = tpu.memref_squeeze %dma_wait3A_538 : memref<1x80x128xi32, #tpu.memory_space<hbm>> -> memref<80x128xi32, #tpu.memory_space<hbm>>
    %dma_wait3A_540 = arith.constant 0 : i32
    %dma_wait3A_541 = arith.constant 0 : i32
    %dma_wait3A_542 = tpu.memref_slice %arg5[%dma_wait3A_531, %dma_wait3A_540, %dma_wait3A_541] : memref<2x80x128xi32, #tpu.memory_space<vmem>> -> memref<1x80x128xi32, #tpu.memory_space<vmem>>
    %dma_wait3A_543 = tpu.memref_squeeze %dma_wait3A_542 : memref<1x80x128xi32, #tpu.memory_space<vmem>> -> memref<80x128xi32, #tpu.memory_space<vmem>>
    %dma_wait3A_544 = arith.constant 0 : i32
    %dma_wait3A_545 = arith.constant 0 : i32
    %dma_wait3A_546 = tpu.memref_slice %arg2[%add3A, %dma_wait3A_544, %dma_wait3A_545] : memref<32x800x128xi32, #tpu.memory_space<hbm>> -> memref<1x80x128xi32, #tpu.memory_space<hbm>>
    %dma_wait3A_547 = tpu.memref_squeeze %dma_wait3A_546 : memref<1x80x128xi32, #tpu.memory_space<hbm>> -> memref<80x128xi32, #tpu.memory_space<hbm>>
    tpu.wait_dma2 semaphore(%arg9 : memref<!tpu.dma_semaphore, #tpu.memory_space<semaphore_mem>>) src(%dma_wait3A_547 : memref<80x128xi32, #tpu.memory_space<hbm>>) dst(%dma_wait3A_543 : memref<80x128xi32, #tpu.memory_space<vmem>>)
    %dma_start3A_548 = arith.constant 1 : i32
    %dma_start3A_549 = arith.constant 0 : i32
    %dma_start3A_550 = arith.constant 0 : i32
    %dma_start3A_551 = tpu.memref_slice %arg5[%dma_start3A_548, %dma_start3A_549, %dma_start3A_550] : memref<2x80x128xi32, #tpu.memory_space<vmem>> -> memref<1x80x128xi32, #tpu.memory_space<vmem>>
    %dma_start3A_552 = tpu.memref_squeeze %dma_start3A_551 : memref<1x80x128xi32, #tpu.memory_space<vmem>> -> memref<80x128xi32, #tpu.memory_space<vmem>>
    %dma_start3A_553 = arith.constant 560 : i32
    %dma_start3A_554 = arith.constant 0 : i32
    %dma_start3A_555 = tpu.memref_slice %arg2[%add3A, %dma_start3A_553, %dma_start3A_554] : memref<32x800x128xi32, #tpu.memory_space<hbm>> -> memref<1x80x128xi32, #tpu.memory_space<hbm>>
    %dma_start3A_556 = tpu.memref_squeeze %dma_start3A_555 : memref<1x80x128xi32, #tpu.memory_space<hbm>> -> memref<80x128xi32, #tpu.memory_space<hbm>>
    %dma_start3A_557 = arith.constant 0 : i32
    %dma_start3A_558 = arith.constant 0 : i32
    %dma_start3A_559 = tpu.memref_slice %arg5[%dma_start3A_548, %dma_start3A_557, %dma_start3A_558] : memref<2x80x128xi32, #tpu.memory_space<vmem>> -> memref<1x80x128xi32, #tpu.memory_space<vmem>>
    %dma_start3A_560 = tpu.memref_squeeze %dma_start3A_559 : memref<1x80x128xi32, #tpu.memory_space<vmem>> -> memref<80x128xi32, #tpu.memory_space<vmem>>
    %dma_start3A_561 = arith.constant 560 : i32
    %dma_start3A_562 = arith.constant 0 : i32
    %dma_start3A_563 = tpu.memref_slice %arg2[%add3A, %dma_start3A_561, %dma_start3A_562] : memref<32x800x128xi32, #tpu.memory_space<hbm>> -> memref<1x80x128xi32, #tpu.memory_space<hbm>>
    %dma_start3A_564 = tpu.memref_squeeze %dma_start3A_563 : memref<1x80x128xi32, #tpu.memory_space<hbm>> -> memref<80x128xi32, #tpu.memory_space<hbm>>
    tpu.enqueue_dma source(%dma_start3A_564 : memref<80x128xi32, #tpu.memory_space<hbm>>) target(%dma_start3A_560 : memref<80x128xi32, #tpu.memory_space<vmem>>) target_semaphore(%arg9 : memref<!tpu.dma_semaphore, #tpu.memory_space<semaphore_mem>>)
    %dma_wait3A_565 = arith.constant 0 : i32
    %dma_wait3A_566 = arith.constant 0 : i32
    %dma_wait3A_567 = arith.constant 0 : i32
    %dma_wait3A_568 = tpu.memref_slice %arg6[%dma_wait3A_565, %dma_wait3A_566, %dma_wait3A_567] : memref<2x80x128xi32, #tpu.memory_space<vmem>> -> memref<1x80x128xi32, #tpu.memory_space<vmem>>
    %dma_wait3A_569 = tpu.memref_squeeze %dma_wait3A_568 : memref<1x80x128xi32, #tpu.memory_space<vmem>> -> memref<80x128xi32, #tpu.memory_space<vmem>>
    %dma_wait3A_570 = arith.constant 0 : i32
    %dma_wait3A_571 = arith.constant 0 : i32
    %dma_wait3A_572 = tpu.memref_slice %arg2[%add3A, %dma_wait3A_570, %dma_wait3A_571] : memref<32x800x128xi32, #tpu.memory_space<hbm>> -> memref<1x80x128xi32, #tpu.memory_space<hbm>>
    %dma_wait3A_573 = tpu.memref_squeeze %dma_wait3A_572 : memref<1x80x128xi32, #tpu.memory_space<hbm>> -> memref<80x128xi32, #tpu.memory_space<hbm>>
    %dma_wait3A_574 = arith.constant 0 : i32
    %dma_wait3A_575 = arith.constant 0 : i32
    %dma_wait3A_576 = tpu.memref_slice %arg6[%dma_wait3A_565, %dma_wait3A_574, %dma_wait3A_575] : memref<2x80x128xi32, #tpu.memory_space<vmem>> -> memref<1x80x128xi32, #tpu.memory_space<vmem>>
    %dma_wait3A_577 = tpu.memref_squeeze %dma_wait3A_576 : memref<1x80x128xi32, #tpu.memory_space<vmem>> -> memref<80x128xi32, #tpu.memory_space<vmem>>
    %dma_wait3A_578 = arith.constant 0 : i32
    %dma_wait3A_579 = arith.constant 0 : i32
    %dma_wait3A_580 = tpu.memref_slice %arg2[%add3A, %dma_wait3A_578, %dma_wait3A_579] : memref<32x800x128xi32, #tpu.memory_space<hbm>> -> memref<1x80x128xi32, #tpu.memory_space<hbm>>
    %dma_wait3A_581 = tpu.memref_squeeze %dma_wait3A_580 : memref<1x80x128xi32, #tpu.memory_space<hbm>> -> memref<80x128xi32, #tpu.memory_space<hbm>>
    tpu.wait_dma2 semaphore(%arg10 : memref<!tpu.dma_semaphore, #tpu.memory_space<semaphore_mem>>) src(%dma_wait3A_581 : memref<80x128xi32, #tpu.memory_space<hbm>>) dst(%dma_wait3A_577 : memref<80x128xi32, #tpu.memory_space<vmem>>)
    %scan3A_582 = arith.constant 0 : i32
    %scan3A_583 = arith.constant 0 : i32
    %scan3A_584 = arith.constant 80 : i32
    %scan3A_585 = arith.addi %scan3A_583, %scan3A_584 : i32
    %scan3A_586 = arith.constant 1 : i32
    scf.for %scan3A_912 = %scan3A_583 to %scan3A_585 step %scan3A_586  : i32 {
      %dma_start3A_913 = arith.constant 0 : i32
      %dma_start3A_914 = arith.constant 0 : i32
      %dma_start3A_915 = arith.constant 0 : i32
      %dma_start3A_916 = tpu.memref_slice %arg6[%dma_start3A_914, %scan3A_912, %dma_start3A_915] : memref<2x80x128xi32, #tpu.memory_space<vmem>> -> memref<1x1x128xi32, #tpu.memory_space<vmem>>
      %dma_start3A_917 = tpu.memref_squeeze %dma_start3A_916 : memref<1x1x128xi32, #tpu.memory_space<vmem>> -> memref<128xi32, #tpu.memory_space<vmem>>
      %dma_start3A_918 = arith.constant 0 : i32
      %dma_start3A_919 = tpu.memref_slice %arg5[%dma_start3A_913, %scan3A_912, %dma_start3A_918] : memref<2x80x128xi32, #tpu.memory_space<vmem>> -> memref<1x1x128xi32, #tpu.memory_space<vmem>>
      %dma_start3A_920 = tpu.memref_squeeze %dma_start3A_919 : memref<1x1x128xi32, #tpu.memory_space<vmem>> -> memref<128xi32, #tpu.memory_space<vmem>>
      %dma_start3A_921 = arith.constant 0 : i32
      %dma_start3A_922 = tpu.memref_slice %arg7[%dma_start3A_921] : memref<1015808xi32, #tpu.memory_space<vmem_shared>> -> memref<1015808xi32, #tpu.memory_space<vmem_shared>>
      tpu.enqueue_indirect_dma source(%dma_start3A_922 : memref<1015808xi32, #tpu.memory_space<vmem_shared>>) target(%dma_start3A_917 : memref<128xi32, #tpu.memory_space<vmem>>) offsets(%dma_start3A_920 : memref<128xi32, #tpu.memory_space<vmem>>) semaphore(%arg8 : memref<!tpu.dma_semaphore, #tpu.memory_space<semaphore_mem>>)
    }
    %scan3A_587 = arith.constant 80 : i32
    %dma_wait3A_588 = arith.constant 0 : i32
    %dma_wait3A_589 = arith.constant 0 : i32
    %dma_wait3A_590 = arith.constant 0 : i32
    %dma_wait3A_591 = tpu.memref_slice %arg6[%dma_wait3A_588, %dma_wait3A_589, %dma_wait3A_590] : memref<2x80x128xi32, #tpu.memory_space<vmem>> -> memref<1x80x128xi32, #tpu.memory_space<vmem>>
    %dma_wait3A_592 = tpu.memref_squeeze %dma_wait3A_591 : memref<1x80x128xi32, #tpu.memory_space<vmem>> -> memref<80x128xi32, #tpu.memory_space<vmem>>
    %dma_wait3A_593 = arith.constant 0 : i32
    %dma_wait3A_594 = arith.constant 0 : i32
    %dma_wait3A_595 = tpu.memref_slice %arg2[%add3A, %dma_wait3A_593, %dma_wait3A_594] : memref<32x800x128xi32, #tpu.memory_space<hbm>> -> memref<1x80x128xi32, #tpu.memory_space<hbm>>
    %dma_wait3A_596 = tpu.memref_squeeze %dma_wait3A_595 : memref<1x80x128xi32, #tpu.memory_space<hbm>> -> memref<80x128xi32, #tpu.memory_space<hbm>>
    %dma_wait3A_597 = arith.constant 0 : i32
    %dma_wait3A_598 = arith.constant 0 : i32
    %dma_wait3A_599 = tpu.memref_slice %arg6[%dma_wait3A_588, %dma_wait3A_597, %dma_wait3A_598] : memref<2x80x128xi32, #tpu.memory_space<vmem>> -> memref<1x80x128xi32, #tpu.memory_space<vmem>>
    %dma_wait3A_600 = tpu.memref_squeeze %dma_wait3A_599 : memref<1x80x128xi32, #tpu.memory_space<vmem>> -> memref<80x128xi32, #tpu.memory_space<vmem>>
    %dma_wait3A_601 = arith.constant 0 : i32
    %dma_wait3A_602 = arith.constant 0 : i32
    %dma_wait3A_603 = tpu.memref_slice %arg2[%add3A, %dma_wait3A_601, %dma_wait3A_602] : memref<32x800x128xi32, #tpu.memory_space<hbm>> -> memref<1x80x128xi32, #tpu.memory_space<hbm>>
    %dma_wait3A_604 = tpu.memref_squeeze %dma_wait3A_603 : memref<1x80x128xi32, #tpu.memory_space<hbm>> -> memref<80x128xi32, #tpu.memory_space<hbm>>
    tpu.wait_dma2 semaphore(%arg8 : memref<!tpu.dma_semaphore, #tpu.memory_space<semaphore_mem>>) src(%dma_wait3A_604 : memref<80x128xi32, #tpu.memory_space<hbm>>) dst(%dma_wait3A_600 : memref<80x128xi32, #tpu.memory_space<vmem>>)
    %dma_start3A_605 = arith.constant 0 : i32
    %dma_start3A_606 = arith.constant 0 : i32
    %dma_start3A_607 = arith.constant 0 : i32
    %dma_start3A_608 = tpu.memref_slice %arg6[%dma_start3A_605, %dma_start3A_606, %dma_start3A_607] : memref<2x80x128xi32, #tpu.memory_space<vmem>> -> memref<1x80x128xi32, #tpu.memory_space<vmem>>
    %dma_start3A_609 = tpu.memref_squeeze %dma_start3A_608 : memref<1x80x128xi32, #tpu.memory_space<vmem>> -> memref<80x128xi32, #tpu.memory_space<vmem>>
    %dma_start3A_610 = arith.constant 480 : i32
    %dma_start3A_611 = arith.constant 0 : i32
    %dma_start3A_612 = tpu.memref_slice %arg4[%add3A, %dma_start3A_610, %dma_start3A_611] : memref<32x800x128xi32, #tpu.memory_space<hbm>> -> memref<1x80x128xi32, #tpu.memory_space<hbm>>
    %dma_start3A_613 = tpu.memref_squeeze %dma_start3A_612 : memref<1x80x128xi32, #tpu.memory_space<hbm>> -> memref<80x128xi32, #tpu.memory_space<hbm>>
    %dma_start3A_614 = arith.constant 480 : i32
    %dma_start3A_615 = arith.constant 0 : i32
    %dma_start3A_616 = tpu.memref_slice %arg4[%add3A, %dma_start3A_614, %dma_start3A_615] : memref<32x800x128xi32, #tpu.memory_space<hbm>> -> memref<1x80x128xi32, #tpu.memory_space<hbm>>
    %dma_start3A_617 = tpu.memref_squeeze %dma_start3A_616 : memref<1x80x128xi32, #tpu.memory_space<hbm>> -> memref<80x128xi32, #tpu.memory_space<hbm>>
    %dma_start3A_618 = arith.constant 0 : i32
    %dma_start3A_619 = arith.constant 0 : i32
    %dma_start3A_620 = tpu.memref_slice %arg6[%dma_start3A_605, %dma_start3A_618, %dma_start3A_619] : memref<2x80x128xi32, #tpu.memory_space<vmem>> -> memref<1x80x128xi32, #tpu.memory_space<vmem>>
    %dma_start3A_621 = tpu.memref_squeeze %dma_start3A_620 : memref<1x80x128xi32, #tpu.memory_space<vmem>> -> memref<80x128xi32, #tpu.memory_space<vmem>>
    tpu.enqueue_dma source(%dma_start3A_621 : memref<80x128xi32, #tpu.memory_space<vmem>>) target(%dma_start3A_617 : memref<80x128xi32, #tpu.memory_space<hbm>>) target_semaphore(%arg10 : memref<!tpu.dma_semaphore, #tpu.memory_space<semaphore_mem>>)
    %dma_wait3A_622 = arith.constant 1 : i32
    %dma_wait3A_623 = arith.constant 0 : i32
    %dma_wait3A_624 = arith.constant 0 : i32
    %dma_wait3A_625 = tpu.memref_slice %arg5[%dma_wait3A_622, %dma_wait3A_623, %dma_wait3A_624] : memref<2x80x128xi32, #tpu.memory_space<vmem>> -> memref<1x80x128xi32, #tpu.memory_space<vmem>>
    %dma_wait3A_626 = tpu.memref_squeeze %dma_wait3A_625 : memref<1x80x128xi32, #tpu.memory_space<vmem>> -> memref<80x128xi32, #tpu.memory_space<vmem>>
    %dma_wait3A_627 = arith.constant 0 : i32
    %dma_wait3A_628 = arith.constant 0 : i32
    %dma_wait3A_629 = tpu.memref_slice %arg2[%add3A, %dma_wait3A_627, %dma_wait3A_628] : memref<32x800x128xi32, #tpu.memory_space<hbm>> -> memref<1x80x128xi32, #tpu.memory_space<hbm>>
    %dma_wait3A_630 = tpu.memref_squeeze %dma_wait3A_629 : memref<1x80x128xi32, #tpu.memory_space<hbm>> -> memref<80x128xi32, #tpu.memory_space<hbm>>
    %dma_wait3A_631 = arith.constant 0 : i32
    %dma_wait3A_632 = arith.constant 0 : i32
    %dma_wait3A_633 = tpu.memref_slice %arg5[%dma_wait3A_622, %dma_wait3A_631, %dma_wait3A_632] : memref<2x80x128xi32, #tpu.memory_space<vmem>> -> memref<1x80x128xi32, #tpu.memory_space<vmem>>
    %dma_wait3A_634 = tpu.memref_squeeze %dma_wait3A_633 : memref<1x80x128xi32, #tpu.memory_space<vmem>> -> memref<80x128xi32, #tpu.memory_space<vmem>>
    %dma_wait3A_635 = arith.constant 0 : i32
    %dma_wait3A_636 = arith.constant 0 : i32
    %dma_wait3A_637 = tpu.memref_slice %arg2[%add3A, %dma_wait3A_635, %dma_wait3A_636] : memref<32x800x128xi32, #tpu.memory_space<hbm>> -> memref<1x80x128xi32, #tpu.memory_space<hbm>>
    %dma_wait3A_638 = tpu.memref_squeeze %dma_wait3A_637 : memref<1x80x128xi32, #tpu.memory_space<hbm>> -> memref<80x128xi32, #tpu.memory_space<hbm>>
    tpu.wait_dma2 semaphore(%arg9 : memref<!tpu.dma_semaphore, #tpu.memory_space<semaphore_mem>>) src(%dma_wait3A_638 : memref<80x128xi32, #tpu.memory_space<hbm>>) dst(%dma_wait3A_634 : memref<80x128xi32, #tpu.memory_space<vmem>>)
    %dma_start3A_639 = arith.constant 0 : i32
    %dma_start3A_640 = arith.constant 0 : i32
    %dma_start3A_641 = arith.constant 0 : i32
    %dma_start3A_642 = tpu.memref_slice %arg5[%dma_start3A_639, %dma_start3A_640, %dma_start3A_641] : memref<2x80x128xi32, #tpu.memory_space<vmem>> -> memref<1x80x128xi32, #tpu.memory_space<vmem>>
    %dma_start3A_643 = tpu.memref_squeeze %dma_start3A_642 : memref<1x80x128xi32, #tpu.memory_space<vmem>> -> memref<80x128xi32, #tpu.memory_space<vmem>>
    %dma_start3A_644 = arith.constant 640 : i32
    %dma_start3A_645 = arith.constant 0 : i32
    %dma_start3A_646 = tpu.memref_slice %arg2[%add3A, %dma_start3A_644, %dma_start3A_645] : memref<32x800x128xi32, #tpu.memory_space<hbm>> -> memref<1x80x128xi32, #tpu.memory_space<hbm>>
    %dma_start3A_647 = tpu.memref_squeeze %dma_start3A_646 : memref<1x80x128xi32, #tpu.memory_space<hbm>> -> memref<80x128xi32, #tpu.memory_space<hbm>>
    %dma_start3A_648 = arith.constant 0 : i32
    %dma_start3A_649 = arith.constant 0 : i32
    %dma_start3A_650 = tpu.memref_slice %arg5[%dma_start3A_639, %dma_start3A_648, %dma_start3A_649] : memref<2x80x128xi32, #tpu.memory_space<vmem>> -> memref<1x80x128xi32, #tpu.memory_space<vmem>>
    %dma_start3A_651 = tpu.memref_squeeze %dma_start3A_650 : memref<1x80x128xi32, #tpu.memory_space<vmem>> -> memref<80x128xi32, #tpu.memory_space<vmem>>
    %dma_start3A_652 = arith.constant 640 : i32
    %dma_start3A_653 = arith.constant 0 : i32
    %dma_start3A_654 = tpu.memref_slice %arg2[%add3A, %dma_start3A_652, %dma_start3A_653] : memref<32x800x128xi32, #tpu.memory_space<hbm>> -> memref<1x80x128xi32, #tpu.memory_space<hbm>>
    %dma_start3A_655 = tpu.memref_squeeze %dma_start3A_654 : memref<1x80x128xi32, #tpu.memory_space<hbm>> -> memref<80x128xi32, #tpu.memory_space<hbm>>
    tpu.enqueue_dma source(%dma_start3A_655 : memref<80x128xi32, #tpu.memory_space<hbm>>) target(%dma_start3A_651 : memref<80x128xi32, #tpu.memory_space<vmem>>) target_semaphore(%arg9 : memref<!tpu.dma_semaphore, #tpu.memory_space<semaphore_mem>>)
    %dma_wait3A_656 = arith.constant 1 : i32
    %dma_wait3A_657 = arith.constant 0 : i32
    %dma_wait3A_658 = arith.constant 0 : i32
    %dma_wait3A_659 = tpu.memref_slice %arg6[%dma_wait3A_656, %dma_wait3A_657, %dma_wait3A_658] : memref<2x80x128xi32, #tpu.memory_space<vmem>> -> memref<1x80x128xi32, #tpu.memory_space<vmem>>
    %dma_wait3A_660 = tpu.memref_squeeze %dma_wait3A_659 : memref<1x80x128xi32, #tpu.memory_space<vmem>> -> memref<80x128xi32, #tpu.memory_space<vmem>>
    %dma_wait3A_661 = arith.constant 0 : i32
    %dma_wait3A_662 = arith.constant 0 : i32
    %dma_wait3A_663 = tpu.memref_slice %arg2[%add3A, %dma_wait3A_661, %dma_wait3A_662] : memref<32x800x128xi32, #tpu.memory_space<hbm>> -> memref<1x80x128xi32, #tpu.memory_space<hbm>>
    %dma_wait3A_664 = tpu.memref_squeeze %dma_wait3A_663 : memref<1x80x128xi32, #tpu.memory_space<hbm>> -> memref<80x128xi32, #tpu.memory_space<hbm>>
    %dma_wait3A_665 = arith.constant 0 : i32
    %dma_wait3A_666 = arith.constant 0 : i32
    %dma_wait3A_667 = tpu.memref_slice %arg6[%dma_wait3A_656, %dma_wait3A_665, %dma_wait3A_666] : memref<2x80x128xi32, #tpu.memory_space<vmem>> -> memref<1x80x128xi32, #tpu.memory_space<vmem>>
    %dma_wait3A_668 = tpu.memref_squeeze %dma_wait3A_667 : memref<1x80x128xi32, #tpu.memory_space<vmem>> -> memref<80x128xi32, #tpu.memory_space<vmem>>
    %dma_wait3A_669 = arith.constant 0 : i32
    %dma_wait3A_670 = arith.constant 0 : i32
    %dma_wait3A_671 = tpu.memref_slice %arg2[%add3A, %dma_wait3A_669, %dma_wait3A_670] : memref<32x800x128xi32, #tpu.memory_space<hbm>> -> memref<1x80x128xi32, #tpu.memory_space<hbm>>
    %dma_wait3A_672 = tpu.memref_squeeze %dma_wait3A_671 : memref<1x80x128xi32, #tpu.memory_space<hbm>> -> memref<80x128xi32, #tpu.memory_space<hbm>>
    tpu.wait_dma2 semaphore(%arg10 : memref<!tpu.dma_semaphore, #tpu.memory_space<semaphore_mem>>) src(%dma_wait3A_672 : memref<80x128xi32, #tpu.memory_space<hbm>>) dst(%dma_wait3A_668 : memref<80x128xi32, #tpu.memory_space<vmem>>)
    %scan3A_673 = arith.constant 0 : i32
    %scan3A_674 = arith.constant 0 : i32
    %scan3A_675 = arith.constant 80 : i32
    %scan3A_676 = arith.addi %scan3A_674, %scan3A_675 : i32
    %scan3A_677 = arith.constant 1 : i32
    scf.for %scan3A_912 = %scan3A_674 to %scan3A_676 step %scan3A_677  : i32 {
      %dma_start3A_913 = arith.constant 1 : i32
      %dma_start3A_914 = arith.constant 1 : i32
      %dma_start3A_915 = arith.constant 0 : i32
      %dma_start3A_916 = tpu.memref_slice %arg6[%dma_start3A_914, %scan3A_912, %dma_start3A_915] : memref<2x80x128xi32, #tpu.memory_space<vmem>> -> memref<1x1x128xi32, #tpu.memory_space<vmem>>
      %dma_start3A_917 = tpu.memref_squeeze %dma_start3A_916 : memref<1x1x128xi32, #tpu.memory_space<vmem>> -> memref<128xi32, #tpu.memory_space<vmem>>
      %dma_start3A_918 = arith.constant 0 : i32
      %dma_start3A_919 = tpu.memref_slice %arg5[%dma_start3A_913, %scan3A_912, %dma_start3A_918] : memref<2x80x128xi32, #tpu.memory_space<vmem>> -> memref<1x1x128xi32, #tpu.memory_space<vmem>>
      %dma_start3A_920 = tpu.memref_squeeze %dma_start3A_919 : memref<1x1x128xi32, #tpu.memory_space<vmem>> -> memref<128xi32, #tpu.memory_space<vmem>>
      %dma_start3A_921 = arith.constant 0 : i32
      %dma_start3A_922 = tpu.memref_slice %arg7[%dma_start3A_921] : memref<1015808xi32, #tpu.memory_space<vmem_shared>> -> memref<1015808xi32, #tpu.memory_space<vmem_shared>>
      tpu.enqueue_indirect_dma source(%dma_start3A_922 : memref<1015808xi32, #tpu.memory_space<vmem_shared>>) target(%dma_start3A_917 : memref<128xi32, #tpu.memory_space<vmem>>) offsets(%dma_start3A_920 : memref<128xi32, #tpu.memory_space<vmem>>) semaphore(%arg8 : memref<!tpu.dma_semaphore, #tpu.memory_space<semaphore_mem>>)
    }
    %scan3A_678 = arith.constant 80 : i32
    %dma_wait3A_679 = arith.constant 1 : i32
    %dma_wait3A_680 = arith.constant 0 : i32
    %dma_wait3A_681 = arith.constant 0 : i32
    %dma_wait3A_682 = tpu.memref_slice %arg6[%dma_wait3A_679, %dma_wait3A_680, %dma_wait3A_681] : memref<2x80x128xi32, #tpu.memory_space<vmem>> -> memref<1x80x128xi32, #tpu.memory_space<vmem>>
    %dma_wait3A_683 = tpu.memref_squeeze %dma_wait3A_682 : memref<1x80x128xi32, #tpu.memory_space<vmem>> -> memref<80x128xi32, #tpu.memory_space<vmem>>
    %dma_wait3A_684 = arith.constant 0 : i32
    %dma_wait3A_685 = arith.constant 0 : i32
    %dma_wait3A_686 = tpu.memref_slice %arg2[%add3A, %dma_wait3A_684, %dma_wait3A_685] : memref<32x800x128xi32, #tpu.memory_space<hbm>> -> memref<1x80x128xi32, #tpu.memory_space<hbm>>
    %dma_wait3A_687 = tpu.memref_squeeze %dma_wait3A_686 : memref<1x80x128xi32, #tpu.memory_space<hbm>> -> memref<80x128xi32, #tpu.memory_space<hbm>>
    %dma_wait3A_688 = arith.constant 0 : i32
    %dma_wait3A_689 = arith.constant 0 : i32
    %dma_wait3A_690 = tpu.memref_slice %arg6[%dma_wait3A_679, %dma_wait3A_688, %dma_wait3A_689] : memref<2x80x128xi32, #tpu.memory_space<vmem>> -> memref<1x80x128xi32, #tpu.memory_space<vmem>>
    %dma_wait3A_691 = tpu.memref_squeeze %dma_wait3A_690 : memref<1x80x128xi32, #tpu.memory_space<vmem>> -> memref<80x128xi32, #tpu.memory_space<vmem>>
    %dma_wait3A_692 = arith.constant 0 : i32
    %dma_wait3A_693 = arith.constant 0 : i32
    %dma_wait3A_694 = tpu.memref_slice %arg2[%add3A, %dma_wait3A_692, %dma_wait3A_693] : memref<32x800x128xi32, #tpu.memory_space<hbm>> -> memref<1x80x128xi32, #tpu.memory_space<hbm>>
    %dma_wait3A_695 = tpu.memref_squeeze %dma_wait3A_694 : memref<1x80x128xi32, #tpu.memory_space<hbm>> -> memref<80x128xi32, #tpu.memory_space<hbm>>
    tpu.wait_dma2 semaphore(%arg8 : memref<!tpu.dma_semaphore, #tpu.memory_space<semaphore_mem>>) src(%dma_wait3A_695 : memref<80x128xi32, #tpu.memory_space<hbm>>) dst(%dma_wait3A_691 : memref<80x128xi32, #tpu.memory_space<vmem>>)
    %dma_start3A_696 = arith.constant 1 : i32
    %dma_start3A_697 = arith.constant 0 : i32
    %dma_start3A_698 = arith.constant 0 : i32
    %dma_start3A_699 = tpu.memref_slice %arg6[%dma_start3A_696, %dma_start3A_697, %dma_start3A_698] : memref<2x80x128xi32, #tpu.memory_space<vmem>> -> memref<1x80x128xi32, #tpu.memory_space<vmem>>
    %dma_start3A_700 = tpu.memref_squeeze %dma_start3A_699 : memref<1x80x128xi32, #tpu.memory_space<vmem>> -> memref<80x128xi32, #tpu.memory_space<vmem>>
    %dma_start3A_701 = arith.constant 560 : i32
    %dma_start3A_702 = arith.constant 0 : i32
    %dma_start3A_703 = tpu.memref_slice %arg4[%add3A, %dma_start3A_701, %dma_start3A_702] : memref<32x800x128xi32, #tpu.memory_space<hbm>> -> memref<1x80x128xi32, #tpu.memory_space<hbm>>
    %dma_start3A_704 = tpu.memref_squeeze %dma_start3A_703 : memref<1x80x128xi32, #tpu.memory_space<hbm>> -> memref<80x128xi32, #tpu.memory_space<hbm>>
    %dma_start3A_705 = arith.constant 560 : i32
    %dma_start3A_706 = arith.constant 0 : i32
    %dma_start3A_707 = tpu.memref_slice %arg4[%add3A, %dma_start3A_705, %dma_start3A_706] : memref<32x800x128xi32, #tpu.memory_space<hbm>> -> memref<1x80x128xi32, #tpu.memory_space<hbm>>
    %dma_start3A_708 = tpu.memref_squeeze %dma_start3A_707 : memref<1x80x128xi32, #tpu.memory_space<hbm>> -> memref<80x128xi32, #tpu.memory_space<hbm>>
    %dma_start3A_709 = arith.constant 0 : i32
    %dma_start3A_710 = arith.constant 0 : i32
    %dma_start3A_711 = tpu.memref_slice %arg6[%dma_start3A_696, %dma_start3A_709, %dma_start3A_710] : memref<2x80x128xi32, #tpu.memory_space<vmem>> -> memref<1x80x128xi32, #tpu.memory_space<vmem>>
    %dma_start3A_712 = tpu.memref_squeeze %dma_start3A_711 : memref<1x80x128xi32, #tpu.memory_space<vmem>> -> memref<80x128xi32, #tpu.memory_space<vmem>>
    tpu.enqueue_dma source(%dma_start3A_712 : memref<80x128xi32, #tpu.memory_space<vmem>>) target(%dma_start3A_708 : memref<80x128xi32, #tpu.memory_space<hbm>>) target_semaphore(%arg10 : memref<!tpu.dma_semaphore, #tpu.memory_space<semaphore_mem>>)
    %dma_wait3A_713 = arith.constant 0 : i32
    %dma_wait3A_714 = arith.constant 0 : i32
    %dma_wait3A_715 = arith.constant 0 : i32
    %dma_wait3A_716 = tpu.memref_slice %arg5[%dma_wait3A_713, %dma_wait3A_714, %dma_wait3A_715] : memref<2x80x128xi32, #tpu.memory_space<vmem>> -> memref<1x80x128xi32, #tpu.memory_space<vmem>>
    %dma_wait3A_717 = tpu.memref_squeeze %dma_wait3A_716 : memref<1x80x128xi32, #tpu.memory_space<vmem>> -> memref<80x128xi32, #tpu.memory_space<vmem>>
    %dma_wait3A_718 = arith.constant 0 : i32
    %dma_wait3A_719 = arith.constant 0 : i32
    %dma_wait3A_720 = tpu.memref_slice %arg2[%add3A, %dma_wait3A_718, %dma_wait3A_719] : memref<32x800x128xi32, #tpu.memory_space<hbm>> -> memref<1x80x128xi32, #tpu.memory_space<hbm>>
    %dma_wait3A_721 = tpu.memref_squeeze %dma_wait3A_720 : memref<1x80x128xi32, #tpu.memory_space<hbm>> -> memref<80x128xi32, #tpu.memory_space<hbm>>
    %dma_wait3A_722 = arith.constant 0 : i32
    %dma_wait3A_723 = arith.constant 0 : i32
    %dma_wait3A_724 = tpu.memref_slice %arg5[%dma_wait3A_713, %dma_wait3A_722, %dma_wait3A_723] : memref<2x80x128xi32, #tpu.memory_space<vmem>> -> memref<1x80x128xi32, #tpu.memory_space<vmem>>
    %dma_wait3A_725 = tpu.memref_squeeze %dma_wait3A_724 : memref<1x80x128xi32, #tpu.memory_space<vmem>> -> memref<80x128xi32, #tpu.memory_space<vmem>>
    %dma_wait3A_726 = arith.constant 0 : i32
    %dma_wait3A_727 = arith.constant 0 : i32
    %dma_wait3A_728 = tpu.memref_slice %arg2[%add3A, %dma_wait3A_726, %dma_wait3A_727] : memref<32x800x128xi32, #tpu.memory_space<hbm>> -> memref<1x80x128xi32, #tpu.memory_space<hbm>>
    %dma_wait3A_729 = tpu.memref_squeeze %dma_wait3A_728 : memref<1x80x128xi32, #tpu.memory_space<hbm>> -> memref<80x128xi32, #tpu.memory_space<hbm>>
    tpu.wait_dma2 semaphore(%arg9 : memref<!tpu.dma_semaphore, #tpu.memory_space<semaphore_mem>>) src(%dma_wait3A_729 : memref<80x128xi32, #tpu.memory_space<hbm>>) dst(%dma_wait3A_725 : memref<80x128xi32, #tpu.memory_space<vmem>>)
    %dma_start3A_730 = arith.constant 1 : i32
    %dma_start3A_731 = arith.constant 0 : i32
    %dma_start3A_732 = arith.constant 0 : i32
    %dma_start3A_733 = tpu.memref_slice %arg5[%dma_start3A_730, %dma_start3A_731, %dma_start3A_732] : memref<2x80x128xi32, #tpu.memory_space<vmem>> -> memref<1x80x128xi32, #tpu.memory_space<vmem>>
    %dma_start3A_734 = tpu.memref_squeeze %dma_start3A_733 : memref<1x80x128xi32, #tpu.memory_space<vmem>> -> memref<80x128xi32, #tpu.memory_space<vmem>>
    %dma_start3A_735 = arith.constant 720 : i32
    %dma_start3A_736 = arith.constant 0 : i32
    %dma_start3A_737 = tpu.memref_slice %arg2[%add3A, %dma_start3A_735, %dma_start3A_736] : memref<32x800x128xi32, #tpu.memory_space<hbm>> -> memref<1x80x128xi32, #tpu.memory_space<hbm>>
    %dma_start3A_738 = tpu.memref_squeeze %dma_start3A_737 : memref<1x80x128xi32, #tpu.memory_space<hbm>> -> memref<80x128xi32, #tpu.memory_space<hbm>>
    %dma_start3A_739 = arith.constant 0 : i32
    %dma_start3A_740 = arith.constant 0 : i32
    %dma_start3A_741 = tpu.memref_slice %arg5[%dma_start3A_730, %dma_start3A_739, %dma_start3A_740] : memref<2x80x128xi32, #tpu.memory_space<vmem>> -> memref<1x80x128xi32, #tpu.memory_space<vmem>>
    %dma_start3A_742 = tpu.memref_squeeze %dma_start3A_741 : memref<1x80x128xi32, #tpu.memory_space<vmem>> -> memref<80x128xi32, #tpu.memory_space<vmem>>
    %dma_start3A_743 = arith.constant 720 : i32
    %dma_start3A_744 = arith.constant 0 : i32
    %dma_start3A_745 = tpu.memref_slice %arg2[%add3A, %dma_start3A_743, %dma_start3A_744] : memref<32x800x128xi32, #tpu.memory_space<hbm>> -> memref<1x80x128xi32, #tpu.memory_space<hbm>>
    %dma_start3A_746 = tpu.memref_squeeze %dma_start3A_745 : memref<1x80x128xi32, #tpu.memory_space<hbm>> -> memref<80x128xi32, #tpu.memory_space<hbm>>
    tpu.enqueue_dma source(%dma_start3A_746 : memref<80x128xi32, #tpu.memory_space<hbm>>) target(%dma_start3A_742 : memref<80x128xi32, #tpu.memory_space<vmem>>) target_semaphore(%arg9 : memref<!tpu.dma_semaphore, #tpu.memory_space<semaphore_mem>>)
    %dma_wait3A_747 = arith.constant 0 : i32
    %dma_wait3A_748 = arith.constant 0 : i32
    %dma_wait3A_749 = arith.constant 0 : i32
    %dma_wait3A_750 = tpu.memref_slice %arg6[%dma_wait3A_747, %dma_wait3A_748, %dma_wait3A_749] : memref<2x80x128xi32, #tpu.memory_space<vmem>> -> memref<1x80x128xi32, #tpu.memory_space<vmem>>
    %dma_wait3A_751 = tpu.memref_squeeze %dma_wait3A_750 : memref<1x80x128xi32, #tpu.memory_space<vmem>> -> memref<80x128xi32, #tpu.memory_space<vmem>>
    %dma_wait3A_752 = arith.constant 0 : i32
    %dma_wait3A_753 = arith.constant 0 : i32
    %dma_wait3A_754 = tpu.memref_slice %arg2[%add3A, %dma_wait3A_752, %dma_wait3A_753] : memref<32x800x128xi32, #tpu.memory_space<hbm>> -> memref<1x80x128xi32, #tpu.memory_space<hbm>>
    %dma_wait3A_755 = tpu.memref_squeeze %dma_wait3A_754 : memref<1x80x128xi32, #tpu.memory_space<hbm>> -> memref<80x128xi32, #tpu.memory_space<hbm>>
    %dma_wait3A_756 = arith.constant 0 : i32
    %dma_wait3A_757 = arith.constant 0 : i32
    %dma_wait3A_758 = tpu.memref_slice %arg6[%dma_wait3A_747, %dma_wait3A_756, %dma_wait3A_757] : memref<2x80x128xi32, #tpu.memory_space<vmem>> -> memref<1x80x128xi32, #tpu.memory_space<vmem>>
    %dma_wait3A_759 = tpu.memref_squeeze %dma_wait3A_758 : memref<1x80x128xi32, #tpu.memory_space<vmem>> -> memref<80x128xi32, #tpu.memory_space<vmem>>
    %dma_wait3A_760 = arith.constant 0 : i32
    %dma_wait3A_761 = arith.constant 0 : i32
    %dma_wait3A_762 = tpu.memref_slice %arg2[%add3A, %dma_wait3A_760, %dma_wait3A_761] : memref<32x800x128xi32, #tpu.memory_space<hbm>> -> memref<1x80x128xi32, #tpu.memory_space<hbm>>
    %dma_wait3A_763 = tpu.memref_squeeze %dma_wait3A_762 : memref<1x80x128xi32, #tpu.memory_space<hbm>> -> memref<80x128xi32, #tpu.memory_space<hbm>>
    tpu.wait_dma2 semaphore(%arg10 : memref<!tpu.dma_semaphore, #tpu.memory_space<semaphore_mem>>) src(%dma_wait3A_763 : memref<80x128xi32, #tpu.memory_space<hbm>>) dst(%dma_wait3A_759 : memref<80x128xi32, #tpu.memory_space<vmem>>)
    %scan3A_764 = arith.constant 0 : i32
    %scan3A_765 = arith.constant 0 : i32
    %scan3A_766 = arith.constant 80 : i32
    %scan3A_767 = arith.addi %scan3A_765, %scan3A_766 : i32
    %scan3A_768 = arith.constant 1 : i32
    scf.for %scan3A_912 = %scan3A_765 to %scan3A_767 step %scan3A_768  : i32 {
      %dma_start3A_913 = arith.constant 0 : i32
      %dma_start3A_914 = arith.constant 0 : i32
      %dma_start3A_915 = arith.constant 0 : i32
      %dma_start3A_916 = tpu.memref_slice %arg6[%dma_start3A_914, %scan3A_912, %dma_start3A_915] : memref<2x80x128xi32, #tpu.memory_space<vmem>> -> memref<1x1x128xi32, #tpu.memory_space<vmem>>
      %dma_start3A_917 = tpu.memref_squeeze %dma_start3A_916 : memref<1x1x128xi32, #tpu.memory_space<vmem>> -> memref<128xi32, #tpu.memory_space<vmem>>
      %dma_start3A_918 = arith.constant 0 : i32
      %dma_start3A_919 = tpu.memref_slice %arg5[%dma_start3A_913, %scan3A_912, %dma_start3A_918] : memref<2x80x128xi32, #tpu.memory_space<vmem>> -> memref<1x1x128xi32, #tpu.memory_space<vmem>>
      %dma_start3A_920 = tpu.memref_squeeze %dma_start3A_919 : memref<1x1x128xi32, #tpu.memory_space<vmem>> -> memref<128xi32, #tpu.memory_space<vmem>>
      %dma_start3A_921 = arith.constant 0 : i32
      %dma_start3A_922 = tpu.memref_slice %arg7[%dma_start3A_921] : memref<1015808xi32, #tpu.memory_space<vmem_shared>> -> memref<1015808xi32, #tpu.memory_space<vmem_shared>>
      tpu.enqueue_indirect_dma source(%dma_start3A_922 : memref<1015808xi32, #tpu.memory_space<vmem_shared>>) target(%dma_start3A_917 : memref<128xi32, #tpu.memory_space<vmem>>) offsets(%dma_start3A_920 : memref<128xi32, #tpu.memory_space<vmem>>) semaphore(%arg8 : memref<!tpu.dma_semaphore, #tpu.memory_space<semaphore_mem>>)
    }
    %scan3A_769 = arith.constant 80 : i32
    %dma_wait3A_770 = arith.constant 0 : i32
    %dma_wait3A_771 = arith.constant 0 : i32
    %dma_wait3A_772 = arith.constant 0 : i32
    %dma_wait3A_773 = tpu.memref_slice %arg6[%dma_wait3A_770, %dma_wait3A_771, %dma_wait3A_772] : memref<2x80x128xi32, #tpu.memory_space<vmem>> -> memref<1x80x128xi32, #tpu.memory_space<vmem>>
    %dma_wait3A_774 = tpu.memref_squeeze %dma_wait3A_773 : memref<1x80x128xi32, #tpu.memory_space<vmem>> -> memref<80x128xi32, #tpu.memory_space<vmem>>
    %dma_wait3A_775 = arith.constant 0 : i32
    %dma_wait3A_776 = arith.constant 0 : i32
    %dma_wait3A_777 = tpu.memref_slice %arg2[%add3A, %dma_wait3A_775, %dma_wait3A_776] : memref<32x800x128xi32, #tpu.memory_space<hbm>> -> memref<1x80x128xi32, #tpu.memory_space<hbm>>
    %dma_wait3A_778 = tpu.memref_squeeze %dma_wait3A_777 : memref<1x80x128xi32, #tpu.memory_space<hbm>> -> memref<80x128xi32, #tpu.memory_space<hbm>>
    %dma_wait3A_779 = arith.constant 0 : i32
    %dma_wait3A_780 = arith.constant 0 : i32
    %dma_wait3A_781 = tpu.memref_slice %arg6[%dma_wait3A_770, %dma_wait3A_779, %dma_wait3A_780] : memref<2x80x128xi32, #tpu.memory_space<vmem>> -> memref<1x80x128xi32, #tpu.memory_space<vmem>>
    %dma_wait3A_782 = tpu.memref_squeeze %dma_wait3A_781 : memref<1x80x128xi32, #tpu.memory_space<vmem>> -> memref<80x128xi32, #tpu.memory_space<vmem>>
    %dma_wait3A_783 = arith.constant 0 : i32
    %dma_wait3A_784 = arith.constant 0 : i32
    %dma_wait3A_785 = tpu.memref_slice %arg2[%add3A, %dma_wait3A_783, %dma_wait3A_784] : memref<32x800x128xi32, #tpu.memory_space<hbm>> -> memref<1x80x128xi32, #tpu.memory_space<hbm>>
    %dma_wait3A_786 = tpu.memref_squeeze %dma_wait3A_785 : memref<1x80x128xi32, #tpu.memory_space<hbm>> -> memref<80x128xi32, #tpu.memory_space<hbm>>
    tpu.wait_dma2 semaphore(%arg8 : memref<!tpu.dma_semaphore, #tpu.memory_space<semaphore_mem>>) src(%dma_wait3A_786 : memref<80x128xi32, #tpu.memory_space<hbm>>) dst(%dma_wait3A_782 : memref<80x128xi32, #tpu.memory_space<vmem>>)
    %dma_start3A_787 = arith.constant 0 : i32
    %dma_start3A_788 = arith.constant 0 : i32
    %dma_start3A_789 = arith.constant 0 : i32
    %dma_start3A_790 = tpu.memref_slice %arg6[%dma_start3A_787, %dma_start3A_788, %dma_start3A_789] : memref<2x80x128xi32, #tpu.memory_space<vmem>> -> memref<1x80x128xi32, #tpu.memory_space<vmem>>
    %dma_start3A_791 = tpu.memref_squeeze %dma_start3A_790 : memref<1x80x128xi32, #tpu.memory_space<vmem>> -> memref<80x128xi32, #tpu.memory_space<vmem>>
    %dma_start3A_792 = arith.constant 640 : i32
    %dma_start3A_793 = arith.constant 0 : i32
    %dma_start3A_794 = tpu.memref_slice %arg4[%add3A, %dma_start3A_792, %dma_start3A_793] : memref<32x800x128xi32, #tpu.memory_space<hbm>> -> memref<1x80x128xi32, #tpu.memory_space<hbm>>
    %dma_start3A_795 = tpu.memref_squeeze %dma_start3A_794 : memref<1x80x128xi32, #tpu.memory_space<hbm>> -> memref<80x128xi32, #tpu.memory_space<hbm>>
    %dma_start3A_796 = arith.constant 640 : i32
    %dma_start3A_797 = arith.constant 0 : i32
    %dma_start3A_798 = tpu.memref_slice %arg4[%add3A, %dma_start3A_796, %dma_start3A_797] : memref<32x800x128xi32, #tpu.memory_space<hbm>> -> memref<1x80x128xi32, #tpu.memory_space<hbm>>
    %dma_start3A_799 = tpu.memref_squeeze %dma_start3A_798 : memref<1x80x128xi32, #tpu.memory_space<hbm>> -> memref<80x128xi32, #tpu.memory_space<hbm>>
    %dma_start3A_800 = arith.constant 0 : i32
    %dma_start3A_801 = arith.constant 0 : i32
    %dma_start3A_802 = tpu.memref_slice %arg6[%dma_start3A_787, %dma_start3A_800, %dma_start3A_801] : memref<2x80x128xi32, #tpu.memory_space<vmem>> -> memref<1x80x128xi32, #tpu.memory_space<vmem>>
    %dma_start3A_803 = tpu.memref_squeeze %dma_start3A_802 : memref<1x80x128xi32, #tpu.memory_space<vmem>> -> memref<80x128xi32, #tpu.memory_space<vmem>>
    tpu.enqueue_dma source(%dma_start3A_803 : memref<80x128xi32, #tpu.memory_space<vmem>>) target(%dma_start3A_799 : memref<80x128xi32, #tpu.memory_space<hbm>>) target_semaphore(%arg10 : memref<!tpu.dma_semaphore, #tpu.memory_space<semaphore_mem>>)
    %dma_wait3A_804 = arith.constant 1 : i32
    %dma_wait3A_805 = arith.constant 0 : i32
    %dma_wait3A_806 = arith.constant 0 : i32
    %dma_wait3A_807 = tpu.memref_slice %arg5[%dma_wait3A_804, %dma_wait3A_805, %dma_wait3A_806] : memref<2x80x128xi32, #tpu.memory_space<vmem>> -> memref<1x80x128xi32, #tpu.memory_space<vmem>>
    %dma_wait3A_808 = tpu.memref_squeeze %dma_wait3A_807 : memref<1x80x128xi32, #tpu.memory_space<vmem>> -> memref<80x128xi32, #tpu.memory_space<vmem>>
    %dma_wait3A_809 = arith.constant 0 : i32
    %dma_wait3A_810 = arith.constant 0 : i32
    %dma_wait3A_811 = tpu.memref_slice %arg2[%add3A, %dma_wait3A_809, %dma_wait3A_810] : memref<32x800x128xi32, #tpu.memory_space<hbm>> -> memref<1x80x128xi32, #tpu.memory_space<hbm>>
    %dma_wait3A_812 = tpu.memref_squeeze %dma_wait3A_811 : memref<1x80x128xi32, #tpu.memory_space<hbm>> -> memref<80x128xi32, #tpu.memory_space<hbm>>
    %dma_wait3A_813 = arith.constant 0 : i32
    %dma_wait3A_814 = arith.constant 0 : i32
    %dma_wait3A_815 = tpu.memref_slice %arg5[%dma_wait3A_804, %dma_wait3A_813, %dma_wait3A_814] : memref<2x80x128xi32, #tpu.memory_space<vmem>> -> memref<1x80x128xi32, #tpu.memory_space<vmem>>
    %dma_wait3A_816 = tpu.memref_squeeze %dma_wait3A_815 : memref<1x80x128xi32, #tpu.memory_space<vmem>> -> memref<80x128xi32, #tpu.memory_space<vmem>>
    %dma_wait3A_817 = arith.constant 0 : i32
    %dma_wait3A_818 = arith.constant 0 : i32
    %dma_wait3A_819 = tpu.memref_slice %arg2[%add3A, %dma_wait3A_817, %dma_wait3A_818] : memref<32x800x128xi32, #tpu.memory_space<hbm>> -> memref<1x80x128xi32, #tpu.memory_space<hbm>>
    %dma_wait3A_820 = tpu.memref_squeeze %dma_wait3A_819 : memref<1x80x128xi32, #tpu.memory_space<hbm>> -> memref<80x128xi32, #tpu.memory_space<hbm>>
    tpu.wait_dma2 semaphore(%arg9 : memref<!tpu.dma_semaphore, #tpu.memory_space<semaphore_mem>>) src(%dma_wait3A_820 : memref<80x128xi32, #tpu.memory_space<hbm>>) dst(%dma_wait3A_816 : memref<80x128xi32, #tpu.memory_space<vmem>>)
    %dma_wait3A_821 = arith.constant 1 : i32
    %dma_wait3A_822 = arith.constant 0 : i32
    %dma_wait3A_823 = arith.constant 0 : i32
    %dma_wait3A_824 = tpu.memref_slice %arg6[%dma_wait3A_821, %dma_wait3A_822, %dma_wait3A_823] : memref<2x80x128xi32, #tpu.memory_space<vmem>> -> memref<1x80x128xi32, #tpu.memory_space<vmem>>
    %dma_wait3A_825 = tpu.memref_squeeze %dma_wait3A_824 : memref<1x80x128xi32, #tpu.memory_space<vmem>> -> memref<80x128xi32, #tpu.memory_space<vmem>>
    %dma_wait3A_826 = arith.constant 0 : i32
    %dma_wait3A_827 = arith.constant 0 : i32
    %dma_wait3A_828 = tpu.memref_slice %arg2[%add3A, %dma_wait3A_826, %dma_wait3A_827] : memref<32x800x128xi32, #tpu.memory_space<hbm>> -> memref<1x80x128xi32, #tpu.memory_space<hbm>>
    %dma_wait3A_829 = tpu.memref_squeeze %dma_wait3A_828 : memref<1x80x128xi32, #tpu.memory_space<hbm>> -> memref<80x128xi32, #tpu.memory_space<hbm>>
    %dma_wait3A_830 = arith.constant 0 : i32
    %dma_wait3A_831 = arith.constant 0 : i32
    %dma_wait3A_832 = tpu.memref_slice %arg6[%dma_wait3A_821, %dma_wait3A_830, %dma_wait3A_831] : memref<2x80x128xi32, #tpu.memory_space<vmem>> -> memref<1x80x128xi32, #tpu.memory_space<vmem>>
    %dma_wait3A_833 = tpu.memref_squeeze %dma_wait3A_832 : memref<1x80x128xi32, #tpu.memory_space<vmem>> -> memref<80x128xi32, #tpu.memory_space<vmem>>
    %dma_wait3A_834 = arith.constant 0 : i32
    %dma_wait3A_835 = arith.constant 0 : i32
    %dma_wait3A_836 = tpu.memref_slice %arg2[%add3A, %dma_wait3A_834, %dma_wait3A_835] : memref<32x800x128xi32, #tpu.memory_space<hbm>> -> memref<1x80x128xi32, #tpu.memory_space<hbm>>
    %dma_wait3A_837 = tpu.memref_squeeze %dma_wait3A_836 : memref<1x80x128xi32, #tpu.memory_space<hbm>> -> memref<80x128xi32, #tpu.memory_space<hbm>>
    tpu.wait_dma2 semaphore(%arg10 : memref<!tpu.dma_semaphore, #tpu.memory_space<semaphore_mem>>) src(%dma_wait3A_837 : memref<80x128xi32, #tpu.memory_space<hbm>>) dst(%dma_wait3A_833 : memref<80x128xi32, #tpu.memory_space<vmem>>)
    %scan3A_838 = arith.constant 0 : i32
    %scan3A_839 = arith.constant 0 : i32
    %scan3A_840 = arith.constant 80 : i32
    %scan3A_841 = arith.addi %scan3A_839, %scan3A_840 : i32
    %scan3A_842 = arith.constant 1 : i32
    scf.for %scan3A_912 = %scan3A_839 to %scan3A_841 step %scan3A_842  : i32 {
      %dma_start3A_913 = arith.constant 1 : i32
      %dma_start3A_914 = arith.constant 1 : i32
      %dma_start3A_915 = arith.constant 0 : i32
      %dma_start3A_916 = tpu.memref_slice %arg6[%dma_start3A_914, %scan3A_912, %dma_start3A_915] : memref<2x80x128xi32, #tpu.memory_space<vmem>> -> memref<1x1x128xi32, #tpu.memory_space<vmem>>
      %dma_start3A_917 = tpu.memref_squeeze %dma_start3A_916 : memref<1x1x128xi32, #tpu.memory_space<vmem>> -> memref<128xi32, #tpu.memory_space<vmem>>
      %dma_start3A_918 = arith.constant 0 : i32
      %dma_start3A_919 = tpu.memref_slice %arg5[%dma_start3A_913, %scan3A_912, %dma_start3A_918] : memref<2x80x128xi32, #tpu.memory_space<vmem>> -> memref<1x1x128xi32, #tpu.memory_space<vmem>>
      %dma_start3A_920 = tpu.memref_squeeze %dma_start3A_919 : memref<1x1x128xi32, #tpu.memory_space<vmem>> -> memref<128xi32, #tpu.memory_space<vmem>>
      %dma_start3A_921 = arith.constant 0 : i32
      %dma_start3A_922 = tpu.memref_slice %arg7[%dma_start3A_921] : memref<1015808xi32, #tpu.memory_space<vmem_shared>> -> memref<1015808xi32, #tpu.memory_space<vmem_shared>>
      tpu.enqueue_indirect_dma source(%dma_start3A_922 : memref<1015808xi32, #tpu.memory_space<vmem_shared>>) target(%dma_start3A_917 : memref<128xi32, #tpu.memory_space<vmem>>) offsets(%dma_start3A_920 : memref<128xi32, #tpu.memory_space<vmem>>) semaphore(%arg8 : memref<!tpu.dma_semaphore, #tpu.memory_space<semaphore_mem>>)
    }
    %scan3A_843 = arith.constant 80 : i32
    %dma_wait3A_844 = arith.constant 1 : i32
    %dma_wait3A_845 = arith.constant 0 : i32
    %dma_wait3A_846 = arith.constant 0 : i32
    %dma_wait3A_847 = tpu.memref_slice %arg6[%dma_wait3A_844, %dma_wait3A_845, %dma_wait3A_846] : memref<2x80x128xi32, #tpu.memory_space<vmem>> -> memref<1x80x128xi32, #tpu.memory_space<vmem>>
    %dma_wait3A_848 = tpu.memref_squeeze %dma_wait3A_847 : memref<1x80x128xi32, #tpu.memory_space<vmem>> -> memref<80x128xi32, #tpu.memory_space<vmem>>
    %dma_wait3A_849 = arith.constant 0 : i32
    %dma_wait3A_850 = arith.constant 0 : i32
    %dma_wait3A_851 = tpu.memref_slice %arg2[%add3A, %dma_wait3A_849, %dma_wait3A_850] : memref<32x800x128xi32, #tpu.memory_space<hbm>> -> memref<1x80x128xi32, #tpu.memory_space<hbm>>
    %dma_wait3A_852 = tpu.memref_squeeze %dma_wait3A_851 : memref<1x80x128xi32, #tpu.memory_space<hbm>> -> memref<80x128xi32, #tpu.memory_space<hbm>>
    %dma_wait3A_853 = arith.constant 0 : i32
    %dma_wait3A_854 = arith.constant 0 : i32
    %dma_wait3A_855 = tpu.memref_slice %arg6[%dma_wait3A_844, %dma_wait3A_853, %dma_wait3A_854] : memref<2x80x128xi32, #tpu.memory_space<vmem>> -> memref<1x80x128xi32, #tpu.memory_space<vmem>>
    %dma_wait3A_856 = tpu.memref_squeeze %dma_wait3A_855 : memref<1x80x128xi32, #tpu.memory_space<vmem>> -> memref<80x128xi32, #tpu.memory_space<vmem>>
    %dma_wait3A_857 = arith.constant 0 : i32
    %dma_wait3A_858 = arith.constant 0 : i32
    %dma_wait3A_859 = tpu.memref_slice %arg2[%add3A, %dma_wait3A_857, %dma_wait3A_858] : memref<32x800x128xi32, #tpu.memory_space<hbm>> -> memref<1x80x128xi32, #tpu.memory_space<hbm>>
    %dma_wait3A_860 = tpu.memref_squeeze %dma_wait3A_859 : memref<1x80x128xi32, #tpu.memory_space<hbm>> -> memref<80x128xi32, #tpu.memory_space<hbm>>
    tpu.wait_dma2 semaphore(%arg8 : memref<!tpu.dma_semaphore, #tpu.memory_space<semaphore_mem>>) src(%dma_wait3A_860 : memref<80x128xi32, #tpu.memory_space<hbm>>) dst(%dma_wait3A_856 : memref<80x128xi32, #tpu.memory_space<vmem>>)
    %dma_start3A_861 = arith.constant 1 : i32
    %dma_start3A_862 = arith.constant 0 : i32
    %dma_start3A_863 = arith.constant 0 : i32
    %dma_start3A_864 = tpu.memref_slice %arg6[%dma_start3A_861, %dma_start3A_862, %dma_start3A_863] : memref<2x80x128xi32, #tpu.memory_space<vmem>> -> memref<1x80x128xi32, #tpu.memory_space<vmem>>
    %dma_start3A_865 = tpu.memref_squeeze %dma_start3A_864 : memref<1x80x128xi32, #tpu.memory_space<vmem>> -> memref<80x128xi32, #tpu.memory_space<vmem>>
    %dma_start3A_866 = arith.constant 720 : i32
    %dma_start3A_867 = arith.constant 0 : i32
    %dma_start3A_868 = tpu.memref_slice %arg4[%add3A, %dma_start3A_866, %dma_start3A_867] : memref<32x800x128xi32, #tpu.memory_space<hbm>> -> memref<1x80x128xi32, #tpu.memory_space<hbm>>
    %dma_start3A_869 = tpu.memref_squeeze %dma_start3A_868 : memref<1x80x128xi32, #tpu.memory_space<hbm>> -> memref<80x128xi32, #tpu.memory_space<hbm>>
    %dma_start3A_870 = arith.constant 720 : i32
    %dma_start3A_871 = arith.constant 0 : i32
    %dma_start3A_872 = tpu.memref_slice %arg4[%add3A, %dma_start3A_870, %dma_start3A_871] : memref<32x800x128xi32, #tpu.memory_space<hbm>> -> memref<1x80x128xi32, #tpu.memory_space<hbm>>
    %dma_start3A_873 = tpu.memref_squeeze %dma_start3A_872 : memref<1x80x128xi32, #tpu.memory_space<hbm>> -> memref<80x128xi32, #tpu.memory_space<hbm>>
    %dma_start3A_874 = arith.constant 0 : i32
    %dma_start3A_875 = arith.constant 0 : i32
    %dma_start3A_876 = tpu.memref_slice %arg6[%dma_start3A_861, %dma_start3A_874, %dma_start3A_875] : memref<2x80x128xi32, #tpu.memory_space<vmem>> -> memref<1x80x128xi32, #tpu.memory_space<vmem>>
    %dma_start3A_877 = tpu.memref_squeeze %dma_start3A_876 : memref<1x80x128xi32, #tpu.memory_space<vmem>> -> memref<80x128xi32, #tpu.memory_space<vmem>>
    tpu.enqueue_dma source(%dma_start3A_877 : memref<80x128xi32, #tpu.memory_space<vmem>>) target(%dma_start3A_873 : memref<80x128xi32, #tpu.memory_space<hbm>>) target_semaphore(%arg10 : memref<!tpu.dma_semaphore, #tpu.memory_space<semaphore_mem>>)
    %dma_wait3A_878 = arith.constant 0 : i32
    %dma_wait3A_879 = arith.constant 0 : i32
    %dma_wait3A_880 = arith.constant 0 : i32
    %dma_wait3A_881 = tpu.memref_slice %arg6[%dma_wait3A_878, %dma_wait3A_879, %dma_wait3A_880] : memref<2x80x128xi32, #tpu.memory_space<vmem>> -> memref<1x80x128xi32, #tpu.memory_space<vmem>>
    %dma_wait3A_882 = tpu.memref_squeeze %dma_wait3A_881 : memref<1x80x128xi32, #tpu.memory_space<vmem>> -> memref<80x128xi32, #tpu.memory_space<vmem>>
    %dma_wait3A_883 = arith.constant 0 : i32
    %dma_wait3A_884 = arith.constant 0 : i32
    %dma_wait3A_885 = tpu.memref_slice %arg2[%add3A, %dma_wait3A_883, %dma_wait3A_884] : memref<32x800x128xi32, #tpu.memory_space<hbm>> -> memref<1x80x128xi32, #tpu.memory_space<hbm>>
    %dma_wait3A_886 = tpu.memref_squeeze %dma_wait3A_885 : memref<1x80x128xi32, #tpu.memory_space<hbm>> -> memref<80x128xi32, #tpu.memory_space<hbm>>
    %dma_wait3A_887 = arith.constant 0 : i32
    %dma_wait3A_888 = arith.constant 0 : i32
    %dma_wait3A_889 = tpu.memref_slice %arg6[%dma_wait3A_878, %dma_wait3A_887, %dma_wait3A_888] : memref<2x80x128xi32, #tpu.memory_space<vmem>> -> memref<1x80x128xi32, #tpu.memory_space<vmem>>
    %dma_wait3A_890 = tpu.memref_squeeze %dma_wait3A_889 : memref<1x80x128xi32, #tpu.memory_space<vmem>> -> memref<80x128xi32, #tpu.memory_space<vmem>>
    %dma_wait3A_891 = arith.constant 0 : i32
    %dma_wait3A_892 = arith.constant 0 : i32
    %dma_wait3A_893 = tpu.memref_slice %arg2[%add3A, %dma_wait3A_891, %dma_wait3A_892] : memref<32x800x128xi32, #tpu.memory_space<hbm>> -> memref<1x80x128xi32, #tpu.memory_space<hbm>>
    %dma_wait3A_894 = tpu.memref_squeeze %dma_wait3A_893 : memref<1x80x128xi32, #tpu.memory_space<hbm>> -> memref<80x128xi32, #tpu.memory_space<hbm>>
    tpu.wait_dma2 semaphore(%arg10 : memref<!tpu.dma_semaphore, #tpu.memory_space<semaphore_mem>>) src(%dma_wait3A_894 : memref<80x128xi32, #tpu.memory_space<hbm>>) dst(%dma_wait3A_890 : memref<80x128xi32, #tpu.memory_space<vmem>>)
    %dma_wait3A_895 = arith.constant 1 : i32
    %dma_wait3A_896 = arith.constant 0 : i32
    %dma_wait3A_897 = arith.constant 0 : i32
    %dma_wait3A_898 = tpu.memref_slice %arg6[%dma_wait3A_895, %dma_wait3A_896, %dma_wait3A_897] : memref<2x80x128xi32, #tpu.memory_space<vmem>> -> memref<1x80x128xi32, #tpu.memory_space<vmem>>
    %dma_wait3A_899 = tpu.memref_squeeze %dma_wait3A_898 : memref<1x80x128xi32, #tpu.memory_space<vmem>> -> memref<80x128xi32, #tpu.memory_space<vmem>>
    %dma_wait3A_900 = arith.constant 0 : i32
    %dma_wait3A_901 = arith.constant 0 : i32
    %dma_wait3A_902 = tpu.memref_slice %arg2[%add3A, %dma_wait3A_900, %dma_wait3A_901] : memref<32x800x128xi32, #tpu.memory_space<hbm>> -> memref<1x80x128xi32, #tpu.memory_space<hbm>>
    %dma_wait3A_903 = tpu.memref_squeeze %dma_wait3A_902 : memref<1x80x128xi32, #tpu.memory_space<hbm>> -> memref<80x128xi32, #tpu.memory_space<hbm>>
    %dma_wait3A_904 = arith.constant 0 : i32
    %dma_wait3A_905 = arith.constant 0 : i32
    %dma_wait3A_906 = tpu.memref_slice %arg6[%dma_wait3A_895, %dma_wait3A_904, %dma_wait3A_905] : memref<2x80x128xi32, #tpu.memory_space<vmem>> -> memref<1x80x128xi32, #tpu.memory_space<vmem>>
    %dma_wait3A_907 = tpu.memref_squeeze %dma_wait3A_906 : memref<1x80x128xi32, #tpu.memory_space<vmem>> -> memref<80x128xi32, #tpu.memory_space<vmem>>
    %dma_wait3A_908 = arith.constant 0 : i32
    %dma_wait3A_909 = arith.constant 0 : i32
    %dma_wait3A_910 = tpu.memref_slice %arg2[%add3A, %dma_wait3A_908, %dma_wait3A_909] : memref<32x800x128xi32, #tpu.memory_space<hbm>> -> memref<1x80x128xi32, #tpu.memory_space<hbm>>
    %dma_wait3A_911 = tpu.memref_squeeze %dma_wait3A_910 : memref<1x80x128xi32, #tpu.memory_space<hbm>> -> memref<80x128xi32, #tpu.memory_space<hbm>>
    tpu.wait_dma2 semaphore(%arg10 : memref<!tpu.dma_semaphore, #tpu.memory_space<semaphore_mem>>) src(%dma_wait3A_911 : memref<80x128xi32, #tpu.memory_space<hbm>>) dst(%dma_wait3A_907 : memref<80x128xi32, #tpu.memory_space<vmem>>)
    return
  }
}

#map = affine_map<(d0, d1) -> (0, 0)>
#map1 = affine_map<(d0, d1) -> (0, 0, 0)>
module attributes {stable_mosaic.version = 14 : i64} {
  func.func @_build_kernel(%arg0: i32, %arg1: i32, %arg2: memref<7936x128xi32, #tpu.memory_space<hbm>>, %arg3: memref<32x248x128xi32, #tpu.memory_space<hbm>>, %arg4: memref<496x128xi32, #tpu.memory_space<vmem>>, %arg5: memref<16x128xi32, #tpu.memory_space<vmem>>, %arg6: memref<1015808xi32, #tpu.memory_space<vmem_shared>>, %arg7: memref<!tpu.dma_semaphore, #tpu.memory_space<semaphore_mem>>, %arg8: memref<!tpu.dma_semaphore, #tpu.memory_space<semaphore_mem>>) attributes {dimension_semantics = [#tpu.dimension_semantics<core_parallel>, #tpu.dimension_semantics<subcore_parallel>], iteration_bounds = array<i64: 2, 16>, scalar_prefetch = 0 : i64, scratch_operands = 5 : i64, tpu.core_type = #tpu.core_type<sc_vector_subcore>, window_params = [{transform_indices = #map}, {transform_indices = #map1}]} {
    %mul3A = arith.constant 2 : i32
    %mul3A_0 = arith.muli %arg1, %mul3A : i32
    %add3A = arith.addi %mul3A_0, %arg0 : i32
    %mul3A_1 = arith.constant 63488 : i32
    %mul3A_2 = arith.muli %arg1, %mul3A_1 : i32
    %iota3A = tpu.iota {dimensions = array<i32: 0>} : vector<16xi32>
    %mul3A_3 = arith.constant 496 : i32
    %mul3A_4 = arith.muli %arg1, %mul3A_3 : i32
    "tpu.region"() ({
      %run_scoped3A = tpu.sem_alloc : memref<!tpu.dma_semaphore, #tpu.memory_space<semaphore_mem>>
      %dma_start3A_122 = arith.constant 0 : i32
      %dma_start3A_123 = tpu.memref_slice %arg2[%mul3A_4, %dma_start3A_122] : memref<7936x128xi32, #tpu.memory_space<hbm>> -> memref<496x128xi32, #tpu.memory_space<hbm>>
      %dma_start3A_124 = arith.constant 0 : i32
      %dma_start3A_125 = tpu.memref_slice %arg2[%mul3A_4, %dma_start3A_124] : memref<7936x128xi32, #tpu.memory_space<hbm>> -> memref<496x128xi32, #tpu.memory_space<hbm>>
      tpu.enqueue_dma source(%dma_start3A_125 : memref<496x128xi32, #tpu.memory_space<hbm>>) target(%arg4 : memref<496x128xi32, #tpu.memory_space<vmem>>) target_semaphore(%run_scoped3A : memref<!tpu.dma_semaphore, #tpu.memory_space<semaphore_mem>>)
      %dma_wait3A_126 = arith.constant 0 : i32
      %dma_wait3A_127 = tpu.memref_slice %arg2[%mul3A_4, %dma_wait3A_126] : memref<7936x128xi32, #tpu.memory_space<hbm>> -> memref<496x128xi32, #tpu.memory_space<hbm>>
      %dma_wait3A_128 = arith.constant 0 : i32
      %dma_wait3A_129 = tpu.memref_slice %arg2[%mul3A_4, %dma_wait3A_128] : memref<7936x128xi32, #tpu.memory_space<hbm>> -> memref<496x128xi32, #tpu.memory_space<hbm>>
      tpu.wait_dma2 semaphore(%run_scoped3A : memref<!tpu.dma_semaphore, #tpu.memory_space<semaphore_mem>>) src(%dma_wait3A_129 : memref<496x128xi32, #tpu.memory_space<hbm>>) dst(%arg4 : memref<496x128xi32, #tpu.memory_space<vmem>>)
      tpu.yield
    }) : () -> ()
    %scan3A = arith.constant 0 : i32
    %scan3A_5 = arith.constant 0 : i32
    %scan3A_6 = arith.constant 64 : i32
    %scan3A_7 = arith.addi %scan3A_5, %scan3A_6 : i32
    %scan3A_8 = arith.constant 1 : i32
    scf.for %scan3A_122 = %scan3A_5 to %scan3A_7 step %scan3A_8  : i32 {
      %add3A_123 = arith.constant 0 : i32
      %add3A_124 = arith.addi %mul3A_2, %add3A_123 : i32
      %mul3A_125 = arith.constant 16 : i32
      %mul3A_126 = arith.muli %scan3A_122, %mul3A_125 : i32
      %add3A_127 = arith.addi %add3A_124, %mul3A_126 : i32
      %add3A_128 = vector.broadcast %add3A_127 : i32 to vector<16xi32>
      %add3A_129 = arith.addi %iota3A, %add3A_128 : vector<16xi32>
      %jit3A = arith.constant 8 : i32
      %div3A = arith.divsi %scan3A_122, %jit3A : i32
      %sign3A = arith.constant 0 : i32
      %sign3A_130 = arith.cmpi sgt, %scan3A_122, %sign3A : i32
      %sign3A_131 = arith.extui %sign3A_130 : i1 to i32
      %sign3A_132 = arith.constant 0 : i32
      %sign3A_133 = arith.cmpi slt, %scan3A_122, %sign3A_132 : i32
      %sign3A_134 = arith.extui %sign3A_133 : i1 to i32
      %sign3A_135 = arith.subi %sign3A_131, %sign3A_134 : i32
      %sign3A_136 = arith.constant 0 : i32
      %sign3A_137 = arith.cmpi sgt, %jit3A, %sign3A_136 : i32
      %sign3A_138 = arith.extui %sign3A_137 : i1 to i32
      %sign3A_139 = arith.constant 0 : i32
      %sign3A_140 = arith.cmpi slt, %jit3A, %sign3A_139 : i32
      %sign3A_141 = arith.extui %sign3A_140 : i1 to i32
      %sign3A_142 = arith.subi %sign3A_138, %sign3A_141 : i32
      %ne3A = arith.cmpi ne, %sign3A_135, %sign3A_142 : i32
      %rem3A = arith.remsi %scan3A_122, %jit3A : i32
      %ne3A_143 = arith.constant 0 : i32
      %ne3A_144 = arith.cmpi ne, %rem3A, %ne3A_143 : i32
      %and3A = arith.andi %ne3A, %ne3A_144 : i1
      %sub3A = arith.constant 1 : i32
      %sub3A_145 = arith.subi %div3A, %sub3A : i32
      %select_n3A = arith.select %and3A, %sub3A_145, %div3A : i32
      %add3A_146 = arith.constant 0 : i32
      %add3A_147 = arith.addi %add3A_146, %select_n3A : i32
      %jit3A_148 = arith.constant 8 : i32
      %eq3A = arith.constant 0 : i32
      %eq3A_149 = arith.cmpi eq, %jit3A_148, %eq3A : i32
      %jit3A_150 = arith.constant 1 : i32
      %select_n3A_151 = arith.select %eq3A_149, %jit3A_150, %jit3A_148 : i32
      %rem3A_152 = arith.remsi %scan3A_122, %select_n3A_151 : i32
      %ne3A_153 = arith.constant 0 : i32
      %ne3A_154 = arith.cmpi ne, %rem3A_152, %ne3A_153 : i32
      %lt3A = arith.constant 0 : i32
      %lt3A_155 = arith.cmpi slt, %rem3A_152, %lt3A : i32
      %lt3A_156 = arith.constant 0 : i32
      %lt3A_157 = arith.cmpi slt, %select_n3A_151, %lt3A_156 : i32
      %ne3A_158 = arith.xori %lt3A_155, %lt3A_157 : i1
      %and3A_159 = arith.andi %ne3A_158, %ne3A_154 : i1
      %add3A_160 = arith.addi %rem3A_152, %select_n3A_151 : i32
      %select_n3A_161 = arith.select %and3A_159, %add3A_160, %rem3A_152 : i32
      %mul3A_162 = arith.constant 16 : i32
      %mul3A_163 = arith.muli %select_n3A_161, %mul3A_162 : i32
      %swap3A = arith.index_cast %add3A_147 : i32 to index
      %swap3A_164 = arith.index_cast %mul3A_163 : i32 to index
      %swap3A_165 = tpu.vector_load %arg5[%swap3A, %swap3A_164] {strides = array<i32>} : memref<16x128xi32, #tpu.memory_space<vmem>>, vector<1x16xi32>,
      %swap3A_166 = vector.shape_cast %swap3A_165 : vector<1x16xi32> to vector<16xi32>
      %swap3A_167 = vector.shape_cast %add3A_129 : vector<16xi32> to vector<1x16xi32>
      tpu.vector_store %arg5[%swap3A, %swap3A_164], %swap3A_167 {strides = array<i32>} : memref<16x128xi32, #tpu.memory_space<vmem>>, vector<1x16xi32>,
    }
    %scan3A_9 = arith.constant 64 : i32
    %scan3A_10 = arith.constant 0 : i32
    %scan3A_11 = arith.constant 0 : i32
    %scan3A_12 = arith.constant 8 : i32
    %scan3A_13 = arith.addi %scan3A_11, %scan3A_12 : i32
    %scan3A_14 = arith.constant 1 : i32
    scf.for %scan3A_122 = %scan3A_11 to %scan3A_13 step %scan3A_14  : i32 {
      %add3A_123 = arith.constant 0 : i32
      %add3A_124 = arith.addi %add3A_123, %scan3A_122 : i32
      %add3A_125 = arith.constant 0 : i32
      %add3A_126 = arith.addi %add3A_125, %scan3A_122 : i32
      %dma_start3A_127 = arith.constant 0 : i32
      %dma_start3A_128 = tpu.memref_slice %arg5[%add3A_124, %dma_start3A_127] : memref<16x128xi32, #tpu.memory_space<vmem>> -> memref<1x128xi32, #tpu.memory_space<vmem>>
      %dma_start3A_129 = tpu.memref_squeeze %dma_start3A_128 : memref<1x128xi32, #tpu.memory_space<vmem>> -> memref<128xi32, #tpu.memory_space<vmem>>
      %dma_start3A_130 = arith.constant 0 : i32
      %dma_start3A_131 = tpu.memref_slice %arg4[%add3A_126, %dma_start3A_130] : memref<496x128xi32, #tpu.memory_space<vmem>> -> memref<1x128xi32, #tpu.memory_space<vmem>>
      %dma_start3A_132 = tpu.memref_squeeze %dma_start3A_131 : memref<1x128xi32, #tpu.memory_space<vmem>> -> memref<128xi32, #tpu.memory_space<vmem>>
      %dma_start3A_133 = arith.constant 0 : i32
      %dma_start3A_134 = tpu.memref_slice %arg6[%dma_start3A_133] : memref<1015808xi32, #tpu.memory_space<vmem_shared>> -> memref<1015808xi32, #tpu.memory_space<vmem_shared>>
      tpu.enqueue_indirect_dma source(%dma_start3A_129 : memref<128xi32, #tpu.memory_space<vmem>>) target(%dma_start3A_134 : memref<1015808xi32, #tpu.memory_space<vmem_shared>>) offsets(%dma_start3A_132 : memref<128xi32, #tpu.memory_space<vmem>>) semaphore(%arg7 : memref<!tpu.dma_semaphore, #tpu.memory_space<semaphore_mem>>)
    }
    %scan3A_15 = arith.constant 8 : i32
    %scan3A_16 = arith.constant 0 : i32
    %scan3A_17 = arith.constant 0 : i32
    %scan3A_18 = arith.constant 64 : i32
    %scan3A_19 = arith.addi %scan3A_17, %scan3A_18 : i32
    %scan3A_20 = arith.constant 1 : i32
    scf.for %scan3A_122 = %scan3A_17 to %scan3A_19 step %scan3A_20  : i32 {
      %add3A_123 = arith.constant 1024 : i32
      %add3A_124 = arith.addi %mul3A_2, %add3A_123 : i32
      %mul3A_125 = arith.constant 16 : i32
      %mul3A_126 = arith.muli %scan3A_122, %mul3A_125 : i32
      %add3A_127 = arith.addi %add3A_124, %mul3A_126 : i32
      %add3A_128 = vector.broadcast %add3A_127 : i32 to vector<16xi32>
      %add3A_129 = arith.addi %iota3A, %add3A_128 : vector<16xi32>
      %jit3A = arith.constant 8 : i32
      %div3A = arith.divsi %scan3A_122, %jit3A : i32
      %sign3A = arith.constant 0 : i32
      %sign3A_130 = arith.cmpi sgt, %scan3A_122, %sign3A : i32
      %sign3A_131 = arith.extui %sign3A_130 : i1 to i32
      %sign3A_132 = arith.constant 0 : i32
      %sign3A_133 = arith.cmpi slt, %scan3A_122, %sign3A_132 : i32
      %sign3A_134 = arith.extui %sign3A_133 : i1 to i32
      %sign3A_135 = arith.subi %sign3A_131, %sign3A_134 : i32
      %sign3A_136 = arith.constant 0 : i32
      %sign3A_137 = arith.cmpi sgt, %jit3A, %sign3A_136 : i32
      %sign3A_138 = arith.extui %sign3A_137 : i1 to i32
      %sign3A_139 = arith.constant 0 : i32
      %sign3A_140 = arith.cmpi slt, %jit3A, %sign3A_139 : i32
      %sign3A_141 = arith.extui %sign3A_140 : i1 to i32
      %sign3A_142 = arith.subi %sign3A_138, %sign3A_141 : i32
      %ne3A = arith.cmpi ne, %sign3A_135, %sign3A_142 : i32
      %rem3A = arith.remsi %scan3A_122, %jit3A : i32
      %ne3A_143 = arith.constant 0 : i32
      %ne3A_144 = arith.cmpi ne, %rem3A, %ne3A_143 : i32
      %and3A = arith.andi %ne3A, %ne3A_144 : i1
      %sub3A = arith.constant 1 : i32
      %sub3A_145 = arith.subi %div3A, %sub3A : i32
      %select_n3A = arith.select %and3A, %sub3A_145, %div3A : i32
      %add3A_146 = arith.constant 8 : i32
      %add3A_147 = arith.addi %add3A_146, %select_n3A : i32
      %jit3A_148 = arith.constant 8 : i32
      %eq3A = arith.constant 0 : i32
      %eq3A_149 = arith.cmpi eq, %jit3A_148, %eq3A : i32
      %jit3A_150 = arith.constant 1 : i32
      %select_n3A_151 = arith.select %eq3A_149, %jit3A_150, %jit3A_148 : i32
      %rem3A_152 = arith.remsi %scan3A_122, %select_n3A_151 : i32
      %ne3A_153 = arith.constant 0 : i32
      %ne3A_154 = arith.cmpi ne, %rem3A_152, %ne3A_153 : i32
      %lt3A = arith.constant 0 : i32
      %lt3A_155 = arith.cmpi slt, %rem3A_152, %lt3A : i32
      %lt3A_156 = arith.constant 0 : i32
      %lt3A_157 = arith.cmpi slt, %select_n3A_151, %lt3A_156 : i32
      %ne3A_158 = arith.xori %lt3A_155, %lt3A_157 : i1
      %and3A_159 = arith.andi %ne3A_158, %ne3A_154 : i1
      %add3A_160 = arith.addi %rem3A_152, %select_n3A_151 : i32
      %select_n3A_161 = arith.select %and3A_159, %add3A_160, %rem3A_152 : i32
      %mul3A_162 = arith.constant 16 : i32
      %mul3A_163 = arith.muli %select_n3A_161, %mul3A_162 : i32
      %swap3A = arith.index_cast %add3A_147 : i32 to index
      %swap3A_164 = arith.index_cast %mul3A_163 : i32 to index
      %swap3A_165 = tpu.vector_load %arg5[%swap3A, %swap3A_164] {strides = array<i32>} : memref<16x128xi32, #tpu.memory_space<vmem>>, vector<1x16xi32>,
      %swap3A_166 = vector.shape_cast %swap3A_165 : vector<1x16xi32> to vector<16xi32>
      %swap3A_167 = vector.shape_cast %add3A_129 : vector<16xi32> to vector<1x16xi32>
      tpu.vector_store %arg5[%swap3A, %swap3A_164], %swap3A_167 {strides = array<i32>} : memref<16x128xi32, #tpu.memory_space<vmem>>, vector<1x16xi32>,
    }
    %scan3A_21 = arith.constant 64 : i32
    %scan3A_22 = arith.constant 0 : i32
    %scan3A_23 = arith.constant 0 : i32
    %scan3A_24 = arith.constant 8 : i32
    %scan3A_25 = arith.addi %scan3A_23, %scan3A_24 : i32
    %scan3A_26 = arith.constant 1 : i32
    scf.for %scan3A_122 = %scan3A_23 to %scan3A_25 step %scan3A_26  : i32 {
      %add3A_123 = arith.constant 8 : i32
      %add3A_124 = arith.addi %add3A_123, %scan3A_122 : i32
      %add3A_125 = arith.constant 8 : i32
      %add3A_126 = arith.addi %add3A_125, %scan3A_122 : i32
      %dma_start3A_127 = arith.constant 0 : i32
      %dma_start3A_128 = tpu.memref_slice %arg5[%add3A_124, %dma_start3A_127] : memref<16x128xi32, #tpu.memory_space<vmem>> -> memref<1x128xi32, #tpu.memory_space<vmem>>
      %dma_start3A_129 = tpu.memref_squeeze %dma_start3A_128 : memref<1x128xi32, #tpu.memory_space<vmem>> -> memref<128xi32, #tpu.memory_space<vmem>>
      %dma_start3A_130 = arith.constant 0 : i32
      %dma_start3A_131 = tpu.memref_slice %arg4[%add3A_126, %dma_start3A_130] : memref<496x128xi32, #tpu.memory_space<vmem>> -> memref<1x128xi32, #tpu.memory_space<vmem>>
      %dma_start3A_132 = tpu.memref_squeeze %dma_start3A_131 : memref<1x128xi32, #tpu.memory_space<vmem>> -> memref<128xi32, #tpu.memory_space<vmem>>
      %dma_start3A_133 = arith.constant 0 : i32
      %dma_start3A_134 = tpu.memref_slice %arg6[%dma_start3A_133] : memref<1015808xi32, #tpu.memory_space<vmem_shared>> -> memref<1015808xi32, #tpu.memory_space<vmem_shared>>
      tpu.enqueue_indirect_dma source(%dma_start3A_129 : memref<128xi32, #tpu.memory_space<vmem>>) target(%dma_start3A_134 : memref<1015808xi32, #tpu.memory_space<vmem_shared>>) offsets(%dma_start3A_132 : memref<128xi32, #tpu.memory_space<vmem>>) semaphore(%arg7 : memref<!tpu.dma_semaphore, #tpu.memory_space<semaphore_mem>>)
    }
    %scan3A_27 = arith.constant 8 : i32
    %scan3A_28 = arith.constant 0 : i32
    %scan3A_29 = arith.constant 2 : i32
    %scan3A_30 = arith.constant 60 : i32
    %scan3A_31 = arith.addi %scan3A_29, %scan3A_30 : i32
    %scan3A_32 = arith.constant 1 : i32
    scf.for %scan3A_122 = %scan3A_29 to %scan3A_31 step %scan3A_32  : i32 {
      %dma_wait3A_123 = arith.constant 0 : i32
      %dma_wait3A_124 = arith.constant 0 : i32
      %dma_wait3A_125 = tpu.memref_slice %arg5[%dma_wait3A_123, %dma_wait3A_124] : memref<16x128xi32, #tpu.memory_space<vmem>> -> memref<8x128xi32, #tpu.memory_space<vmem>>
      %dma_wait3A_126 = arith.constant 0 : i32
      %dma_wait3A_127 = arith.constant 0 : i32
      %dma_wait3A_128 = tpu.memref_slice %arg3[%add3A, %dma_wait3A_126, %dma_wait3A_127] : memref<32x248x128xi32, #tpu.memory_space<hbm>> -> memref<1x8x128xi32, #tpu.memory_space<hbm>>
      %dma_wait3A_129 = tpu.memref_squeeze %dma_wait3A_128 : memref<1x8x128xi32, #tpu.memory_space<hbm>> -> memref<8x128xi32, #tpu.memory_space<hbm>>
      %dma_wait3A_130 = arith.constant 0 : i32
      %dma_wait3A_131 = arith.constant 0 : i32
      %dma_wait3A_132 = tpu.memref_slice %arg5[%dma_wait3A_130, %dma_wait3A_131] : memref<16x128xi32, #tpu.memory_space<vmem>> -> memref<8x128xi32, #tpu.memory_space<vmem>>
      %dma_wait3A_133 = arith.constant 0 : i32
      %dma_wait3A_134 = arith.constant 0 : i32
      %dma_wait3A_135 = tpu.memref_slice %arg3[%add3A, %dma_wait3A_133, %dma_wait3A_134] : memref<32x248x128xi32, #tpu.memory_space<hbm>> -> memref<1x8x128xi32, #tpu.memory_space<hbm>>
      %dma_wait3A_136 = tpu.memref_squeeze %dma_wait3A_135 : memref<1x8x128xi32, #tpu.memory_space<hbm>> -> memref<8x128xi32, #tpu.memory_space<hbm>>
      tpu.wait_dma2 semaphore(%arg7 : memref<!tpu.dma_semaphore, #tpu.memory_space<semaphore_mem>>) src(%dma_wait3A_136 : memref<8x128xi32, #tpu.memory_space<hbm>>) dst(%dma_wait3A_132 : memref<8x128xi32, #tpu.memory_space<vmem>>)
      %jit3A = arith.constant 2 : i32
      %eq3A = arith.constant 0 : i32
      %eq3A_137 = arith.cmpi eq, %jit3A, %eq3A : i32
      %jit3A_138 = arith.constant 1 : i32
      %select_n3A = arith.select %eq3A_137, %jit3A_138, %jit3A : i32
      %rem3A = arith.remsi %scan3A_122, %select_n3A : i32
      %ne3A = arith.constant 0 : i32
      %ne3A_139 = arith.cmpi ne, %rem3A, %ne3A : i32
      %lt3A = arith.constant 0 : i32
      %lt3A_140 = arith.cmpi slt, %rem3A, %lt3A : i32
      %lt3A_141 = arith.constant 0 : i32
      %lt3A_142 = arith.cmpi slt, %select_n3A, %lt3A_141 : i32
      %ne3A_143 = arith.xori %lt3A_140, %lt3A_142 : i1
      %and3A = arith.andi %ne3A_143, %ne3A_139 : i1
      %add3A_144 = arith.addi %rem3A, %select_n3A : i32
      %select_n3A_145 = arith.select %and3A, %add3A_144, %rem3A : i32
      %mul3A_146 = arith.constant 8 : i32
      %mul3A_147 = arith.muli %select_n3A_145, %mul3A_146 : i32
      %scan3A_148 = arith.constant 0 : i32
      %scan3A_149 = arith.constant 0 : i32
      %scan3A_150 = arith.constant 64 : i32
      %scan3A_151 = arith.addi %scan3A_149, %scan3A_150 : i32
      %scan3A_152 = arith.constant 1 : i32
      scf.for %scan3A_160 = %scan3A_149 to %scan3A_151 step %scan3A_152  : i32 {
        %mul3A_161 = arith.constant 1024 : i32
        %mul3A_162 = arith.muli %scan3A_122, %mul3A_161 : i32
        %add3A_163 = arith.addi %mul3A_2, %mul3A_162 : i32
        %mul3A_164 = arith.constant 16 : i32
        %mul3A_165 = arith.muli %scan3A_160, %mul3A_164 : i32
        %add3A_166 = arith.addi %add3A_163, %mul3A_165 : i32
        %add3A_167 = vector.broadcast %add3A_166 : i32 to vector<16xi32>
        %add3A_168 = arith.addi %iota3A, %add3A_167 : vector<16xi32>
        %jit3A_169 = arith.constant 8 : i32
        %div3A = arith.divsi %scan3A_160, %jit3A_169 : i32
        %sign3A = arith.constant 0 : i32
        %sign3A_170 = arith.cmpi sgt, %scan3A_160, %sign3A : i32
        %sign3A_171 = arith.extui %sign3A_170 : i1 to i32
        %sign3A_172 = arith.constant 0 : i32
        %sign3A_173 = arith.cmpi slt, %scan3A_160, %sign3A_172 : i32
        %sign3A_174 = arith.extui %sign3A_173 : i1 to i32
        %sign3A_175 = arith.subi %sign3A_171, %sign3A_174 : i32
        %sign3A_176 = arith.constant 0 : i32
        %sign3A_177 = arith.cmpi sgt, %jit3A_169, %sign3A_176 : i32
        %sign3A_178 = arith.extui %sign3A_177 : i1 to i32
        %sign3A_179 = arith.constant 0 : i32
        %sign3A_180 = arith.cmpi slt, %jit3A_169, %sign3A_179 : i32
        %sign3A_181 = arith.extui %sign3A_180 : i1 to i32
        %sign3A_182 = arith.subi %sign3A_178, %sign3A_181 : i32
        %ne3A_183 = arith.cmpi ne, %sign3A_175, %sign3A_182 : i32
        %rem3A_184 = arith.remsi %scan3A_160, %jit3A_169 : i32
        %ne3A_185 = arith.constant 0 : i32
        %ne3A_186 = arith.cmpi ne, %rem3A_184, %ne3A_185 : i32
        %and3A_187 = arith.andi %ne3A_183, %ne3A_186 : i1
        %sub3A = arith.constant 1 : i32
        %sub3A_188 = arith.subi %div3A, %sub3A : i32
        %select_n3A_189 = arith.select %and3A_187, %sub3A_188, %div3A : i32
        %add3A_190 = arith.addi %mul3A_147, %select_n3A_189 : i32
        %jit3A_191 = arith.constant 8 : i32
        %eq3A_192 = arith.constant 0 : i32
        %eq3A_193 = arith.cmpi eq, %jit3A_191, %eq3A_192 : i32
        %jit3A_194 = arith.constant 1 : i32
        %select_n3A_195 = arith.select %eq3A_193, %jit3A_194, %jit3A_191 : i32
        %rem3A_196 = arith.remsi %scan3A_160, %select_n3A_195 : i32
        %ne3A_197 = arith.constant 0 : i32
        %ne3A_198 = arith.cmpi ne, %rem3A_196, %ne3A_197 : i32
        %lt3A_199 = arith.constant 0 : i32
        %lt3A_200 = arith.cmpi slt, %rem3A_196, %lt3A_199 : i32
        %lt3A_201 = arith.constant 0 : i32
        %lt3A_202 = arith.cmpi slt, %select_n3A_195, %lt3A_201 : i32
        %ne3A_203 = arith.xori %lt3A_200, %lt3A_202 : i1
        %and3A_204 = arith.andi %ne3A_203, %ne3A_198 : i1
        %add3A_205 = arith.addi %rem3A_196, %select_n3A_195 : i32
        %select_n3A_206 = arith.select %and3A_204, %add3A_205, %rem3A_196 : i32
        %mul3A_207 = arith.constant 16 : i32
        %mul3A_208 = arith.muli %select_n3A_206, %mul3A_207 : i32
        %swap3A = arith.index_cast %add3A_190 : i32 to index
        %swap3A_209 = arith.index_cast %mul3A_208 : i32 to index
        %swap3A_210 = tpu.vector_load %arg5[%swap3A, %swap3A_209] {strides = array<i32>} : memref<16x128xi32, #tpu.memory_space<vmem>>, vector<1x16xi32>,
        %swap3A_211 = vector.shape_cast %swap3A_210 : vector<1x16xi32> to vector<16xi32>
        %swap3A_212 = vector.shape_cast %add3A_168 : vector<16xi32> to vector<1x16xi32>
        tpu.vector_store %arg5[%swap3A, %swap3A_209], %swap3A_212 {strides = array<i32>} : memref<16x128xi32, #tpu.memory_space<vmem>>, vector<1x16xi32>,
      }
      %scan3A_153 = arith.constant 64 : i32
      %scan3A_154 = arith.constant 0 : i32
      %scan3A_155 = arith.constant 0 : i32
      %scan3A_156 = arith.constant 8 : i32
      %scan3A_157 = arith.addi %scan3A_155, %scan3A_156 : i32
      %scan3A_158 = arith.constant 1 : i32
      scf.for %scan3A_160 = %scan3A_155 to %scan3A_157 step %scan3A_158  : i32 {
        %add3A_161 = arith.addi %mul3A_147, %scan3A_160 : i32
        %mul3A_162 = arith.constant 8 : i32
        %mul3A_163 = arith.muli %scan3A_122, %mul3A_162 : i32
        %add3A_164 = arith.addi %mul3A_163, %scan3A_160 : i32
        %dma_start3A_165 = arith.constant 0 : i32
        %dma_start3A_166 = tpu.memref_slice %arg5[%add3A_161, %dma_start3A_165] : memref<16x128xi32, #tpu.memory_space<vmem>> -> memref<1x128xi32, #tpu.memory_space<vmem>>
        %dma_start3A_167 = tpu.memref_squeeze %dma_start3A_166 : memref<1x128xi32, #tpu.memory_space<vmem>> -> memref<128xi32, #tpu.memory_space<vmem>>
        %dma_start3A_168 = arith.constant 0 : i32
        %dma_start3A_169 = tpu.memref_slice %arg4[%add3A_164, %dma_start3A_168] : memref<496x128xi32, #tpu.memory_space<vmem>> -> memref<1x128xi32, #tpu.memory_space<vmem>>
        %dma_start3A_170 = tpu.memref_squeeze %dma_start3A_169 : memref<1x128xi32, #tpu.memory_space<vmem>> -> memref<128xi32, #tpu.memory_space<vmem>>
        %dma_start3A_171 = arith.constant 0 : i32
        %dma_start3A_172 = tpu.memref_slice %arg6[%dma_start3A_171] : memref<1015808xi32, #tpu.memory_space<vmem_shared>> -> memref<1015808xi32, #tpu.memory_space<vmem_shared>>
        tpu.enqueue_indirect_dma source(%dma_start3A_167 : memref<128xi32, #tpu.memory_space<vmem>>) target(%dma_start3A_172 : memref<1015808xi32, #tpu.memory_space<vmem_shared>>) offsets(%dma_start3A_170 : memref<128xi32, #tpu.memory_space<vmem>>) semaphore(%arg7 : memref<!tpu.dma_semaphore, #tpu.memory_space<semaphore_mem>>)
      }
      %scan3A_159 = arith.constant 8 : i32
    }
    %scan3A_33 = arith.constant 60 : i32
    %dma_wait3A = arith.constant 0 : i32
    %dma_wait3A_34 = arith.constant 0 : i32
    %dma_wait3A_35 = tpu.memref_slice %arg3[%add3A, %dma_wait3A, %dma_wait3A_34] : memref<32x248x128xi32, #tpu.memory_space<hbm>> -> memref<1x16x128xi32, #tpu.memory_space<hbm>>
    %dma_wait3A_36 = tpu.memref_squeeze %dma_wait3A_35 : memref<1x16x128xi32, #tpu.memory_space<hbm>> -> memref<16x128xi32, #tpu.memory_space<hbm>>
    %dma_wait3A_37 = arith.constant 0 : i32
    %dma_wait3A_38 = arith.constant 0 : i32
    %dma_wait3A_39 = tpu.memref_slice %arg3[%add3A, %dma_wait3A_37, %dma_wait3A_38] : memref<32x248x128xi32, #tpu.memory_space<hbm>> -> memref<1x16x128xi32, #tpu.memory_space<hbm>>
    %dma_wait3A_40 = tpu.memref_squeeze %dma_wait3A_39 : memref<1x16x128xi32, #tpu.memory_space<hbm>> -> memref<16x128xi32, #tpu.memory_space<hbm>>
    tpu.wait_dma2 semaphore(%arg7 : memref<!tpu.dma_semaphore, #tpu.memory_space<semaphore_mem>>) src(%dma_wait3A_40 : memref<16x128xi32, #tpu.memory_space<hbm>>) dst(%arg5 : memref<16x128xi32, #tpu.memory_space<vmem>>)
    %barrier3A = arith.constant 0 : index
    tpu.barrier barrier_id(%barrier3A)
    %scan3A_41 = arith.constant 0 : i32
    %scan3A_42 = arith.constant 0 : i32
    %scan3A_43 = arith.constant 8 : i32
    %scan3A_44 = arith.addi %scan3A_42, %scan3A_43 : i32
    %scan3A_45 = arith.constant 1 : i32
    scf.for %scan3A_122 = %scan3A_42 to %scan3A_44 step %scan3A_45  : i32 {
      %mul3A_123 = arith.constant 248 : i32
      %mul3A_124 = arith.muli %arg0, %mul3A_123 : i32
      %add3A_125 = arith.constant 0 : i32
      %add3A_126 = arith.addi %mul3A_124, %add3A_125 : i32
      %add3A_127 = arith.addi %add3A_126, %scan3A_122 : i32
      %add3A_128 = arith.constant 0 : i32
      %add3A_129 = arith.addi %add3A_128, %scan3A_122 : i32
      %dma_start3A_130 = arith.constant 0 : i32
      %dma_start3A_131 = tpu.memref_slice %arg5[%add3A_129, %dma_start3A_130] : memref<16x128xi32, #tpu.memory_space<vmem>> -> memref<1x128xi32, #tpu.memory_space<vmem>>
      %dma_start3A_132 = tpu.memref_squeeze %dma_start3A_131 : memref<1x128xi32, #tpu.memory_space<vmem>> -> memref<128xi32, #tpu.memory_space<vmem>>
      %dma_start3A_133 = arith.constant 0 : i32
      %dma_start3A_134 = tpu.memref_slice %arg4[%add3A_127, %dma_start3A_133] : memref<496x128xi32, #tpu.memory_space<vmem>> -> memref<1x128xi32, #tpu.memory_space<vmem>>
      %dma_start3A_135 = tpu.memref_squeeze %dma_start3A_134 : memref<1x128xi32, #tpu.memory_space<vmem>> -> memref<128xi32, #tpu.memory_space<vmem>>
      %dma_start3A_136 = arith.constant 0 : i32
      %dma_start3A_137 = tpu.memref_slice %arg6[%dma_start3A_136] : memref<1015808xi32, #tpu.memory_space<vmem_shared>> -> memref<1015808xi32, #tpu.memory_space<vmem_shared>>
      tpu.enqueue_indirect_dma source(%dma_start3A_137 : memref<1015808xi32, #tpu.memory_space<vmem_shared>>) target(%dma_start3A_132 : memref<128xi32, #tpu.memory_space<vmem>>) offsets(%dma_start3A_135 : memref<128xi32, #tpu.memory_space<vmem>>) semaphore(%arg7 : memref<!tpu.dma_semaphore, #tpu.memory_space<semaphore_mem>>)
    }
    %scan3A_46 = arith.constant 8 : i32
    %scan3A_47 = arith.constant 0 : i32
    %scan3A_48 = arith.constant 0 : i32
    %scan3A_49 = arith.constant 8 : i32
    %scan3A_50 = arith.addi %scan3A_48, %scan3A_49 : i32
    %scan3A_51 = arith.constant 1 : i32
    scf.for %scan3A_122 = %scan3A_48 to %scan3A_50 step %scan3A_51  : i32 {
      %mul3A_123 = arith.constant 248 : i32
      %mul3A_124 = arith.muli %arg0, %mul3A_123 : i32
      %add3A_125 = arith.constant 8 : i32
      %add3A_126 = arith.addi %mul3A_124, %add3A_125 : i32
      %add3A_127 = arith.addi %add3A_126, %scan3A_122 : i32
      %add3A_128 = arith.constant 8 : i32
      %add3A_129 = arith.addi %add3A_128, %scan3A_122 : i32
      %dma_start3A_130 = arith.constant 0 : i32
      %dma_start3A_131 = tpu.memref_slice %arg5[%add3A_129, %dma_start3A_130] : memref<16x128xi32, #tpu.memory_space<vmem>> -> memref<1x128xi32, #tpu.memory_space<vmem>>
      %dma_start3A_132 = tpu.memref_squeeze %dma_start3A_131 : memref<1x128xi32, #tpu.memory_space<vmem>> -> memref<128xi32, #tpu.memory_space<vmem>>
      %dma_start3A_133 = arith.constant 0 : i32
      %dma_start3A_134 = tpu.memref_slice %arg4[%add3A_127, %dma_start3A_133] : memref<496x128xi32, #tpu.memory_space<vmem>> -> memref<1x128xi32, #tpu.memory_space<vmem>>
      %dma_start3A_135 = tpu.memref_squeeze %dma_start3A_134 : memref<1x128xi32, #tpu.memory_space<vmem>> -> memref<128xi32, #tpu.memory_space<vmem>>
      %dma_start3A_136 = arith.constant 0 : i32
      %dma_start3A_137 = tpu.memref_slice %arg6[%dma_start3A_136] : memref<1015808xi32, #tpu.memory_space<vmem_shared>> -> memref<1015808xi32, #tpu.memory_space<vmem_shared>>
      tpu.enqueue_indirect_dma source(%dma_start3A_137 : memref<1015808xi32, #tpu.memory_space<vmem_shared>>) target(%dma_start3A_132 : memref<128xi32, #tpu.memory_space<vmem>>) offsets(%dma_start3A_135 : memref<128xi32, #tpu.memory_space<vmem>>) semaphore(%arg7 : memref<!tpu.dma_semaphore, #tpu.memory_space<semaphore_mem>>)
    }
    %scan3A_52 = arith.constant 8 : i32
    %dma_wait3A_53 = arith.constant 0 : i32
    %dma_wait3A_54 = arith.constant 0 : i32
    %dma_wait3A_55 = tpu.memref_slice %arg5[%dma_wait3A_53, %dma_wait3A_54] : memref<16x128xi32, #tpu.memory_space<vmem>> -> memref<8x128xi32, #tpu.memory_space<vmem>>
    %dma_wait3A_56 = arith.constant 0 : i32
    %dma_wait3A_57 = arith.constant 0 : i32
    %dma_wait3A_58 = tpu.memref_slice %arg3[%add3A, %dma_wait3A_56, %dma_wait3A_57] : memref<32x248x128xi32, #tpu.memory_space<hbm>> -> memref<1x8x128xi32, #tpu.memory_space<hbm>>
    %dma_wait3A_59 = tpu.memref_squeeze %dma_wait3A_58 : memref<1x8x128xi32, #tpu.memory_space<hbm>> -> memref<8x128xi32, #tpu.memory_space<hbm>>
    %dma_wait3A_60 = arith.constant 0 : i32
    %dma_wait3A_61 = arith.constant 0 : i32
    %dma_wait3A_62 = tpu.memref_slice %arg5[%dma_wait3A_60, %dma_wait3A_61] : memref<16x128xi32, #tpu.memory_space<vmem>> -> memref<8x128xi32, #tpu.memory_space<vmem>>
    %dma_wait3A_63 = arith.constant 0 : i32
    %dma_wait3A_64 = arith.constant 0 : i32
    %dma_wait3A_65 = tpu.memref_slice %arg3[%add3A, %dma_wait3A_63, %dma_wait3A_64] : memref<32x248x128xi32, #tpu.memory_space<hbm>> -> memref<1x8x128xi32, #tpu.memory_space<hbm>>
    %dma_wait3A_66 = tpu.memref_squeeze %dma_wait3A_65 : memref<1x8x128xi32, #tpu.memory_space<hbm>> -> memref<8x128xi32, #tpu.memory_space<hbm>>
    tpu.wait_dma2 semaphore(%arg7 : memref<!tpu.dma_semaphore, #tpu.memory_space<semaphore_mem>>) src(%dma_wait3A_66 : memref<8x128xi32, #tpu.memory_space<hbm>>) dst(%dma_wait3A_62 : memref<8x128xi32, #tpu.memory_space<vmem>>)
    %dma_start3A = arith.constant 0 : i32
    %dma_start3A_67 = arith.constant 0 : i32
    %dma_start3A_68 = tpu.memref_slice %arg5[%dma_start3A, %dma_start3A_67] : memref<16x128xi32, #tpu.memory_space<vmem>> -> memref<8x128xi32, #tpu.memory_space<vmem>>
    %dma_start3A_69 = arith.constant 0 : i32
    %dma_start3A_70 = arith.constant 0 : i32
    %dma_start3A_71 = tpu.memref_slice %arg3[%add3A, %dma_start3A_69, %dma_start3A_70] : memref<32x248x128xi32, #tpu.memory_space<hbm>> -> memref<1x8x128xi32, #tpu.memory_space<hbm>>
    %dma_start3A_72 = tpu.memref_squeeze %dma_start3A_71 : memref<1x8x128xi32, #tpu.memory_space<hbm>> -> memref<8x128xi32, #tpu.memory_space<hbm>>
    %dma_start3A_73 = arith.constant 0 : i32
    %dma_start3A_74 = arith.constant 0 : i32
    %dma_start3A_75 = tpu.memref_slice %arg3[%add3A, %dma_start3A_73, %dma_start3A_74] : memref<32x248x128xi32, #tpu.memory_space<hbm>> -> memref<1x8x128xi32, #tpu.memory_space<hbm>>
    %dma_start3A_76 = tpu.memref_squeeze %dma_start3A_75 : memref<1x8x128xi32, #tpu.memory_space<hbm>> -> memref<8x128xi32, #tpu.memory_space<hbm>>
    %dma_start3A_77 = arith.constant 0 : i32
    %dma_start3A_78 = arith.constant 0 : i32
    %dma_start3A_79 = tpu.memref_slice %arg5[%dma_start3A_77, %dma_start3A_78] : memref<16x128xi32, #tpu.memory_space<vmem>> -> memref<8x128xi32, #tpu.memory_space<vmem>>
    tpu.enqueue_dma source(%dma_start3A_79 : memref<8x128xi32, #tpu.memory_space<vmem>>) target(%dma_start3A_76 : memref<8x128xi32, #tpu.memory_space<hbm>>) target_semaphore(%arg8 : memref<!tpu.dma_semaphore, #tpu.memory_space<semaphore_mem>>)
    %scan3A_80 = arith.constant 0 : i32
    %scan3A_81 = arith.constant 2 : i32
    %scan3A_82 = arith.constant 29 : i32
    %scan3A_83 = arith.addi %scan3A_81, %scan3A_82 : i32
    %scan3A_84 = arith.constant 1 : i32
    scf.for %scan3A_122 = %scan3A_81 to %scan3A_83 step %scan3A_84  : i32 {
      %dma_wait3A_123 = arith.constant 0 : i32
      %dma_wait3A_124 = arith.constant 0 : i32
      %dma_wait3A_125 = tpu.memref_slice %arg5[%dma_wait3A_123, %dma_wait3A_124] : memref<16x128xi32, #tpu.memory_space<vmem>> -> memref<8x128xi32, #tpu.memory_space<vmem>>
      %dma_wait3A_126 = arith.constant 0 : i32
      %dma_wait3A_127 = arith.constant 0 : i32
      %dma_wait3A_128 = tpu.memref_slice %arg3[%add3A, %dma_wait3A_126, %dma_wait3A_127] : memref<32x248x128xi32, #tpu.memory_space<hbm>> -> memref<1x8x128xi32, #tpu.memory_space<hbm>>
      %dma_wait3A_129 = tpu.memref_squeeze %dma_wait3A_128 : memref<1x8x128xi32, #tpu.memory_space<hbm>> -> memref<8x128xi32, #tpu.memory_space<hbm>>
      %dma_wait3A_130 = arith.constant 0 : i32
      %dma_wait3A_131 = arith.constant 0 : i32
      %dma_wait3A_132 = tpu.memref_slice %arg5[%dma_wait3A_130, %dma_wait3A_131] : memref<16x128xi32, #tpu.memory_space<vmem>> -> memref<8x128xi32, #tpu.memory_space<vmem>>
      %dma_wait3A_133 = arith.constant 0 : i32
      %dma_wait3A_134 = arith.constant 0 : i32
      %dma_wait3A_135 = tpu.memref_slice %arg3[%add3A, %dma_wait3A_133, %dma_wait3A_134] : memref<32x248x128xi32, #tpu.memory_space<hbm>> -> memref<1x8x128xi32, #tpu.memory_space<hbm>>
      %dma_wait3A_136 = tpu.memref_squeeze %dma_wait3A_135 : memref<1x8x128xi32, #tpu.memory_space<hbm>> -> memref<8x128xi32, #tpu.memory_space<hbm>>
      tpu.wait_dma2 semaphore(%arg8 : memref<!tpu.dma_semaphore, #tpu.memory_space<semaphore_mem>>) src(%dma_wait3A_136 : memref<8x128xi32, #tpu.memory_space<hbm>>) dst(%dma_wait3A_132 : memref<8x128xi32, #tpu.memory_space<vmem>>)
      %jit3A = arith.constant 2 : i32
      %eq3A = arith.constant 0 : i32
      %eq3A_137 = arith.cmpi eq, %jit3A, %eq3A : i32
      %jit3A_138 = arith.constant 1 : i32
      %select_n3A = arith.select %eq3A_137, %jit3A_138, %jit3A : i32
      %rem3A = arith.remsi %scan3A_122, %select_n3A : i32
      %ne3A = arith.constant 0 : i32
      %ne3A_139 = arith.cmpi ne, %rem3A, %ne3A : i32
      %lt3A = arith.constant 0 : i32
      %lt3A_140 = arith.cmpi slt, %rem3A, %lt3A : i32
      %lt3A_141 = arith.constant 0 : i32
      %lt3A_142 = arith.cmpi slt, %select_n3A, %lt3A_141 : i32
      %ne3A_143 = arith.xori %lt3A_140, %lt3A_142 : i1
      %and3A = arith.andi %ne3A_143, %ne3A_139 : i1
      %add3A_144 = arith.addi %rem3A, %select_n3A : i32
      %select_n3A_145 = arith.select %and3A, %add3A_144, %rem3A : i32
      %mul3A_146 = arith.constant 8 : i32
      %mul3A_147 = arith.muli %select_n3A_145, %mul3A_146 : i32
      %scan3A_148 = arith.constant 0 : i32
      %scan3A_149 = arith.constant 0 : i32
      %scan3A_150 = arith.constant 8 : i32
      %scan3A_151 = arith.addi %scan3A_149, %scan3A_150 : i32
      %scan3A_152 = arith.constant 1 : i32
      scf.for %scan3A_201 = %scan3A_149 to %scan3A_151 step %scan3A_152  : i32 {
        %mul3A_202 = arith.constant 248 : i32
        %mul3A_203 = arith.muli %arg0, %mul3A_202 : i32
        %mul3A_204 = arith.constant 8 : i32
        %mul3A_205 = arith.muli %scan3A_122, %mul3A_204 : i32
        %add3A_206 = arith.addi %mul3A_203, %mul3A_205 : i32
        %add3A_207 = arith.addi %add3A_206, %scan3A_201 : i32
        %add3A_208 = arith.addi %mul3A_147, %scan3A_201 : i32
        %dma_start3A_209 = arith.constant 0 : i32
        %dma_start3A_210 = tpu.memref_slice %arg5[%add3A_208, %dma_start3A_209] : memref<16x128xi32, #tpu.memory_space<vmem>> -> memref<1x128xi32, #tpu.memory_space<vmem>>
        %dma_start3A_211 = tpu.memref_squeeze %dma_start3A_210 : memref<1x128xi32, #tpu.memory_space<vmem>> -> memref<128xi32, #tpu.memory_space<vmem>>
        %dma_start3A_212 = arith.constant 0 : i32
        %dma_start3A_213 = tpu.memref_slice %arg4[%add3A_207, %dma_start3A_212] : memref<496x128xi32, #tpu.memory_space<vmem>> -> memref<1x128xi32, #tpu.memory_space<vmem>>
        %dma_start3A_214 = tpu.memref_squeeze %dma_start3A_213 : memref<1x128xi32, #tpu.memory_space<vmem>> -> memref<128xi32, #tpu.memory_space<vmem>>
        %dma_start3A_215 = arith.constant 0 : i32
        %dma_start3A_216 = tpu.memref_slice %arg6[%dma_start3A_215] : memref<1015808xi32, #tpu.memory_space<vmem_shared>> -> memref<1015808xi32, #tpu.memory_space<vmem_shared>>
        tpu.enqueue_indirect_dma source(%dma_start3A_216 : memref<1015808xi32, #tpu.memory_space<vmem_shared>>) target(%dma_start3A_211 : memref<128xi32, #tpu.memory_space<vmem>>) offsets(%dma_start3A_214 : memref<128xi32, #tpu.memory_space<vmem>>) semaphore(%arg7 : memref<!tpu.dma_semaphore, #tpu.memory_space<semaphore_mem>>)
      }
      %scan3A_153 = arith.constant 8 : i32
      %sub3A = arith.constant 1 : i32
      %sub3A_154 = arith.subi %scan3A_122, %sub3A : i32
      %sub3A_155 = arith.constant 1 : i32
      %sub3A_156 = arith.subi %scan3A_122, %sub3A_155 : i32
      %jit3A_157 = arith.constant 2 : i32
      %eq3A_158 = arith.constant 0 : i32
      %eq3A_159 = arith.cmpi eq, %jit3A_157, %eq3A_158 : i32
      %jit3A_160 = arith.constant 1 : i32
      %select_n3A_161 = arith.select %eq3A_159, %jit3A_160, %jit3A_157 : i32
      %rem3A_162 = arith.remsi %sub3A_156, %select_n3A_161 : i32
      %ne3A_163 = arith.constant 0 : i32
      %ne3A_164 = arith.cmpi ne, %rem3A_162, %ne3A_163 : i32
      %lt3A_165 = arith.constant 0 : i32
      %lt3A_166 = arith.cmpi slt, %rem3A_162, %lt3A_165 : i32
      %lt3A_167 = arith.constant 0 : i32
      %lt3A_168 = arith.cmpi slt, %select_n3A_161, %lt3A_167 : i32
      %ne3A_169 = arith.xori %lt3A_166, %lt3A_168 : i1
      %and3A_170 = arith.andi %ne3A_169, %ne3A_164 : i1
      %add3A_171 = arith.addi %rem3A_162, %select_n3A_161 : i32
      %select_n3A_172 = arith.select %and3A_170, %add3A_171, %rem3A_162 : i32
      %mul3A_173 = arith.constant 8 : i32
      %mul3A_174 = arith.muli %select_n3A_172, %mul3A_173 : i32
      %dma_wait3A_175 = arith.constant 0 : i32
      %dma_wait3A_176 = arith.constant 0 : i32
      %dma_wait3A_177 = tpu.memref_slice %arg5[%dma_wait3A_175, %dma_wait3A_176] : memref<16x128xi32, #tpu.memory_space<vmem>> -> memref<8x128xi32, #tpu.memory_space<vmem>>
      %dma_wait3A_178 = arith.constant 0 : i32
      %dma_wait3A_179 = arith.constant 0 : i32
      %dma_wait3A_180 = tpu.memref_slice %arg3[%add3A, %dma_wait3A_178, %dma_wait3A_179] : memref<32x248x128xi32, #tpu.memory_space<hbm>> -> memref<1x8x128xi32, #tpu.memory_space<hbm>>
      %dma_wait3A_181 = tpu.memref_squeeze %dma_wait3A_180 : memref<1x8x128xi32, #tpu.memory_space<hbm>> -> memref<8x128xi32, #tpu.memory_space<hbm>>
      %dma_wait3A_182 = arith.constant 0 : i32
      %dma_wait3A_183 = arith.constant 0 : i32
      %dma_wait3A_184 = tpu.memref_slice %arg5[%dma_wait3A_182, %dma_wait3A_183] : memref<16x128xi32, #tpu.memory_space<vmem>> -> memref<8x128xi32, #tpu.memory_space<vmem>>
      %dma_wait3A_185 = arith.constant 0 : i32
      %dma_wait3A_186 = arith.constant 0 : i32
      %dma_wait3A_187 = tpu.memref_slice %arg3[%add3A, %dma_wait3A_185, %dma_wait3A_186] : memref<32x248x128xi32, #tpu.memory_space<hbm>> -> memref<1x8x128xi32, #tpu.memory_space<hbm>>
      %dma_wait3A_188 = tpu.memref_squeeze %dma_wait3A_187 : memref<1x8x128xi32, #tpu.memory_space<hbm>> -> memref<8x128xi32, #tpu.memory_space<hbm>>
      tpu.wait_dma2 semaphore(%arg7 : memref<!tpu.dma_semaphore, #tpu.memory_space<semaphore_mem>>) src(%dma_wait3A_188 : memref<8x128xi32, #tpu.memory_space<hbm>>) dst(%dma_wait3A_184 : memref<8x128xi32, #tpu.memory_space<vmem>>)
      %mul3A_189 = arith.constant 8 : i32
      %mul3A_190 = arith.muli %sub3A_154, %mul3A_189 : i32
      %dma_start3A_191 = arith.constant 0 : i32
      %dma_start3A_192 = tpu.memref_slice %arg5[%mul3A_174, %dma_start3A_191] : memref<16x128xi32, #tpu.memory_space<vmem>> -> memref<8x128xi32, #tpu.memory_space<vmem>>
      %dma_start3A_193 = arith.constant 0 : i32
      %dma_start3A_194 = tpu.memref_slice %arg3[%add3A, %mul3A_190, %dma_start3A_193] : memref<32x248x128xi32, #tpu.memory_space<hbm>> -> memref<1x8x128xi32, #tpu.memory_space<hbm>>
      %dma_start3A_195 = tpu.memref_squeeze %dma_start3A_194 : memref<1x8x128xi32, #tpu.memory_space<hbm>> -> memref<8x128xi32, #tpu.memory_space<hbm>>
      %dma_start3A_196 = arith.constant 0 : i32
      %dma_start3A_197 = tpu.memref_slice %arg3[%add3A, %mul3A_190, %dma_start3A_196] : memref<32x248x128xi32, #tpu.memory_space<hbm>> -> memref<1x8x128xi32, #tpu.memory_space<hbm>>
      %dma_start3A_198 = tpu.memref_squeeze %dma_start3A_197 : memref<1x8x128xi32, #tpu.memory_space<hbm>> -> memref<8x128xi32, #tpu.memory_space<hbm>>
      %dma_start3A_199 = arith.constant 0 : i32
      %dma_start3A_200 = tpu.memref_slice %arg5[%mul3A_174, %dma_start3A_199] : memref<16x128xi32, #tpu.memory_space<vmem>> -> memref<8x128xi32, #tpu.memory_space<vmem>>
      tpu.enqueue_dma source(%dma_start3A_200 : memref<8x128xi32, #tpu.memory_space<vmem>>) target(%dma_start3A_198 : memref<8x128xi32, #tpu.memory_space<hbm>>) target_semaphore(%arg8 : memref<!tpu.dma_semaphore, #tpu.memory_space<semaphore_mem>>)
    }
    %scan3A_85 = arith.constant 29 : i32
    %dma_wait3A_86 = arith.constant 0 : i32
    %dma_wait3A_87 = arith.constant 0 : i32
    %dma_wait3A_88 = tpu.memref_slice %arg5[%dma_wait3A_86, %dma_wait3A_87] : memref<16x128xi32, #tpu.memory_space<vmem>> -> memref<8x128xi32, #tpu.memory_space<vmem>>
    %dma_wait3A_89 = arith.constant 0 : i32
    %dma_wait3A_90 = arith.constant 0 : i32
    %dma_wait3A_91 = tpu.memref_slice %arg3[%add3A, %dma_wait3A_89, %dma_wait3A_90] : memref<32x248x128xi32, #tpu.memory_space<hbm>> -> memref<1x8x128xi32, #tpu.memory_space<hbm>>
    %dma_wait3A_92 = tpu.memref_squeeze %dma_wait3A_91 : memref<1x8x128xi32, #tpu.memory_space<hbm>> -> memref<8x128xi32, #tpu.memory_space<hbm>>
    %dma_wait3A_93 = arith.constant 0 : i32
    %dma_wait3A_94 = arith.constant 0 : i32
    %dma_wait3A_95 = tpu.memref_slice %arg5[%dma_wait3A_93, %dma_wait3A_94] : memref<16x128xi32, #tpu.memory_space<vmem>> -> memref<8x128xi32, #tpu.memory_space<vmem>>
    %dma_wait3A_96 = arith.constant 0 : i32
    %dma_wait3A_97 = arith.constant 0 : i32
    %dma_wait3A_98 = tpu.memref_slice %arg3[%add3A, %dma_wait3A_96, %dma_wait3A_97] : memref<32x248x128xi32, #tpu.memory_space<hbm>> -> memref<1x8x128xi32, #tpu.memory_space<hbm>>
    %dma_wait3A_99 = tpu.memref_squeeze %dma_wait3A_98 : memref<1x8x128xi32, #tpu.memory_space<hbm>> -> memref<8x128xi32, #tpu.memory_space<hbm>>
    tpu.wait_dma2 semaphore(%arg7 : memref<!tpu.dma_semaphore, #tpu.memory_space<semaphore_mem>>) src(%dma_wait3A_99 : memref<8x128xi32, #tpu.memory_space<hbm>>) dst(%dma_wait3A_95 : memref<8x128xi32, #tpu.memory_space<vmem>>)
    %dma_start3A_100 = arith.constant 0 : i32
    %dma_start3A_101 = arith.constant 0 : i32
    %dma_start3A_102 = tpu.memref_slice %arg5[%dma_start3A_100, %dma_start3A_101] : memref<16x128xi32, #tpu.memory_space<vmem>> -> memref<8x128xi32, #tpu.memory_space<vmem>>
    %dma_start3A_103 = arith.constant 240 : i32
    %dma_start3A_104 = arith.constant 0 : i32
    %dma_start3A_105 = tpu.memref_slice %arg3[%add3A, %dma_start3A_103, %dma_start3A_104] : memref<32x248x128xi32, #tpu.memory_space<hbm>> -> memref<1x8x128xi32, #tpu.memory_space<hbm>>
    %dma_start3A_106 = tpu.memref_squeeze %dma_start3A_105 : memref<1x8x128xi32, #tpu.memory_space<hbm>> -> memref<8x128xi32, #tpu.memory_space<hbm>>
    %dma_start3A_107 = arith.constant 240 : i32
    %dma_start3A_108 = arith.constant 0 : i32
    %dma_start3A_109 = tpu.memref_slice %arg3[%add3A, %dma_start3A_107, %dma_start3A_108] : memref<32x248x128xi32, #tpu.memory_space<hbm>> -> memref<1x8x128xi32, #tpu.memory_space<hbm>>
    %dma_start3A_110 = tpu.memref_squeeze %dma_start3A_109 : memref<1x8x128xi32, #tpu.memory_space<hbm>> -> memref<8x128xi32, #tpu.memory_space<hbm>>
    %dma_start3A_111 = arith.constant 0 : i32
    %dma_start3A_112 = arith.constant 0 : i32
    %dma_start3A_113 = tpu.memref_slice %arg5[%dma_start3A_111, %dma_start3A_112] : memref<16x128xi32, #tpu.memory_space<vmem>> -> memref<8x128xi32, #tpu.memory_space<vmem>>
    tpu.enqueue_dma source(%dma_start3A_113 : memref<8x128xi32, #tpu.memory_space<vmem>>) target(%dma_start3A_110 : memref<8x128xi32, #tpu.memory_space<hbm>>) target_semaphore(%arg8 : memref<!tpu.dma_semaphore, #tpu.memory_space<semaphore_mem>>)
    %dma_wait3A_114 = arith.constant 0 : i32
    %dma_wait3A_115 = arith.constant 0 : i32
    %dma_wait3A_116 = tpu.memref_slice %arg3[%add3A, %dma_wait3A_114, %dma_wait3A_115] : memref<32x248x128xi32, #tpu.memory_space<hbm>> -> memref<1x16x128xi32, #tpu.memory_space<hbm>>
    %dma_wait3A_117 = tpu.memref_squeeze %dma_wait3A_116 : memref<1x16x128xi32, #tpu.memory_space<hbm>> -> memref<16x128xi32, #tpu.memory_space<hbm>>
    %dma_wait3A_118 = arith.constant 0 : i32
    %dma_wait3A_119 = arith.constant 0 : i32
    %dma_wait3A_120 = tpu.memref_slice %arg3[%add3A, %dma_wait3A_118, %dma_wait3A_119] : memref<32x248x128xi32, #tpu.memory_space<hbm>> -> memref<1x16x128xi32, #tpu.memory_space<hbm>>
    %dma_wait3A_121 = tpu.memref_squeeze %dma_wait3A_120 : memref<1x16x128xi32, #tpu.memory_space<hbm>> -> memref<16x128xi32, #tpu.memory_space<hbm>>
    tpu.wait_dma2 semaphore(%arg8 : memref<!tpu.dma_semaphore, #tpu.memory_space<semaphore_mem>>) src(%dma_wait3A_121 : memref<16x128xi32, #tpu.memory_space<hbm>>) dst(%arg5 : memref<16x128xi32, #tpu.memory_space<vmem>>)
    return
  }
}

</mosaic_0001>

<sc_bundles>
// kernel: kernel.4.cloned.1.call-start
scs
__scs_entry_jumppad:
0x0: {  	(pc) =	sbr.rel $0x88, $3  }
0x1: {  	(tag) =	ssettag $0x0;
	lr =	simm.s32 $0x1  }
0x2: {  	[smem:$0x3F9F] =	sst lr;
	_ =	strace $0xD0000000  }
0x3: {  	_ = 	snop  }
0x4: {  	_ = 	snop  }
0x5: {  	_ = 	snop  }
0x6: {  	_ = 	snop  }
0x7: {  	_ = 	snop  }
__scs_overlays_trampoline_lowered:
0x8: {  	[smem:$0x3FAE] =	sst s0  }
0x9: {  	[smem:$0x3FAF] =	sst s1  }
0xa: {  	[smem:$0x3FB0] =	sst s2  }
0xb: {  	[smem:$0x3FB1] =	sst s3  }
0xc: {  	[smem:$0x3FB2] =	sst s4  }
0xd: {  	[smem:$0x3FB3] =	sst s5  }
0xe: {  	[smem:$0x3FB4] =	sst s6  }
0xf: {  	[smem:$0x3FB5] =	sst s7  }
0x10: {  	[smem:$0x3FB6] =	sst s8  }
0x11: {  	[smem:$0x3FB7] =	sst s9;
	s0 =	simm.s32 @!p0 $0x0  }
0x12: {  	s1 =	sld [smem:$0x3F9D];
	s0 =	simm.s32 @p0 $0x1  }
0x13: {  	[smem:$0x3FB8] =	sst s0;
	s0 =	simm.s32 @!p1 $0x0  }
0x14: {  	s2 =	sld [smem:$0x3F9C];
	s0 =	simm.s32 @p1 $0x1  }
0x15: {  	[smem:$0x3FB9] =	sst s0;
	s0 =	simm.s32 @!p2 $0x0  }
0x16: {  	s3 =	sld [smem:$0x3FDB];
	s0 =	simm.s32 @p2 $0x1  }
0x17: {  	s4 =	simm.s32 $0x1BF5;
	[smem:$0x3FBB] =	sst s0  }
0x18: {  	s0 =	sld [smem:$0x3F9E];
	_ =	swait.ge [sflag:s4], $0x0  }
0x19: {  	s7 =	sld [smem:$0x3F9F]  }
0x1a: {  	s8 =	sadd.s32 $0xFFFFE003, lr  }
0x1b: {  	s9 =	sadd.s32 $0xFFFFFEF7, lr;
	s5 =	simm.s32 $0xFFFFFFFF;
	p2 =	slt.u32 s8, $0xFFFFF086  }
0x1c: {  	p1 =	slt.u32 s9, $0xF7A;
	s5 =	simm.s32 @!p2 $0x0  }
0x1d: {  	s5 =	simm.s32 @p1 $0x1;
	p0 =	seq.s32 s7, s2  }
0x1e: {  	s7 =	smul.u32 @!p0 $0xF7A, s2;
	p2 =	seq.s32 @!p0 s5, $0x0  }
0x1f: {  	s9 =	smul.u32 $0xF7A, s1;
	s8 =	simm.s32 @!p0 $0x1BF5;
	p2 =	por !p2, p0  }
0x20: {  	[sflag:s8] =	ssyncset.s32 @!p0 $0xFFFFF086;
	s6 =	sadd.s32 @!p0 s3, s7;
	s7 =	simm.s32 @!p0 $0x108  }
0x21: {  	s3 =	sadd.s32 s3, s9;
	s6 =	sadd.s32 @!p0 $0x88, s6;
	s7 =	simm.s32 @p2 $0x1082  }
0x22: {  	[simem:s7], [sflag:s8] =	dma.local @!p0 [hbm:s6], $0xF7A  }
0x23: {  	s9 =	sor.u32 $0xD0000000, s2;
	s6 =	simm.s32 $0x108;
	_ =	swait.ge @!p0 [sflag:s8], $0x0  }
0x24: {  	s3 =	sadd.s32 $0x88, s3;
	s6 =	simm.s32 @!p1 $0x1082;
	[sflag:s4] =	ssyncset.s32 $0xFFFFF086  }
0x25: {  	[simem:s6], [sflag:s4] =	dma.local [hbm:s3], $0xF7A  }
0x26: {  	[smem:$0x3F9F] =	sst s1;
	(tag) =	ssettag s2;
	_ =	strace s9  }
0x27: {  	s1 =	sld [smem:$0x3FAF]  }
0x28: {  	s2 =	sld [smem:$0x3FB0]  }
0x29: {  	s4 =	sld [smem:$0x3FB2]  }
0x2a: {  	p0 =	seq.s32 s5, $0x0;
	s5 =	sld [smem:$0x3FB3]  }
0x2b: {  	s6 =	sld [smem:$0x3FB4]  }
0x2c: {  	s7 =	sld [smem:$0x3FB5]  }
0x2d: {  	s3 =	simm.s32 $0x108;
	s8 =	sld [smem:$0x3FB6]  }
0x2e: {  	s3 =	simm.s32 @!p0 $0x1082;
	s9 =	sld [smem:$0x3FB7]  }
0x2f: {  	lr =	sadd.s32 s0, s3;
	s0 =	sld [smem:$0x3FAE]  }
0x30: {  	s3 =	sld [smem:$0x3FB1]  }
0x31: {  	[smem:$0x3FBA] =	sst s10  }
0x32: {  	s10 =	sld [smem:$0x3FB8];
	_ =	sdelay $0x3  }
0x33: {  	p0 =	seq.s32 s10, $0x1;
	s10 =	sld [smem:$0x3FBA];
	_ =	sdelay $0x3  }
0x34: {  	[smem:$0x3FBA] =	sst s10  }
0x35: {  	s10 =	sld [smem:$0x3FB9];
	_ =	sdelay $0x3  }
0x36: {  	p1 =	seq.s32 s10, $0x1;
	s10 =	sld [smem:$0x3FBA];
	_ =	sdelay $0x3  }
0x37: {  	[smem:$0x3FBA] =	sst s10  }
0x38: {  	s10 =	sld [smem:$0x3FBB]  }
0x39: {  	_ = 	snop;
	(pc) =	sbr.ind lr, $3  }
0x3a: {  	_ = 	snop  }
0x3b: {  	_ = 	snop  }
0x3c: {  	p2 =	seq.s32 s10, $0x1;
	s10 =	sld [smem:$0x3FBA]  }
0x3d: {  	_ =	shalt  }
0x3e: {  	_ =	shalt  }
0x3f: {  	_ =	shalt  }
0x40: {  	_ =	shalt  }
0x41: {  	_ =	shalt  }
0x42: {  	_ =	shalt  }
0x43: {  	_ =	shalt  }
0x44: {  	_ =	shalt  }
0x45: {  	_ =	shalt  }
0x46: {  	_ =	shalt  }
0x47: {  	_ =	shalt  }
0x48: {  	_ =	shalt  }
0x49: {  	_ =	shalt  }
0x4a: {  	_ =	shalt  }
0x4b: {  	_ =	shalt  }
0x4c: {  	_ =	shalt  }
0x4d: {  	_ =	shalt  }
0x4e: {  	_ =	shalt  }
0x4f: {  	_ =	shalt  }
0x50: {  	_ =	shalt  }
0x51: {  	_ =	shalt  }
0x52: {  	_ =	shalt  }
0x53: {  	_ =	shalt  }
0x54: {  	_ =	shalt  }
0x55: {  	_ =	shalt  }
0x56: {  	_ =	shalt  }
0x57: {  	_ =	shalt  }
0x58: {  	_ =	shalt  }
0x59: {  	_ =	shalt  }
0x5a: {  	_ =	shalt  }
0x5b: {  	_ =	shalt  }
0x5c: {  	_ =	shalt  }
0x5d: {  	_ =	shalt  }
0x5e: {  	_ =	shalt  }
0x5f: {  	_ =	shalt  }
0x60: {  	_ =	shalt  }
0x61: {  	_ =	shalt  }
0x62: {  	_ =	shalt  }
0x63: {  	_ =	shalt  }
0x64: {  	_ =	shalt  }
0x65: {  	_ =	shalt  }
0x66: {  	_ =	shalt  }
0x67: {  	_ =	shalt  }
0x68: {  	_ =	shalt  }
0x69: {  	_ =	shalt  }
0x6a: {  	_ =	shalt  }
0x6b: {  	_ =	shalt  }
0x6c: {  	_ =	shalt  }
0x6d: {  	_ =	shalt  }
0x6e: {  	_ =	shalt  }
0x6f: {  	_ =	shalt  }
0x70: {  	_ =	shalt  }
0x71: {  	_ =	shalt  }
0x72: {  	_ =	shalt  }
0x73: {  	_ =	shalt  }
0x74: {  	_ =	shalt  }
0x75: {  	_ =	shalt  }
0x76: {  	_ =	shalt  }
0x77: {  	_ =	shalt  }
0x78: {  	_ =	shalt  }
0x79: {  	_ =	shalt  }
0x7a: {  	_ =	shalt  }
0x7b: {  	_ =	shalt  }
0x7c: {  	_ =	shalt  }
0x7d: {  	_ =	shalt  }
0x7e: {  	_ =	shalt  }
0x7f: {  	_ =	shalt  }
0x80: {  	_ =	shalt  }
0x81: {  	_ =	shalt  }
0x82: {  	_ =	shalt  }
0x83: {  	_ =	shalt  }
0x84: {  	_ =	shalt  }
0x85: {  	_ =	shalt  }
0x86: {  	_ =	shalt  }
0x87: {  	_ =	shalt  }
.Lfunc_end0:
.L_simem_size_0:
called_computation_lowered:
.L_overlay_start_0:
0x88: {  	s2 =	sld [smem:$0x3FD9]  }
0x89: {  	s3 =	sld [smem:$0x3FFE];
	_ =	sdelay $0x1  }
0x8a: {  	s1 =	srdreg.scid  }
0x8b: {  	s0 =	sand.u32 $0x1, s1  }
0x8c: {  	s16 =	sshll.u32 s0, $0xA;
	s2 =	sadd.s32 s3, s2  }
0x8d: {  	s2 =	sadd.s32 s2, s16  }
0x8e: {  	[smem:$0x3FC6] =	sst s2  }
0x8f: {  	_ = 	snop  }
0x90: {  	(tm) =	ssettm $0x1  }
0x91: {  	s17 =	sld [smem:$0x3FFB];
	_ =	sdelay $0x3  }
0x92: {  	_ =	strace s17  }
0x93: {  	s2 =	sld [smem:$0x3FFC];
	_ =	sdelay $0x3  }
0x94: {  	_ =	strace s2  }
0x95: {  	s2 =	sld [smem:$0x3FFD];
	_ =	sdelay $0x3  }
0x96: {  	_ =	strace s2  }
0x97: {  	_ =	strace $0x8FFFFFFF  }
0x98: {  	s18 =	sld [smem:$0x3FDB];
	_ =	sdelay $0x1  }
0x99: {  	s19 =	simm.s32 $_scs_section_size  }
0x9a: {  	s4 =	simm.s32 $_size__tile_overlayer_lowered;
	s5 =	simm.s32 $_tile_overlayer_lowered  }
0x9b: {  	s22 =	simm.s32 $0x1BFF;
	s21 =	sshll.u32 s5, $0x1;
	s2 =	sadd.s32 s19, s18  }
0x9c: {  	s6 =	simm.s32 $0x0;
	s20 =	sshll.u32 s4, $0x1;
	s4 =	sadd.s32 s21, s2  }
0x9d: {  	[timem:s6], [sflag:s22] =	dma.local [hbm:s4], s20  }
0x9e: {  	_ =	swait.ge [sflag:s22], s20  }
0x9f: {  	s3 =	ssub.s32 $0x0, s20;
	[sflag:s22] =	ssyncset.done $0x0  }
0xa0: {  	[sflag:s22] =	ssyncadd.s32 s3;
	_ =	sdelay $0x1  }
0xa1: {  	s23 =	simm.s32 $0x1B8B  }
0xa2: {  	_ =	swait.ge [sflag:s23], $0x1  }
0xa3: {  	[sflag:s23] =	ssyncset.done $0x0  }
0xa4: {  	s25 =	simm.s32 $0x1B8E;
	s24 =	sld [smem:$0x3FFE];
	[sflag:s23] =	ssyncadd.s32 $0xFFFFFFFF  }
0xa5: {  	s26 =	simm.s32 $execute0_lowered;
	[smem:$0x3FD2] =	sst s25  }
0xa6: {  	s4 =	sshll.u32 s26, $0x1;
	_ =	strace $0x80000046;
	[dreg:$0x1] =	wrdreg $0xFFFFFFFF  }
0xa7: {  	s28 =	simm.s32 $_size_execute0_lowered;
	s2 =	sadd.s32 s2, s4;
	[dreg:$0x0] =	wrdreg $0x0  }
0xa8: {  	s4 =	sshll.u32 s28, $0x1;
	[dreg:$0x2] =	wrdreg s2  }
0xa9: {  	[dreg:$0x3] =	wrdreg s4  }
0xaa: {  	[dreg:$0x4] =	wrdreg $0xC0  }
0xab: {  	_ =	task [dreg:s6], $0x5FFFF  }
0xac: {  	[dreg:$0x1] =	wrdreg $0xFFFFFFFF  }
0xad: {  	[dreg:$0x0] =	wrdreg $0x60  }
0xae: {  	[dreg:$0x2] =	wrdreg s24  }
0xaf: {  	[dreg:$0x3] =	wrdreg $0x100000  }
0xb0: {  	[dreg:$0x4] =	wrdreg $0x9  }
0xb1: {  	_ =	task.clear_ibuf [dreg:s6], $0x5FFFF;
	_ =	strace $0x90000046  }
0xb2: {  	s29 =	simm.s32 $0x9;
	_ =	strace $0x80000048  }
0xb3: {  	_ =	swait.ge [sflag:s29], $0x1  }
0xb4: {  	[sflag:s29] =	ssyncadd.s32 $0xFFFFFFFF  }
0xb5: {  	_ =	strace $0x90000048  }
0xb6: {  	_ =	sfence  }
0xb7: {  	s30 =	sld [smem:$0x0];
	_ =	sdelay $0x2  }
0xb8: {  	s31 =	sshll.u32 s1, $0xD;
	s1 =	sshrl.u32 s1, $0x2  }
0xb9: {  	s3 =	sand.u32 $0x4000, s31;
	s1 =	sadd.s32 s1, s30  }
0xba: {  	s0 =	sor.u32 s3, s0;
	s1 =	sshll.u32 s1, $0x11  }
0xbb: {  	s0 =	sor.u32 s1, s0  }
0xbc: {  	s0 =	sadd.s32 $0x8F2B, s0  }
0xbd: {  	[sflag:s0] =	ssyncadd.remote.s32 $0x1  }
0xbe: {  	_ =	sfence.sel $0xFFFF  }
0xbf: {  	[dreg:$0x0] =	wrdreg $0xFFFFFFFF;
	(pc) =	sbr.abs _section_cstart, $3  }
0xc0: {  	[dreg:$0x1] =	wrdreg $0xFFFFFFFF  }
0xc1: {  	_ =	task.clear_ibuf [dreg:s6], $0x2FFFF;
	_ =	strace $0x9FFFFFFF  }
0xc2: {  	(tm) =	ssettm $0x7FFFFFFF  }
0xc3: {  	_ =	shalt  }
tec
execute0_lowered:
.L_overlay_start_1:
0x0: {  	(tag) =	ssettag $0x1  }
0x1: {  	s0 =	rddreg [dreg:$0x0];
	s3 =	simm.s32 $0x0;
	s10 =	stileid.u32  }
0x2: {  	s1 =	srdreg.scid;
	[smem:$0x7FF] =	sst s3  }
0x3: {  	s4 =	smul.u32 $0x1F00, s10;
	s1 =	sand.u32 $0x1, s1;
	s5 =	sshll.u32 s10, $0x1  }
0x4: {  	s2 =	rddreg [dreg:$0x1];
	_ =	strace $0x80000047;
	s5 =	sor.u32 s1, s5  }
0x5: {  	s7 =	ssub.s32 $0x2, s1;
	s20 =	smul.u32 $0x7C00, s1;
	s6 =	sadd.s32 s4, s0  }
0x6: {  	s8 =	smul.u32 $0x7C00, s5;
	s4 =	sadd.s32 $0x20800, s0;
	s5 =	sshrl.u32 s7, $0x1  }
0x7: {  	s0 =	ssub.s32 s7, s5;
	s5 =	smul.u32 $0xF800, s10;
	s6 =	sadd.s32 $0x1800, s6  }
0x8: {  	s8 =	sshrl.u32 s8, $0x3;
	[dreg:$0x4] =	wrdreg s6;
	s0 =	smax.u32 s0, $0x1  }
0x9: {  	s10 =	sadd.s32 s4, s8;
	[dreg:$0x7] =	wrdreg s0  }
0xa: {  	s9 =	smul.u32 $0x1F000, s1;
	s0 =	sadd.s32 s20, s5;
	[dreg:$0x5] =	wrdreg s10  }
0xb: {  	s28 =	sadd.s32 $0x800, s5;
	[dreg:$0x3] =	wrdreg s0  }
0xc: {  	s8 =	sshrl.u32 s9, $0x2;
	s6 =	sadd.s32 $0xF00, s10;
	[dreg:$0x17] =	wrdreg s28  }
0xd: {  	s11 =	sor.u32 $0x80, s8;
	[dreg:$0x6] =	wrdreg s6  }
0xe: {  	s12 =	sor.u32 $0x100, s8;
	[dreg:$0x8] =	wrdreg s11  }
0xf: {  	s13 =	sor.u32 $0x180, s8;
	[dreg:$0x9] =	wrdreg s12  }
0x10: {  	s14 =	sor.u32 $0x200, s8;
	[dreg:$0xa] =	wrdreg s13  }
0x11: {  	s15 =	sor.u32 $0x280, s8;
	[dreg:$0xb] =	wrdreg s14  }
0x12: {  	s16 =	sor.u32 $0x300, s8;
	[dreg:$0xc] =	wrdreg s15  }
0x13: {  	s17 =	sor.u32 $0x380, s8;
	[dreg:$0xd] =	wrdreg s16  }
0x14: {  	s18 =	sadd.s32 $0x400, s8;
	[dreg:$0xe] =	wrdreg s17  }
0x15: {  	s19 =	sadd.s32 $0x480, s8;
	[dreg:$0xf] =	wrdreg s18  }
0x16: {  	s21 =	sadd.s32 $0x500, s8;
	[dreg:$0x10] =	wrdreg s19  }
0x17: {  	s22 =	sadd.s32 $0x580, s8;
	[dreg:$0x11] =	wrdreg s21  }
0x18: {  	s29 =	simm.s32 $0x3;
	s23 =	sadd.s32 $0x600, s8;
	[dreg:$0x12] =	wrdreg s22  }
0x19: {  	s30 =	simm.s32 $0x80;
	s24 =	sadd.s32 $0x680, s8;
	[dreg:$0x13] =	wrdreg s23  }
0x1a: {  	s31 =	simm.s32 $0xF800;
	s25 =	sadd.s32 $0x700, s8;
	[dreg:$0x14] =	wrdreg s24  }
0x1b: {  	s7 =	simm.s32 $0xFF80;
	s26 =	sadd.s32 $0x780, s8;
	[dreg:$0x15] =	wrdreg s25  }
0x1c: {  	s20 =	simm.s32 $0x1;
	s10 =	simm.s32 $0xF880;
	[dreg:$0x16] =	wrdreg s26  }
0x1d: {  	s26 =	sor.u32 $0x400, s5;
	s11 =	simm.s32 $0xFB00;
	s12 =	simm.s32 $0xFB80  }
0x1e: {  	s13 =	simm.s32 $0xFC00;
	s14 =	simm.s32 $0xFC80;
	s15 =	simm.s32 $0xFD00  }
0x1f: {  	s16 =	simm.s32 $0xFD80;
	s17 =	simm.s32 $0xFE00;
	s18 =	simm.s32 $0xFE80  }
0x20: {  	v0 =	vlaneseq.u32;
	s19 =	simm.s32 $0xFF00;
	s21 =	simm.s32 $0x2;
	s22 =	simm.s32 $0x0  }
.LBB2_1:
0x21: {  	s0 =	rddreg [dreg:$0x4];
	s28 =	sand.u32 $0xE00, s3  }
0x22: {  	[tilespmem:s3], [sflag:$0x3] =	stream.linear.gather [hbm4b:s0+s3], $0xF800, $0x38;
	[tilespmem:$0x1F800] =	vst v63  }
0x23: {  	s1 =	sadd.s32 $0x0, s5;
	s6 =	sand.u32 $0x70, s3;
	_ =	swait.ge [sflag:s29], $0xF800  }
0x24: {  	s23 =	sshrl.u32 s28, $0x2;
	s0 =	simm.s32 $0x40;
	[sflag:s29] =	ssyncset.done $0x0  }
0x25: {  	v1 =	vor.u32 s1, v0;
	s1 =	simm.s32 $0x0;
	s23 =	sor.u32 s6, s23;
	[sflag:s29] =	ssyncadd.s32 $0xFFFF0800  }
.LBB2_2:
0x26: {  	p0 =	sne.s32 s0, $0xFC0  }
0x27: {  	[tilespmem:s23+$0xF800] =	vst v1;
	s1 =	sadd.s32 $0x10, s1;
	s6 =	smov.u32 s0;
	s0 =	sadd.s32 $0x40, s0  }
.Ltmp0:
0x28: {  	(pc) =	sbr.rel @p0 .LBB2_2-.Ltmp0, $4  }
0x29: {  	_ = 	snop  }
0x2a: {  	s6 =	sand.u32 $0xE00, s6  }
0x2b: {  	s23 =	sadd.s32 s1, s5;
	s24 =	sand.u32 $0x70, s1;
	s6 =	sshrl.u32 s6, $0x2  }
0x2c: {  	v1 =	vor.u32 s23, v0;
	s23 =	sor.u32 s24, s6  }
0x2d: {  	[tilespmem:s23+$0xF800] =	vst v1;
	s0 =	simm.s32 $0x0  }
0x2e: {  	[spmem:s2] =	stream.indirect.scatter [tilespmem:s31], [sflag:$0x1], $0x1, s0, s30, $0xb8;
	[tilespmem:$0x1F800] =	vst v63  }
0x2f: {  	_ = 	snop  }
0x30: {  	[spmem:s2] =	stream.indirect.scatter [tilespmem:s10], [sflag:$0x1], $0x1, s30, s30, $0xb8;
	[tilespmem:$0x1F800] =	vst v63  }
0x31: {  	s1 =	simm.s32 $0x100;
	s6 =	simm.s32 $0xF900  }
0x32: {  	[spmem:s2] =	stream.indirect.scatter [tilespmem:s6], [sflag:$0x1], $0x1, s1, s30, $0xb8;
	[tilespmem:$0x1F800] =	vst v63  }
0x33: {  	s9 =	simm.s32 $0xF980;
	s6 =	simm.s32 $0x180  }
0x34: {  	[spmem:s2] =	stream.indirect.scatter [tilespmem:s9], [sflag:$0x1], $0x1, s6, s30, $0xb8;
	[tilespmem:$0x1F800] =	vst v63  }
0x35: {  	s23 =	simm.s32 $0x200;
	s24 =	simm.s32 $0xFA00  }
0x36: {  	[spmem:s2] =	stream.indirect.scatter [tilespmem:s24], [sflag:$0x1], $0x1, s23, s30, $0xb8;
	[tilespmem:$0x1F800] =	vst v63  }
0x37: {  	s25 =	simm.s32 $0x280;
	s28 =	simm.s32 $0xFA80  }
0x38: {  	[spmem:s2] =	stream.indirect.scatter [tilespmem:s28], [sflag:$0x1], $0x1, s25, s30, $0xb8;
	[tilespmem:$0x1F800] =	vst v63  }
0x39: {  	s9 =	simm.s32 $0x300;
	s23 =	simm.s32 $0x380;
	s24 =	sand.u32 $0xE00, s0  }
0x3a: {  	[spmem:s2] =	stream.indirect.scatter [tilespmem:s11], [sflag:$0x1], $0x1, s9, s30, $0xb8;
	[tilespmem:$0x1F800] =	vst v63  }
0x3b: {  	s24 =	sshrl.u32 s24, $0x2;
	s25 =	sadd.s32 $0x0, s26;
	s28 =	sand.u32 $0x70, s0  }
0x3c: {  	[spmem:s2] =	stream.indirect.scatter [tilespmem:s12], [sflag:$0x1], $0x1, s23, s30, $0xb8;
	[tilespmem:$0x1F800] =	vst v63  }
0x3d: {  	s1 =	simm.s32 $0x40;
	v1 =	vor.u32 s25, v0;
	s23 =	sor.u32 s28, s24  }
.LBB2_4:
0x3e: {  	p0 =	sne.s32 s1, $0xFC0  }
0x3f: {  	[tilespmem:s23+$0xFC00] =	vst v1;
	s0 =	sadd.s32 $0x10, s0;
	s6 =	smov.u32 s1;
	s1 =	sadd.s32 $0x40, s1  }
.Ltmp1:
0x40: {  	(pc) =	sbr.rel @p0 .LBB2_4-.Ltmp1, $4  }
0x41: {  	_ = 	snop  }
0x42: {  	s6 =	sand.u32 $0xE00, s6  }
0x43: {  	s23 =	sadd.s32 s0, s26;
	s24 =	sand.u32 $0x70, s0;
	s6 =	sshrl.u32 s6, $0x2  }
0x44: {  	v1 =	vor.u32 s23, v0;
	s23 =	sor.u32 s24, s6  }
0x45: {  	[tilespmem:s23+$0xFC00] =	vst v1;
	s0 =	simm.s32 $0x400  }
0x46: {  	[spmem:s2] =	stream.indirect.scatter [tilespmem:s13], [sflag:$0x1], $0x1, s0, s30, $0xb8;
	[tilespmem:$0x1F800] =	vst v63  }
0x47: {  	s1 =	simm.s32 $0x480  }
0x48: {  	[spmem:s2] =	stream.indirect.scatter [tilespmem:s14], [sflag:$0x1], $0x1, s1, s30, $0xb8;
	[tilespmem:$0x1F800] =	vst v63  }
0x49: {  	s6 =	simm.s32 $0x500  }
0x4a: {  	[spmem:s2] =	stream.indirect.scatter [tilespmem:s15], [sflag:$0x1], $0x1, s6, s30, $0xb8;
	[tilespmem:$0x1F800] =	vst v63  }
0x4b: {  	s9 =	simm.s32 $0x580  }
0x4c: {  	[spmem:s2] =	stream.indirect.scatter [tilespmem:s16], [sflag:$0x1], $0x1, s9, s30, $0xb8;
	[tilespmem:$0x1F800] =	vst v63  }
0x4d: {  	s23 =	simm.s32 $0x600  }
0x4e: {  	[spmem:s2] =	stream.indirect.scatter [tilespmem:s17], [sflag:$0x1], $0x1, s23, s30, $0xb8;
	[tilespmem:$0x1F800] =	vst v63  }
0x4f: {  	s24 =	simm.s32 $0x680  }
0x50: {  	[spmem:s2] =	stream.indirect.scatter [tilespmem:s18], [sflag:$0x1], $0x1, s24, s30, $0xb8;
	[tilespmem:$0x1F800] =	vst v63  }
0x51: {  	s25 =	simm.s32 $0x700  }
0x52: {  	[spmem:s2] =	stream.indirect.scatter [tilespmem:s19], [sflag:$0x1], $0x1, s25, s30, $0xb8;
	[tilespmem:$0x1F800] =	vst v63  }
0x53: {  	s28 =	simm.s32 $0x780;
	s23 =	simm.s32 $0x2;
	s24 =	rddreg [dreg:$0x17]  }
0x54: {  	[spmem:s2] =	stream.indirect.scatter [tilespmem:s7], [sflag:$0x1], $0x1, s28, s30, $0xb8;
	[tilespmem:$0x1F800] =	vst v63  }
.LBB2_6:
0x55: {  	s0 =	sshll.u32 s23, $0x3  }
0x56: {  	s0 =	sand.u32 $0x8, s0  }
0x57: {  	_ =	swait.ge [sflag:s20], $0x400;
	s1 =	sadd.s32 $0x0, s0  }
0x58: {  	s25 =	simm.s32 $0x0;
	s6 =	sadd.s32 $0x0, s24;
	s1 =	sshll.u32 s1, $0x7  }
0x59: {  	[sflag:s20] =	ssyncset.done $0x0;
	s9 =	sand.u32 $0x70, s25;
	s1 =	sand.u32 $0x3FFFFF80, s1  }
0x5a: {  	v1 =	vor.u32 s6, v0;
	[sflag:s20] =	ssyncadd.s32 $0xFFFFFC00;
	s28 =	sor.u32 s9, s1  }
0x5b: {  	s1 =	simm.s32 $0x1;
	[tilespmem:s28+$0xF800] =	vst v1  }
.LBB2_7:
0x5c: {  	s6 =	sshrl.u32 s1, $0x3;
	p0 =	seq.s32 s1, $0x3F;
	s1 =	sadd.s32 $0x1, s1  }
.Ltmp2:
0x5d: {  	s6 =	sadd.s32 s0, s6;
	(pc) =	sbr.rel @!p0 .LBB2_7-.Ltmp2, $4  }
0x5e: {  	s25 =	sadd.s32 $0x10, s25;
	s6 =	sshll.u32 s6, $0x7  }
0x5f: {  	s9 =	sadd.s32 s25, s24;
	s28 =	sand.u32 $0x70, s25;
	s6 =	sand.u32 $0x3FFFFF80, s6  }
0x60: {  	v1 =	vor.u32 s9, v0;
	s6 =	sor.u32 s28, s6  }
0x61: {  	[tilespmem:s6+$0xF800] =	vst v1  }
0x62: {  	s1 =	sshll.u32 s23, $0xA;
	s0 =	sshll.u32 s0, $0x7  }
0x63: {  	s1 =	sand.u32 $0x3FFFFC00, s1;
	s6 =	sor.u32 $0xF800, s0  }
0x64: {  	[spmem:s2] =	stream.indirect.scatter [tilespmem:s6], [sflag:$0x1], $0x1, s1, s30, $0xb8;
	[tilespmem:$0x1F800] =	vst v63  }
0x65: {  	s9 =	sadd.s32 $0xF880, s0;
	s25 =	sor.u32 $0x80, s1  }
0x66: {  	[spmem:s2] =	stream.indirect.scatter [tilespmem:s9], [sflag:$0x1], $0x1, s25, s30, $0xb8;
	[tilespmem:$0x1F800] =	vst v63  }
0x67: {  	s28 =	sadd.s32 $0xF900, s0;
	s9 =	sor.u32 $0x100, s1  }
0x68: {  	[spmem:s2] =	stream.indirect.scatter [tilespmem:s28], [sflag:$0x1], $0x1, s9, s30, $0xb8;
	[tilespmem:$0x1F800] =	vst v63  }
0x69: {  	s28 =	sadd.s32 $0xF980, s0;
	s9 =	sor.u32 $0x180, s1  }
0x6a: {  	[spmem:s2] =	stream.indirect.scatter [tilespmem:s28], [sflag:$0x1], $0x1, s9, s30, $0xb8;
	[tilespmem:$0x1F800] =	vst v63  }
0x6b: {  	s23 =	sadd.s32 $0x1, s23;
	s28 =	sadd.s32 $0xFA00, s0;
	s9 =	sor.u32 $0x200, s1  }
0x6c: {  	[spmem:s2] =	stream.indirect.scatter [tilespmem:s28], [sflag:$0x1], $0x1, s9, s30, $0xb8;
	[tilespmem:$0x1F800] =	vst v63  }
0x6d: {  	p0 =	seq.s32 s23, $0x3E;
	s28 =	sadd.s32 $0xFA80, s0;
	s9 =	sor.u32 $0x280, s1  }
0x6e: {  	[spmem:s2] =	stream.indirect.scatter [tilespmem:s28], [sflag:$0x1], $0x1, s9, s30, $0xb8;
	[tilespmem:$0x1F800] =	vst v63  }
.Ltmp3:
0x6f: {  	_ = 	snop;
	(pc) =	sbr.rel @!p0 .LBB2_6-.Ltmp3, $4  }
0x70: {  	s25 =	sadd.s32 $0xFB00, s0;
	s28 =	sor.u32 $0x300, s1  }
0x71: {  	[spmem:s2] =	stream.indirect.scatter [tilespmem:s25], [sflag:$0x1], $0x1, s28, s30, $0xb8;
	[tilespmem:$0x1F800] =	vst v63  }
0x72: {  	s24 =	sadd.s32 $0x400, s24;
	s0 =	sadd.s32 $0xFB80, s0;
	s1 =	sor.u32 $0x380, s1  }
0x73: {  	[spmem:s2] =	stream.indirect.scatter [tilespmem:s0], [sflag:$0x1], $0x1, s1, s30, $0xb8;
	[tilespmem:$0x1F800] =	vst v63  }
0x74: {  	_ =	swait.ge [sflag:s20], $0x800  }
0x75: {  	[sflag:s20] =	ssyncset.done $0x0  }
0x76: {  	[sflag:s20] =	ssyncadd.s32 $0xFFFFF800  }
0x77: {  	[bflag:$0x0] =	sbarrier.arrive $0xFFFF  }
0x78: {  	[tilespmem:s31], [sflag:$0x1] =	stream.indirect.gather [spmem:s2], $0x1, s8, s30, $0xb8;
	[tilespmem:$0x1F800] =	vst v63  }
0x79: {  	s0 =	rddreg [dreg:$0x8]  }
0x7a: {  	[tilespmem:s10], [sflag:$0x1] =	stream.indirect.gather [spmem:s2], $0x1, s0, s30, $0xb8;
	[tilespmem:$0x1F800] =	vst v63  }
0x7b: {  	s1 =	simm.s32 $0xF900;
	s24 =	rddreg [dreg:$0x9]  }
0x7c: {  	[tilespmem:s1], [sflag:$0x1] =	stream.indirect.gather [spmem:s2], $0x1, s24, s30, $0xb8;
	[tilespmem:$0x1F800] =	vst v63  }
0x7d: {  	s28 =	simm.s32 $0xF980;
	s25 =	rddreg [dreg:$0xa]  }
0x7e: {  	[tilespmem:s28], [sflag:$0x1] =	stream.indirect.gather [spmem:s2], $0x1, s25, s30, $0xb8;
	[tilespmem:$0x1F800] =	vst v63  }
0x7f: {  	s6 =	simm.s32 $0xFA00;
	s1 =	rddreg [dreg:$0xb]  }
0x80: {  	[tilespmem:s6], [sflag:$0x1] =	stream.indirect.gather [spmem:s2], $0x1, s1, s30, $0xb8;
	[tilespmem:$0x1F800] =	vst v63  }
0x81: {  	s9 =	rddreg [dreg:$0xc];
	s10 =	simm.s32 $0xFA80  }
0x82: {  	[tilespmem:s10], [sflag:$0x1] =	stream.indirect.gather [spmem:s2], $0x1, s9, s30, $0xb8;
	[tilespmem:$0x1F800] =	vst v63  }
0x83: {  	s23 =	rddreg [dreg:$0xd]  }
0x84: {  	[tilespmem:s11], [sflag:$0x1] =	stream.indirect.gather [spmem:s2], $0x1, s23, s30, $0xb8;
	[tilespmem:$0x1F800] =	vst v63  }
0x85: {  	s24 =	rddreg [dreg:$0xe]  }
0x86: {  	[tilespmem:s12], [sflag:$0x1] =	stream.indirect.gather [spmem:s2], $0x1, s24, s30, $0xb8;
	[tilespmem:$0x1F800] =	vst v63  }
0x87: {  	s25 =	rddreg [dreg:$0xf]  }
0x88: {  	[tilespmem:s13], [sflag:$0x1] =	stream.indirect.gather [spmem:s2], $0x1, s25, s30, $0xb8;
	[tilespmem:$0x1F800] =	vst v63  }
0x89: {  	s28 =	rddreg [dreg:$0x10]  }
0x8a: {  	[tilespmem:s14], [sflag:$0x1] =	stream.indirect.gather [spmem:s2], $0x1, s28, s30, $0xb8;
	[tilespmem:$0x1F800] =	vst v63  }
0x8b: {  	s1 =	rddreg [dreg:$0x11]  }
0x8c: {  	[tilespmem:s15], [sflag:$0x1] =	stream.indirect.gather [spmem:s2], $0x1, s1, s30, $0xb8;
	[tilespmem:$0x1F800] =	vst v63  }
0x8d: {  	s6 =	rddreg [dreg:$0x12]  }
0x8e: {  	[tilespmem:s16], [sflag:$0x1] =	stream.indirect.gather [spmem:s2], $0x1, s6, s30, $0xb8;
	[tilespmem:$0x1F800] =	vst v63  }
0x8f: {  	s9 =	rddreg [dreg:$0x13]  }
0x90: {  	[tilespmem:s17], [sflag:$0x1] =	stream.indirect.gather [spmem:s2], $0x1, s9, s30, $0xb8;
	[tilespmem:$0x1F800] =	vst v63  }
0x91: {  	s10 =	rddreg [dreg:$0x14]  }
0x92: {  	[tilespmem:s18], [sflag:$0x1] =	stream.indirect.gather [spmem:s2], $0x1, s10, s30, $0xb8;
	[tilespmem:$0x1F800] =	vst v63  }
0x93: {  	s23 =	rddreg [dreg:$0x15]  }
0x94: {  	[tilespmem:s19], [sflag:$0x1] =	stream.indirect.gather [spmem:s2], $0x1, s23, s30, $0xb8;
	[tilespmem:$0x1F800] =	vst v63  }
0x95: {  	s24 =	rddreg [dreg:$0x16]  }
0x96: {  	[tilespmem:s7], [sflag:$0x1] =	stream.indirect.gather [spmem:s2], $0x1, s24, s30, $0xb8;
	[tilespmem:$0x1F800] =	vst v63  }
0x97: {  	_ =	swait.ge [sflag:s20], $0x400  }
0x98: {  	s25 =	simm.s32 $0x0;
	[sflag:s20] =	ssyncset.done $0x0  }
0x99: {  	s6 =	simm.s32 $0x2000;
	s28 =	rddreg [dreg:$0x5];
	[sflag:s20] =	ssyncadd.s32 $0xFFFFFC00  }
0x9a: {  	[hbm4b:s28+s25] =	stream.linear.scatter [tilespmem:s31], [sflag:$0x2], $0x400, $0x38;
	[tilespmem:$0x1F800] =	vst v63  }
0x9b: {  	s0 =	sand.u32 $0x1000, s6;
	_ =	swait.ge [sflag:s21], $0x400  }
0x9c: {  	s1 =	sadd.s32 $0x0, s8;
	s0 =	sshrl.u32 s0, $0x2;
	[sflag:s21] =	ssyncset.done $0x0  }
0x9d: {  	s9 =	sadd.s32 $0x800, s1;
	s6 =	sor.u32 $0xF800, s0;
	[sflag:s21] =	ssyncadd.s32 $0xFFFFFC00  }
0x9e: {  	[tilespmem:s6], [sflag:$0x1] =	stream.indirect.gather [spmem:s2], $0x1, s9, s30, $0xb8;
	[tilespmem:$0x1F800] =	vst v63  }
0x9f: {  	s10 =	sadd.s32 $0x880, s1;
	s9 =	sor.u32 $0xF880, s0  }
0xa0: {  	[tilespmem:s9], [sflag:$0x1] =	stream.indirect.gather [spmem:s2], $0x1, s10, s30, $0xb8;
	[tilespmem:$0x1F800] =	vst v63  }
0xa1: {  	s23 =	sor.u32 $0xF900, s0;
	s24 =	sadd.s32 $0x900, s1  }
0xa2: {  	[tilespmem:s23], [sflag:$0x1] =	stream.indirect.gather [spmem:s2], $0x1, s24, s30, $0xb8;
	[tilespmem:$0x1F800] =	vst v63  }
0xa3: {  	s25 =	sor.u32 $0xF980, s0;
	s28 =	sadd.s32 $0x980, s1  }
0xa4: {  	[tilespmem:s25], [sflag:$0x1] =	stream.indirect.gather [spmem:s2], $0x1, s28, s30, $0xb8;
	[tilespmem:$0x1F800] =	vst v63  }
0xa5: {  	s9 =	sor.u32 $0xFA00, s0;
	s10 =	sadd.s32 $0xA00, s1  }
0xa6: {  	[tilespmem:s9], [sflag:$0x1] =	stream.indirect.gather [spmem:s2], $0x1, s10, s30, $0xb8;
	[tilespmem:$0x1F800] =	vst v63  }
0xa7: {  	s23 =	sor.u32 $0xFA80, s0;
	s24 =	sadd.s32 $0xA80, s1  }
0xa8: {  	[tilespmem:s23], [sflag:$0x1] =	stream.indirect.gather [spmem:s2], $0x1, s24, s30, $0xb8;
	[tilespmem:$0x1F800] =	vst v63  }
0xa9: {  	s25 =	sor.u32 $0xFB00, s0;
	s28 =	sadd.s32 $0xB00, s1  }
0xaa: {  	[tilespmem:s25], [sflag:$0x1] =	stream.indirect.gather [spmem:s2], $0x1, s28, s30, $0xb8;
	[tilespmem:$0x1F800] =	vst v63  }
0xab: {  	s0 =	sor.u32 $0xFB80, s0;
	s1 =	sadd.s32 $0xB80, s1  }
0xac: {  	[tilespmem:s0], [sflag:$0x1] =	stream.indirect.gather [spmem:s2], $0x1, s1, s30, $0xb8;
	[tilespmem:$0x1F800] =	vst v63  }
0xad: {  	s23 =	simm.s32 $0x400;
	_ =	swait.ge [sflag:s20], $0x400  }
0xae: {  	s24 =	simm.s32 $0x3000;
	s25 =	simm.s32 $0x2000;
	s10 =	rddreg [dreg:$0x3]  }
0xaf: {  	s28 =	sand.u32 $0x400, s23;
	s23 =	simm.s32 $0x800;
	s0 =	sadd.s32 $0x400, s10  }
0xb0: {  	s6 =	sor.u32 $0xF800, s28;
	[sflag:s20] =	ssyncset.done $0x0;
	s0 =	sshrl.u32 s0, $0x3  }
0xb1: {  	s1 =	simm.s32 $0x400;
	[sflag:s20] =	ssyncadd.s32 $0xFFFFFC00;
	s0 =	sadd.s32 s4, s0  }
.LBB2_10:
0xb2: {  	[hbm4b:s0+s3] =	stream.linear.scatter [tilespmem:s6], [sflag:$0x2], $0x400, $0x38;
	[tilespmem:$0x1F800] =	vst v63  }
0xb3: {  	s0 =	smov.u32 s25  }
0xb4: {  	s10 =	sand.u32 $0x1000, s24;
	s24 =	sadd.s32 $0x2000, s25;
	_ =	swait.ge [sflag:s21], $0x400  }
0xb5: {  	s1 =	sadd.s32 s1, s8;
	s6 =	sshrl.u32 s10, $0x2;
	[sflag:s21] =	ssyncset.done $0x0  }
0xb6: {  	s28 =	sadd.s32 $0x800, s1;
	s9 =	sor.u32 $0xF800, s6;
	[sflag:s21] =	ssyncadd.s32 $0xFFFFFC00  }
0xb7: {  	[tilespmem:s9], [sflag:$0x1] =	stream.indirect.gather [spmem:s2], $0x1, s28, s30, $0xb8;
	[tilespmem:$0x1F800] =	vst v63  }
0xb8: {  	p0 =	sne.s32 s25, $0x1C000;
	s10 =	sadd.s32 $0x880, s1;
	s28 =	sor.u32 $0xF880, s6  }
0xb9: {  	[tilespmem:s28], [sflag:$0x1] =	stream.indirect.gather [spmem:s2], $0x1, s10, s30, $0xb8;
	[tilespmem:$0x1F800] =	vst v63  }
0xba: {  	s9 =	sadd.s32 $0x1000, s25;
	s25 =	sor.u32 $0xF900, s6;
	s28 =	sadd.s32 $0x900, s1  }
0xbb: {  	[tilespmem:s25], [sflag:$0x1] =	stream.indirect.gather [spmem:s2], $0x1, s28, s30, $0xb8;
	[tilespmem:$0x1F800] =	vst v63  }
0xbc: {  	s25 =	sor.u32 $0xF980, s6;
	s28 =	sadd.s32 $0x980, s1  }
0xbd: {  	[tilespmem:s25], [sflag:$0x1] =	stream.indirect.gather [spmem:s2], $0x1, s28, s30, $0xb8;
	[tilespmem:$0x1F800] =	vst v63  }
0xbe: {  	s25 =	sor.u32 $0xFA00, s6;
	s28 =	sadd.s32 $0xA00, s1  }
0xbf: {  	[tilespmem:s25], [sflag:$0x1] =	stream.indirect.gather [spmem:s2], $0x1, s28, s30, $0xb8;
	[tilespmem:$0x1F800] =	vst v63  }
0xc0: {  	s25 =	sor.u32 $0xFA80, s6;
	s28 =	sadd.s32 $0xA80, s1  }
0xc1: {  	[tilespmem:s25], [sflag:$0x1] =	stream.indirect.gather [spmem:s2], $0x1, s28, s30, $0xb8;
	[tilespmem:$0x1F800] =	vst v63  }
0xc2: {  	s25 =	sor.u32 $0xFB00, s6;
	s28 =	sadd.s32 $0xB00, s1  }
0xc3: {  	[tilespmem:s25], [sflag:$0x1] =	stream.indirect.gather [spmem:s2], $0x1, s28, s30, $0xb8;
	[tilespmem:$0x1F800] =	vst v63  }
0xc4: {  	s6 =	sor.u32 $0xFB80, s6;
	s1 =	sadd.s32 $0xB80, s1  }
0xc5: {  	[tilespmem:s6], [sflag:$0x1] =	stream.indirect.gather [spmem:s2], $0x1, s1, s30, $0xb8;
	[tilespmem:$0x1F800] =	vst v63  }
.Ltmp4:
0xc6: {  	_ =	swait.ge [sflag:s20], $0x400;
	(pc) =	sbr.rel @p0 .LBB2_10-.Ltmp4, $4  }
0xc7: {  	s25 =	sand.u32 $0x400, s23;
	s10 =	rddreg [dreg:$0x3]  }
0xc8: {  	s6 =	sor.u32 $0xF800, s25;
	[sflag:s20] =	ssyncset.done $0x0;
	s1 =	sadd.s32 s23, s10  }
0xc9: {  	s25 =	smov.u32 s9;
	[sflag:s20] =	ssyncadd.s32 $0xFFFFFC00;
	s28 =	sshrl.u32 s1, $0x3  }
0xca: {  	s23 =	sadd.s32 $0x400, s23;
	s1 =	sshra.s32 s0, $0x2;
	s0 =	sadd.s32 s4, s28  }
0xcb: {  	[hbm4b:s0+s3] =	stream.linear.scatter [tilespmem:s6], [sflag:$0x2], $0x400, $0x38;
	[tilespmem:$0x1F800] =	vst v63  }
0xcc: {  	s25 =	sand.u32 $0x1000, s24;
	_ =	swait.ge [sflag:s21], $0x400  }
0xcd: {  	s1 =	sadd.s32 s1, s8;
	s0 =	sshrl.u32 s25, $0x2;
	[sflag:s21] =	ssyncset.done $0x0  }
0xce: {  	s9 =	sadd.s32 $0x800, s1;
	s28 =	sor.u32 $0xF800, s0;
	[sflag:s21] =	ssyncadd.s32 $0xFFFFFC00  }
0xcf: {  	[tilespmem:s28], [sflag:$0x1] =	stream.indirect.gather [spmem:s2], $0x1, s9, s30, $0xb8;
	[tilespmem:$0x1F800] =	vst v63  }
0xd0: {  	s24 =	sadd.s32 $0x880, s1;
	s10 =	sor.u32 $0xF880, s0  }
0xd1: {  	[tilespmem:s10], [sflag:$0x1] =	stream.indirect.gather [spmem:s2], $0x1, s24, s30, $0xb8;
	[tilespmem:$0x1F800] =	vst v63  }
0xd2: {  	s25 =	sor.u32 $0xF900, s0;
	s28 =	sadd.s32 $0x900, s1  }
0xd3: {  	[tilespmem:s25], [sflag:$0x1] =	stream.indirect.gather [spmem:s2], $0x1, s28, s30, $0xb8;
	[tilespmem:$0x1F800] =	vst v63  }
0xd4: {  	s10 =	sor.u32 $0xF980, s0;
	s24 =	sadd.s32 $0x980, s1  }
0xd5: {  	[tilespmem:s10], [sflag:$0x1] =	stream.indirect.gather [spmem:s2], $0x1, s24, s30, $0xb8;
	[tilespmem:$0x1F800] =	vst v63  }
0xd6: {  	s25 =	sor.u32 $0xFA00, s0;
	s28 =	sadd.s32 $0xA00, s1  }
0xd7: {  	[tilespmem:s25], [sflag:$0x1] =	stream.indirect.gather [spmem:s2], $0x1, s28, s30, $0xb8;
	[tilespmem:$0x1F800] =	vst v63  }
0xd8: {  	s10 =	sor.u32 $0xFA80, s0;
	s24 =	sadd.s32 $0xA80, s1  }
0xd9: {  	[tilespmem:s10], [sflag:$0x1] =	stream.indirect.gather [spmem:s2], $0x1, s24, s30, $0xb8;
	[tilespmem:$0x1F800] =	vst v63  }
0xda: {  	s25 =	sor.u32 $0xFB00, s0;
	s28 =	sadd.s32 $0xB00, s1  }
0xdb: {  	[tilespmem:s25], [sflag:$0x1] =	stream.indirect.gather [spmem:s2], $0x1, s28, s30, $0xb8;
	[tilespmem:$0x1F800] =	vst v63  }
0xdc: {  	s0 =	sor.u32 $0xFB80, s0;
	s1 =	sadd.s32 $0xB80, s1  }
0xdd: {  	[tilespmem:s0], [sflag:$0x1] =	stream.indirect.gather [spmem:s2], $0x1, s1, s30, $0xb8;
	[tilespmem:$0x1F800] =	vst v63  }
0xde: {  	_ =	swait.ge [sflag:s20], $0x400  }
0xdf: {  	s10 =	rddreg [dreg:$0x3]  }
0xe0: {  	s0 =	sadd.s32 s23, s10  }
0xe1: {  	s24 =	sand.u32 $0x400, s23;
	[sflag:s20] =	ssyncset.done $0x0;
	s0 =	sshrl.u32 s0, $0x3  }
0xe2: {  	s1 =	sor.u32 $0xF800, s24;
	[sflag:s20] =	ssyncadd.s32 $0xFFFFFC00;
	s0 =	sadd.s32 s4, s0  }
0xe3: {  	[hbm4b:s0+s3] =	stream.linear.scatter [tilespmem:s1], [sflag:$0x2], $0x400, $0x38;
	[tilespmem:$0x1F800] =	vst v63  }
0xe4: {  	_ =	swait.ge [sflag:s20], $0x400  }
0xe5: {  	[sflag:s20] =	ssyncset.done $0x0  }
0xe6: {  	s25 =	rddreg [dreg:$0x6];
	[sflag:s20] =	ssyncadd.s32 $0xFFFFFC00  }
0xe7: {  	[hbm4b:s25+s3] =	stream.linear.scatter [tilespmem:s31], [sflag:$0x2], $0x400, $0x38;
	[tilespmem:$0x1F800] =	vst v63  }
0xe8: {  	_ =	swait.ge [sflag:s21], $0x800  }
0xe9: {  	s22 =	sadd.s32 $0x1, s22;
	s28 =	rddreg [dreg:$0x7]  }
0xea: {  	p0 =	sne.s32 s22, s28  }
.Ltmp5:
0xeb: {  	_ = 	snop;
	(pc) =	sbr.rel @p0 .LBB2_1-.Ltmp5, $3  }
0xec: {  	_ =	sdelay $0x1  }
0xed: {  	[sflag:s21] =	ssyncset.done $0x0  }
0xee: {  	s10 =	simm.s32 $0xF880;
	[sflag:s21] =	ssyncadd.s32 $0xFFFFF800  }
0xef: {  	_ =	sfence.sel $0x180000  }
0xf0: {  	[bflag:$0x0] =	sbarrier.arrive $0xFFFF  }
0xf1: {  	_ =	strace $0x90000047  }
0xf2: {  	s0 =	stileid.u32;
	[bflag:$0x2] =	sbarrier.arrive $0xFFFF  }
0xf3: {  	p0 =	sne.s32 s0, $0x0;
	s0 =	rddreg [dreg:$0x2]  }
0xf4: {  	s0 =	sadd.s32 @!p0 $0x100000, s0  }
0xf5: {  	[sflag:s0] =	ssyncadd.tile.s32 @!p0 $0x1;
	_ =	shalt  }
.Lfunc_end2:
_tile_overlayer_lowered:
.L_overlay_start_2:
0xf6: {  	(tag) =	ssettag $0x2  }
0xf7: {  	s0 =	rddreg [dreg:$0x0];
	s2 =	stileid.u32  }
0xf8: {  	s1 =	rddreg [dreg:$0x1];
	p0 =	sne.s32 s2, $0x0  }
0xf9: {  	s3 =	rddreg [dreg:$0x2];
	[bflag:$0x3] =	sbarrier.arrive $0xFFFF;
	s2 =	simm.s32 @!p0 $0x1C03  }
0xfa: {  	[timem:s3], [sflag:s2] =	dma.local @!p0 [hbm:s0], s1  }
0xfb: {  	s0 =	simm.s32 @!p0 $0x3  }
0xfc: {  	_ =	swait.ge @!p0 [sflag:s0], s1  }
0xfd: {  	s1 =	ssub.s32 @!p0 $0x0, s1;
	[sflag:s0] =	ssyncset.done @!p0 $0x0  }
0xfe: {  	[sflag:s0] =	ssyncadd.s32 @!p0 s1  }
0xff: {  	[bflag:$0x3] =	sbarrier.arrive $0xFFFF  }
0x100: {  	_ =	shalt  }

// kernel: kernel.7.cloned.1.call-start
scs
__scs_entry_jumppad:
0x0: {  	(pc) =	sbr.rel $0x88, $3  }
0x1: {  	(tag) =	ssettag $0x0;
	lr =	simm.s32 $0x1  }
0x2: {  	[smem:$0x3F9F] =	sst lr;
	_ =	strace $0xD0000000  }
0x3: {  	_ = 	snop  }
0x4: {  	_ = 	snop  }
0x5: {  	_ = 	snop  }
0x6: {  	_ = 	snop  }
0x7: {  	_ = 	snop  }
__scs_overlays_trampoline_lowered:
0x8: {  	[smem:$0x3FAE] =	sst s0  }
0x9: {  	[smem:$0x3FAF] =	sst s1  }
0xa: {  	[smem:$0x3FB0] =	sst s2  }
0xb: {  	[smem:$0x3FB1] =	sst s3  }
0xc: {  	[smem:$0x3FB2] =	sst s4  }
0xd: {  	[smem:$0x3FB3] =	sst s5  }
0xe: {  	[smem:$0x3FB4] =	sst s6  }
0xf: {  	[smem:$0x3FB5] =	sst s7  }
0x10: {  	[smem:$0x3FB6] =	sst s8  }
0x11: {  	[smem:$0x3FB7] =	sst s9;
	s0 =	simm.s32 @!p0 $0x0  }
0x12: {  	s1 =	sld [smem:$0x3F9D];
	s0 =	simm.s32 @p0 $0x1  }
0x13: {  	[smem:$0x3FB8] =	sst s0;
	s0 =	simm.s32 @!p1 $0x0  }
0x14: {  	s2 =	sld [smem:$0x3F9C];
	s0 =	simm.s32 @p1 $0x1  }
0x15: {  	[smem:$0x3FB9] =	sst s0;
	s0 =	simm.s32 @!p2 $0x0  }
0x16: {  	s3 =	sld [smem:$0x3FDB];
	s0 =	simm.s32 @p2 $0x1  }
0x17: {  	s4 =	simm.s32 $0x1BF5;
	[smem:$0x3FBB] =	sst s0  }
0x18: {  	s0 =	sld [smem:$0x3F9E];
	_ =	swait.ge [sflag:s4], $0x0  }
0x19: {  	s7 =	sld [smem:$0x3F9F]  }
0x1a: {  	s8 =	sadd.s32 $0xFFFFE003, lr  }
0x1b: {  	s9 =	sadd.s32 $0xFFFFFEF7, lr;
	s5 =	simm.s32 $0xFFFFFFFF;
	p2 =	slt.u32 s8, $0xFFFFF086  }
0x1c: {  	p1 =	slt.u32 s9, $0xF7A;
	s5 =	simm.s32 @!p2 $0x0  }
0x1d: {  	s5 =	simm.s32 @p1 $0x1;
	p0 =	seq.s32 s7, s2  }
0x1e: {  	s7 =	smul.u32 @!p0 $0xF7A, s2;
	p2 =	seq.s32 @!p0 s5, $0x0  }
0x1f: {  	s9 =	smul.u32 $0xF7A, s1;
	s8 =	simm.s32 @!p0 $0x1BF5;
	p2 =	por !p2, p0  }
0x20: {  	[sflag:s8] =	ssyncset.s32 @!p0 $0xFFFFF086;
	s6 =	sadd.s32 @!p0 s3, s7;
	s7 =	simm.s32 @!p0 $0x108  }
0x21: {  	s3 =	sadd.s32 s3, s9;
	s6 =	sadd.s32 @!p0 $0x88, s6;
	s7 =	simm.s32 @p2 $0x1082  }
0x22: {  	[simem:s7], [sflag:s8] =	dma.local @!p0 [hbm:s6], $0xF7A  }
0x23: {  	s9 =	sor.u32 $0xD0000000, s2;
	s6 =	simm.s32 $0x108;
	_ =	swait.ge @!p0 [sflag:s8], $0x0  }
0x24: {  	s3 =	sadd.s32 $0x88, s3;
	s6 =	simm.s32 @!p1 $0x1082;
	[sflag:s4] =	ssyncset.s32 $0xFFFFF086  }
0x25: {  	[simem:s6], [sflag:s4] =	dma.local [hbm:s3], $0xF7A  }
0x26: {  	[smem:$0x3F9F] =	sst s1;
	(tag) =	ssettag s2;
	_ =	strace s9  }
0x27: {  	s1 =	sld [smem:$0x3FAF]  }
0x28: {  	s2 =	sld [smem:$0x3FB0]  }
0x29: {  	s4 =	sld [smem:$0x3FB2]  }
0x2a: {  	p0 =	seq.s32 s5, $0x0;
	s5 =	sld [smem:$0x3FB3]  }
0x2b: {  	s6 =	sld [smem:$0x3FB4]  }
0x2c: {  	s7 =	sld [smem:$0x3FB5]  }
0x2d: {  	s3 =	simm.s32 $0x108;
	s8 =	sld [smem:$0x3FB6]  }
0x2e: {  	s3 =	simm.s32 @!p0 $0x1082;
	s9 =	sld [smem:$0x3FB7]  }
0x2f: {  	lr =	sadd.s32 s0, s3;
	s0 =	sld [smem:$0x3FAE]  }
0x30: {  	s3 =	sld [smem:$0x3FB1]  }
0x31: {  	[smem:$0x3FBA] =	sst s10  }
0x32: {  	s10 =	sld [smem:$0x3FB8];
	_ =	sdelay $0x3  }
0x33: {  	p0 =	seq.s32 s10, $0x1;
	s10 =	sld [smem:$0x3FBA];
	_ =	sdelay $0x3  }
0x34: {  	[smem:$0x3FBA] =	sst s10  }
0x35: {  	s10 =	sld [smem:$0x3FB9];
	_ =	sdelay $0x3  }
0x36: {  	p1 =	seq.s32 s10, $0x1;
	s10 =	sld [smem:$0x3FBA];
	_ =	sdelay $0x3  }
0x37: {  	[smem:$0x3FBA] =	sst s10  }
0x38: {  	s10 =	sld [smem:$0x3FBB]  }
0x39: {  	_ = 	snop;
	(pc) =	sbr.ind lr, $3  }
0x3a: {  	_ = 	snop  }
0x3b: {  	_ = 	snop  }
0x3c: {  	p2 =	seq.s32 s10, $0x1;
	s10 =	sld [smem:$0x3FBA]  }
0x3d: {  	_ =	shalt  }
0x3e: {  	_ =	shalt  }
0x3f: {  	_ =	shalt  }
0x40: {  	_ =	shalt  }
0x41: {  	_ =	shalt  }
0x42: {  	_ =	shalt  }
0x43: {  	_ =	shalt  }
0x44: {  	_ =	shalt  }
0x45: {  	_ =	shalt  }
0x46: {  	_ =	shalt  }
0x47: {  	_ =	shalt  }
0x48: {  	_ =	shalt  }
0x49: {  	_ =	shalt  }
0x4a: {  	_ =	shalt  }
0x4b: {  	_ =	shalt  }
0x4c: {  	_ =	shalt  }
0x4d: {  	_ =	shalt  }
0x4e: {  	_ =	shalt  }
0x4f: {  	_ =	shalt  }
0x50: {  	_ =	shalt  }
0x51: {  	_ =	shalt  }
0x52: {  	_ =	shalt  }
0x53: {  	_ =	shalt  }
0x54: {  	_ =	shalt  }
0x55: {  	_ =	shalt  }
0x56: {  	_ =	shalt  }
0x57: {  	_ =	shalt  }
0x58: {  	_ =	shalt  }
0x59: {  	_ =	shalt  }
0x5a: {  	_ =	shalt  }
0x5b: {  	_ =	shalt  }
0x5c: {  	_ =	shalt  }
0x5d: {  	_ =	shalt  }
0x5e: {  	_ =	shalt  }
0x5f: {  	_ =	shalt  }
0x60: {  	_ =	shalt  }
0x61: {  	_ =	shalt  }
0x62: {  	_ =	shalt  }
0x63: {  	_ =	shalt  }
0x64: {  	_ =	shalt  }
0x65: {  	_ =	shalt  }
0x66: {  	_ =	shalt  }
0x67: {  	_ =	shalt  }
0x68: {  	_ =	shalt  }
0x69: {  	_ =	shalt  }
0x6a: {  	_ =	shalt  }
0x6b: {  	_ =	shalt  }
0x6c: {  	_ =	shalt  }
0x6d: {  	_ =	shalt  }
0x6e: {  	_ =	shalt  }
0x6f: {  	_ =	shalt  }
0x70: {  	_ =	shalt  }
0x71: {  	_ =	shalt  }
0x72: {  	_ =	shalt  }
0x73: {  	_ =	shalt  }
0x74: {  	_ =	shalt  }
0x75: {  	_ =	shalt  }
0x76: {  	_ =	shalt  }
0x77: {  	_ =	shalt  }
0x78: {  	_ =	shalt  }
0x79: {  	_ =	shalt  }
0x7a: {  	_ =	shalt  }
0x7b: {  	_ =	shalt  }
0x7c: {  	_ =	shalt  }
0x7d: {  	_ =	shalt  }
0x7e: {  	_ =	shalt  }
0x7f: {  	_ =	shalt  }
0x80: {  	_ =	shalt  }
0x81: {  	_ =	shalt  }
0x82: {  	_ =	shalt  }
0x83: {  	_ =	shalt  }
0x84: {  	_ =	shalt  }
0x85: {  	_ =	shalt  }
0x86: {  	_ =	shalt  }
0x87: {  	_ =	shalt  }
.Lfunc_end0:
.L_simem_size_0:
called_computation.1_lowered:
.L_overlay_start_0:
0x88: {  	s2 =	sld [smem:$0x3FD9]  }
0x89: {  	s3 =	sld [smem:$0x3FFE];
	_ =	sdelay $0x1  }
0x8a: {  	s1 =	srdreg.scid  }
0x8b: {  	s0 =	sand.u32 $0x1, s1  }
0x8c: {  	s17 =	sshll.u32 s0, $0xA;
	s2 =	sadd.s32 s3, s2  }
0x8d: {  	s2 =	sadd.s32 s2, s17  }
0x8e: {  	[smem:$0x3FC6] =	sst s2  }
0x8f: {  	_ = 	snop  }
0x90: {  	s2 =	sld [smem:$0x3FD0];
	(tm) =	ssettm $0x1  }
0x91: {  	s18 =	sld [smem:$0x3FFB];
	_ =	sdelay $0x3  }
0x92: {  	_ =	strace s18  }
0x93: {  	s3 =	sld [smem:$0x3FFC];
	_ =	sdelay $0x3  }
0x94: {  	_ =	strace s3  }
0x95: {  	s3 =	sld [smem:$0x3FFD];
	_ =	sdelay $0x3  }
0x96: {  	_ =	strace s3  }
0x97: {  	_ =	strace $0x8FFFFFFF  }
0x98: {  	s19 =	sld [smem:$0x3FDB];
	_ =	sdelay $0x1  }
0x99: {  	s4 =	simm.s32 $_scs_section_size  }
0x9a: {  	s5 =	simm.s32 $_size__tile_overlayer_lowered;
	s6 =	simm.s32 $_tile_overlayer_lowered  }
0x9b: {  	s22 =	simm.s32 $0x1BFF;
	s21 =	sshll.u32 s6, $0x1;
	s3 =	sadd.s32 s4, s19  }
0x9c: {  	s7 =	simm.s32 $0x0;
	s20 =	sshll.u32 s5, $0x1;
	s5 =	sadd.s32 s21, s3  }
0x9d: {  	[timem:s7], [sflag:s22] =	dma.local [hbm:s5], s20  }
0x9e: {  	_ =	swait.ge [sflag:s22], s20  }
0x9f: {  	s4 =	ssub.s32 $0x0, s20;
	[sflag:s22] =	ssyncset.done $0x0  }
0xa0: {  	[sflag:s22] =	ssyncadd.s32 s4;
	_ =	sdelay $0x1  }
0xa1: {  	s23 =	simm.s32 $0x1B8B  }
0xa2: {  	_ =	swait.ge [sflag:s23], $0x1  }
0xa3: {  	[sflag:s23] =	ssyncset.done $0x0  }
0xa4: {  	s25 =	simm.s32 $0x1B8E;
	s24 =	sld [smem:$0x3FFE];
	[sflag:s23] =	ssyncadd.s32 $0xFFFFFFFF  }
0xa5: {  	s26 =	simm.s32 $execute0_lowered;
	[smem:$0x3FD2] =	sst s25  }
0xa6: {  	s5 =	sshll.u32 s26, $0x1;
	_ =	strace $0x80000049;
	[dreg:$0x1] =	wrdreg $0xFFFFFFFF  }
0xa7: {  	s28 =	simm.s32 $_size_execute0_lowered;
	s3 =	sadd.s32 s3, s5;
	[dreg:$0x0] =	wrdreg $0x0  }
0xa8: {  	s5 =	sshll.u32 s28, $0x1;
	[dreg:$0x2] =	wrdreg s3  }
0xa9: {  	[dreg:$0x3] =	wrdreg s5  }
0xaa: {  	[dreg:$0x4] =	wrdreg $0xC0  }
0xab: {  	_ =	task [dreg:s7], $0x5FFFF  }
0xac: {  	[dreg:$0x1] =	wrdreg $0xFFFFFFFF  }
0xad: {  	[dreg:$0x0] =	wrdreg $0x60  }
0xae: {  	[dreg:$0x2] =	wrdreg s2  }
0xaf: {  	[dreg:$0x3] =	wrdreg s24  }
0xb0: {  	[dreg:$0x4] =	wrdreg $0xA0000  }
0xb1: {  	[dreg:$0x5] =	wrdreg $0x9  }
0xb2: {  	_ =	task.clear_ibuf [dreg:s7], $0x6FFFF;
	_ =	strace $0x90000049  }
0xb3: {  	s29 =	simm.s32 $0x9;
	_ =	strace $0x8000004B  }
0xb4: {  	_ =	swait.ge [sflag:s29], $0x1  }
0xb5: {  	[sflag:s29] =	ssyncadd.s32 $0xFFFFFFFF  }
0xb6: {  	_ =	strace $0x9000004B  }
0xb7: {  	_ =	sfence  }
0xb8: {  	s30 =	sld [smem:$0x0];
	_ =	sdelay $0x2  }
0xb9: {  	s31 =	sshll.u32 s1, $0xD;
	s1 =	sshrl.u32 s1, $0x2  }
0xba: {  	s3 =	sand.u32 $0x4000, s31;
	s1 =	sadd.s32 s1, s30  }
0xbb: {  	s0 =	sor.u32 s3, s0;
	s1 =	sshll.u32 s1, $0x11  }
0xbc: {  	s0 =	sor.u32 s1, s0  }
0xbd: {  	s0 =	sadd.s32 $0x8F2B, s0  }
0xbe: {  	[sflag:s0] =	ssyncadd.remote.s32 $0x1  }
0xbf: {  	_ =	sfence.sel $0xFFFF  }
0xc0: {  	[dreg:$0x0] =	wrdreg $0xFFFFFFFF;
	(pc) =	sbr.abs _section_cstart, $3  }
0xc1: {  	[dreg:$0x1] =	wrdreg $0xFFFFFFFF  }
0xc2: {  	_ =	task.clear_ibuf [dreg:s7], $0x2FFFF;
	_ =	strace $0x9FFFFFFF  }
0xc3: {  	(tm) =	ssettm $0x7FFFFFFF  }
tec
execute0_lowered:
.L_overlay_start_1:
0x0: {  	(tag) =	ssettag $0x1  }
0x1: {  	s25 =	stileid.u32;
	s3 =	rddreg [dreg:$0x0]  }
0x2: {  	s0 =	srdreg.scid;
	s4 =	rddreg [dreg:$0x1];
	s2 =	simm.s32 $0x0  }
0x3: {  	s29 =	simm.s32 $0x4;
	s0 =	sand.u32 $0x1, s0;
	s1 =	sshll.u32 s25, $0x1  }
0x4: {  	s30 =	simm.s32 $0x2;
	s5 =	smul.u32 $0xF800, s25;
	s6 =	sor.u32 s0, s1  }
0x5: {  	s31 =	simm.s32 $0x2800;
	[smem:$0x7FF] =	sst s2;
	s6 =	smul.u32 $0x19000, s6  }
0x6: {  	s1 =	rddreg [dreg:$0x2];
	s0 =	ssub.s32 $0x2, s0;
	s7 =	sshrl.u32 s5, $0x3  }
0x7: {  	s8 =	sshrl.u32 s0, $0x1;
	s7 =	sadd.s32 s7, s4;
	s6 =	sshrl.u32 s6, $0x3  }
0x8: {  	s4 =	sadd.s32 $0x3F800, s4;
	s0 =	ssub.s32 s0, s8;
	s17 =	sadd.s32 $0x500, s6  }
0x9: {  	s9 =	sadd.s32 s3, s6;
	s19 =	sadd.s32 $0xA00, s6;
	s10 =	sadd.s32 s4, s6  }
0xa: {  	s11 =	sadd.s32 $0xF00, s6;
	s22 =	sadd.s32 $0x1400, s6;
	s23 =	sadd.s32 $0x1900, s6  }
0xb: {  	s24 =	sadd.s32 $0x2300, s6;
	s26 =	sadd.s32 $0x2800, s6;
	[dreg:$0x4] =	wrdreg s9  }
0xc: {  	s18 =	sadd.s32 s3, s17;
	[dreg:$0x6] =	wrdreg s10;
	s20 =	sadd.s32 s3, s19  }
0xd: {  	s8 =	sadd.s32 s4, s17;
	s21 =	sadd.s32 s3, s11;
	s9 =	sadd.s32 s4, s19  }
0xe: {  	s10 =	sadd.s32 s3, s22;
	s11 =	sadd.s32 s4, s11;
	s12 =	sadd.s32 s3, s23  }
0xf: {  	s17 =	sadd.s32 $0x1E00, s6;
	s13 =	sadd.s32 s4, s22;
	[dreg:$0x5] =	wrdreg s18  }
0x10: {  	s15 =	sadd.s32 s4, s23;
	s16 =	sadd.s32 s3, s24;
	[dreg:$0x7] =	wrdreg s20  }
0x11: {  	s19 =	sadd.s32 s4, s24;
	s6 =	sadd.s32 $0x2D00, s6;
	[dreg:$0x8] =	wrdreg s8  }
0x12: {  	s22 =	sadd.s32 s4, s26;
	s24 =	sadd.s32 $0x20800, s7;
	[dreg:$0x9] =	wrdreg s21  }
0x13: {  	[dreg:$0xa] =	wrdreg s9;
	s14 =	sadd.s32 s3, s17;
	s18 =	sadd.s32 s4, s17  }
0x14: {  	s20 =	sadd.s32 s3, s26;
	s21 =	sadd.s32 s3, s6;
	s23 =	sadd.s32 s4, s6  }
0x15: {  	s17 =	sadd.s32 s5, s1;
	s26 =	sshll.u32 s25, $0x6;
	s3 =	simm.s32 $0x5000  }
0x16: {  	s4 =	simm.s32 $0x7800;
	s5 =	simm.s32 $0x3;
	s6 =	simm.s32 $0x0  }
0x17: {  	_ =	strace $0x8000004A;
	s25 =	sor.u32 $0x1C04, s26;
	s26 =	smax.u32 s0, $0x1  }
0x18: {  	s28 =	sshrl.u32 s17, $0x3;
	s17 =	simm.s32 $0x80;
	s0 =	simm.s32 $0x1  }
.LBB2_1:
0x19: {  	s7 =	rddreg [dreg:$0x4]  }
0x1a: {  	[tilespmem:s2], [sflag:$0x2] =	stream.linear.gather [hbm4b:s7+s2], $0x2800, $0x38;
	[tilespmem:$0x19800] =	vst v63  }
0x1b: {  	[spmem:s28], [sflag:s25] =	dma.local [hbm:s24], $0x1F00  }
0x1c: {  	_ =	swait.ge [sflag:s29], $0x1F00  }
0x1d: {  	[sflag:s29] =	ssyncset.done $0x0  }
0x1e: {  	[sflag:s29] =	ssyncadd.s32 $0xFFFFE100  }
0x1f: {  	[bflag:$0x0] =	sbarrier.arrive $0xFFFF  }
0x20: {  	_ =	swait.ge [sflag:s30], $0x2800  }
0x21: {  	[sflag:s30] =	ssyncset.done $0x0  }
0x22: {  	s9 =	rddreg [dreg:$0x5];
	[sflag:s30] =	ssyncadd.s32 $0xFFFFD800  }
0x23: {  	[tilespmem:s31], [sflag:$0x2] =	stream.linear.gather [hbm4b:s9+s2], $0x2800, $0x38;
	[tilespmem:$0x19800] =	vst v63  }
0x24: {  	s8 =	simm.s32 $0x0;
	s7 =	simm.s32 $0x200;
	s9 =	simm.s32 $0x5000  }
.LBB2_2:
0x25: {  	[tilespmem:s9], [sflag:$0x1] =	stream.indirect.gather [spmem:s1], $0x1, s8, s17, $0xb8;
	[tilespmem:$0x19800] =	vst v63  }
0x26: {  	s8 =	smov.u32 s7;
	p0 =	sne.s32 s7, $0x9E00  }
.Ltmp0:
0x27: {  	s7 =	sadd.s32 $0x200, s7;
	(pc) =	sbr.rel @p0 .LBB2_2-.Ltmp0, $3  }
0x28: {  	_ =	sdelay $0x1  }
0x29: {  	s8 =	sshra.s32 s8, $0x2  }
0x2a: {  	s9 =	sadd.s32 $0x5000, s8  }
0x2b: {  	[tilespmem:s9], [sflag:$0x1] =	stream.indirect.gather [spmem:s1], $0x1, s8, s17, $0xb8;
	[tilespmem:$0x19800] =	vst v63  }
0x2c: {  	_ =	swait.ge [sflag:s0], $0x2800  }
0x2d: {  	[sflag:s0] =	ssyncset.done $0x0  }
0x2e: {  	s7 =	simm.s32 $0x0;
	s9 =	rddreg [dreg:$0x6];
	[sflag:s0] =	ssyncadd.s32 $0xFFFFD800  }
0x2f: {  	[hbm4b:s9+s7] =	stream.linear.scatter [tilespmem:s3], [sflag:$0x3], $0x2800, $0x38;
	[tilespmem:$0x19800] =	vst v63  }
0x30: {  	_ =	swait.ge [sflag:s30], $0x2800  }
0x31: {  	[sflag:s30] =	ssyncset.done $0x0  }
0x32: {  	s9 =	rddreg [dreg:$0x7];
	[sflag:s30] =	ssyncadd.s32 $0xFFFFD800  }
0x33: {  	[tilespmem:s7], [sflag:$0x2] =	stream.linear.gather [hbm4b:s9+s7], $0x2800, $0x38;
	[tilespmem:$0x19800] =	vst v63  }
0x34: {  	s8 =	simm.s32 $0x7800;
	s7 =	simm.s32 $0x200;
	s9 =	simm.s32 $0x2800  }
.LBB2_4:
0x35: {  	[tilespmem:s8], [sflag:$0x1] =	stream.indirect.gather [spmem:s1], $0x1, s9, s17, $0xb8;
	[tilespmem:$0x19800] =	vst v63  }
0x36: {  	s8 =	smov.u32 s7;
	p0 =	sne.s32 s7, $0x9E00  }
.Ltmp1:
0x37: {  	s7 =	sadd.s32 $0x200, s7;
	(pc) =	sbr.rel @p0 .LBB2_4-.Ltmp1, $3  }
0x38: {  	_ =	sdelay $0x1  }
0x39: {  	s9 =	sshra.s32 s8, $0x2  }
0x3a: {  	s8 =	sadd.s32 $0x7800, s9;
	s9 =	sadd.s32 $0x2800, s9  }
0x3b: {  	[tilespmem:s8], [sflag:$0x1] =	stream.indirect.gather [spmem:s1], $0x1, s9, s17, $0xb8;
	[tilespmem:$0x19800] =	vst v63  }
0x3c: {  	_ =	swait.ge [sflag:s0], $0x2800  }
0x3d: {  	[sflag:s0] =	ssyncset.done $0x0  }
0x3e: {  	s7 =	simm.s32 $0x0;
	s9 =	rddreg [dreg:$0x8];
	[sflag:s0] =	ssyncadd.s32 $0xFFFFD800  }
0x3f: {  	[hbm4b:s9+s7] =	stream.linear.scatter [tilespmem:s4], [sflag:$0x3], $0x2800, $0x38;
	[tilespmem:$0x19800] =	vst v63  }
0x40: {  	_ =	swait.ge [sflag:s30], $0x2800  }
0x41: {  	[sflag:s30] =	ssyncset.done $0x0  }
0x42: {  	s9 =	rddreg [dreg:$0x9];
	[sflag:s30] =	ssyncadd.s32 $0xFFFFD800  }
0x43: {  	[tilespmem:s31], [sflag:$0x2] =	stream.linear.gather [hbm4b:s9+s7], $0x2800, $0x38;
	[tilespmem:$0x19800] =	vst v63  }
0x44: {  	_ =	swait.ge [sflag:s5], $0x2800  }
0x45: {  	s8 =	simm.s32 $0x0;
	[sflag:s5] =	ssyncset.done $0x0  }
0x46: {  	s7 =	simm.s32 $0x200;
	s9 =	simm.s32 $0x5000;
	[sflag:s5] =	ssyncadd.s32 $0xFFFFD800  }
.LBB2_6:
0x47: {  	[tilespmem:s9], [sflag:$0x1] =	stream.indirect.gather [spmem:s1], $0x1, s8, s17, $0xb8;
	[tilespmem:$0x19800] =	vst v63  }
0x48: {  	s8 =	smov.u32 s7;
	p0 =	sne.s32 s7, $0x9E00  }
.Ltmp2:
0x49: {  	s7 =	sadd.s32 $0x200, s7;
	(pc) =	sbr.rel @p0 .LBB2_6-.Ltmp2, $3  }
0x4a: {  	_ =	sdelay $0x1  }
0x4b: {  	s8 =	sshra.s32 s8, $0x2  }
0x4c: {  	s9 =	sadd.s32 $0x5000, s8  }
0x4d: {  	[tilespmem:s9], [sflag:$0x1] =	stream.indirect.gather [spmem:s1], $0x1, s8, s17, $0xb8;
	[tilespmem:$0x19800] =	vst v63  }
0x4e: {  	_ =	swait.ge [sflag:s0], $0x2800  }
0x4f: {  	[sflag:s0] =	ssyncset.done $0x0  }
0x50: {  	s7 =	simm.s32 $0x0;
	s9 =	rddreg [dreg:$0xa];
	[sflag:s0] =	ssyncadd.s32 $0xFFFFD800  }
0x51: {  	[hbm4b:s9+s7] =	stream.linear.scatter [tilespmem:s3], [sflag:$0x3], $0x2800, $0x38;
	[tilespmem:$0x19800] =	vst v63  }
0x52: {  	_ =	swait.ge [sflag:s30], $0x2800  }
0x53: {  	[sflag:s30] =	ssyncset.done $0x0  }
0x54: {  	[sflag:s30] =	ssyncadd.s32 $0xFFFFD800  }
0x55: {  	[tilespmem:s7], [sflag:$0x2] =	stream.linear.gather [hbm4b:s10+s7], $0x2800, $0x38;
	[tilespmem:$0x19800] =	vst v63  }
0x56: {  	_ =	swait.ge [sflag:s5], $0x2800  }
0x57: {  	s8 =	simm.s32 $0x7800;
	[sflag:s5] =	ssyncset.done $0x0  }
0x58: {  	s9 =	simm.s32 $0x2800;
	s7 =	simm.s32 $0x200;
	[sflag:s5] =	ssyncadd.s32 $0xFFFFD800  }
.LBB2_8:
0x59: {  	[tilespmem:s8], [sflag:$0x1] =	stream.indirect.gather [spmem:s1], $0x1, s9, s17, $0xb8;
	[tilespmem:$0x19800] =	vst v63  }
0x5a: {  	s8 =	smov.u32 s7;
	p0 =	sne.s32 s7, $0x9E00  }
.Ltmp3:
0x5b: {  	s7 =	sadd.s32 $0x200, s7;
	(pc) =	sbr.rel @p0 .LBB2_8-.Ltmp3, $3  }
0x5c: {  	_ =	sdelay $0x1  }
0x5d: {  	s9 =	sshra.s32 s8, $0x2  }
0x5e: {  	s8 =	sadd.s32 $0x7800, s9;
	s9 =	sadd.s32 $0x2800, s9  }
0x5f: {  	[tilespmem:s8], [sflag:$0x1] =	stream.indirect.gather [spmem:s1], $0x1, s9, s17, $0xb8;
	[tilespmem:$0x19800] =	vst v63  }
0x60: {  	_ =	swait.ge [sflag:s0], $0x2800  }
0x61: {  	[sflag:s0] =	ssyncset.done $0x0  }
0x62: {  	s7 =	simm.s32 $0x0;
	[sflag:s0] =	ssyncadd.s32 $0xFFFFD800  }
0x63: {  	[hbm4b:s11+s7] =	stream.linear.scatter [tilespmem:s4], [sflag:$0x3], $0x2800, $0x38;
	[tilespmem:$0x19800] =	vst v63  }
0x64: {  	_ =	swait.ge [sflag:s30], $0x2800  }
0x65: {  	[sflag:s30] =	ssyncset.done $0x0  }
0x66: {  	[sflag:s30] =	ssyncadd.s32 $0xFFFFD800  }
0x67: {  	[tilespmem:s31], [sflag:$0x2] =	stream.linear.gather [hbm4b:s12+s7], $0x2800, $0x38;
	[tilespmem:$0x19800] =	vst v63  }
0x68: {  	_ =	swait.ge [sflag:s5], $0x2800  }
0x69: {  	s8 =	simm.s32 $0x0;
	[sflag:s5] =	ssyncset.done $0x0  }
0x6a: {  	s9 =	simm.s32 $0x5000;
	s7 =	simm.s32 $0x200;
	[sflag:s5] =	ssyncadd.s32 $0xFFFFD800  }
.LBB2_10:
0x6b: {  	[tilespmem:s9], [sflag:$0x1] =	stream.indirect.gather [spmem:s1], $0x1, s8, s17, $0xb8;
	[tilespmem:$0x19800] =	vst v63  }
0x6c: {  	s8 =	smov.u32 s7;
	p0 =	sne.s32 s7, $0x9E00  }
.Ltmp4:
0x6d: {  	s7 =	sadd.s32 $0x200, s7;
	(pc) =	sbr.rel @p0 .LBB2_10-.Ltmp4, $3  }
0x6e: {  	_ =	sdelay $0x1  }
0x6f: {  	s8 =	sshra.s32 s8, $0x2  }
0x70: {  	s9 =	sadd.s32 $0x5000, s8  }
0x71: {  	[tilespmem:s9], [sflag:$0x1] =	stream.indirect.gather [spmem:s1], $0x1, s8, s17, $0xb8;
	[tilespmem:$0x19800] =	vst v63  }
0x72: {  	_ =	swait.ge [sflag:s0], $0x2800  }
0x73: {  	[sflag:s0] =	ssyncset.done $0x0  }
0x74: {  	s7 =	simm.s32 $0x0;
	[sflag:s0] =	ssyncadd.s32 $0xFFFFD800  }
0x75: {  	[hbm4b:s13+s7] =	stream.linear.scatter [tilespmem:s3], [sflag:$0x3], $0x2800, $0x38;
	[tilespmem:$0x19800] =	vst v63  }
0x76: {  	_ =	swait.ge [sflag:s30], $0x2800  }
0x77: {  	[sflag:s30] =	ssyncset.done $0x0  }
0x78: {  	[sflag:s30] =	ssyncadd.s32 $0xFFFFD800  }
0x79: {  	[tilespmem:s7], [sflag:$0x2] =	stream.linear.gather [hbm4b:s14+s7], $0x2800, $0x38;
	[tilespmem:$0x19800] =	vst v63  }
0x7a: {  	_ =	swait.ge [sflag:s5], $0x2800  }
0x7b: {  	s8 =	simm.s32 $0x7800;
	[sflag:s5] =	ssyncset.done $0x0  }
0x7c: {  	s9 =	simm.s32 $0x2800;
	s7 =	simm.s32 $0x200;
	[sflag:s5] =	ssyncadd.s32 $0xFFFFD800  }
.LBB2_12:
0x7d: {  	[tilespmem:s8], [sflag:$0x1] =	stream.indirect.gather [spmem:s1], $0x1, s9, s17, $0xb8;
	[tilespmem:$0x19800] =	vst v63  }
0x7e: {  	s8 =	smov.u32 s7;
	p0 =	sne.s32 s7, $0x9E00  }
.Ltmp5:
0x7f: {  	s7 =	sadd.s32 $0x200, s7;
	(pc) =	sbr.rel @p0 .LBB2_12-.Ltmp5, $3  }
0x80: {  	_ =	sdelay $0x1  }
0x81: {  	s9 =	sshra.s32 s8, $0x2  }
0x82: {  	s8 =	sadd.s32 $0x7800, s9;
	s9 =	sadd.s32 $0x2800, s9  }
0x83: {  	[tilespmem:s8], [sflag:$0x1] =	stream.indirect.gather [spmem:s1], $0x1, s9, s17, $0xb8;
	[tilespmem:$0x19800] =	vst v63  }
0x84: {  	_ =	swait.ge [sflag:s0], $0x2800  }
0x85: {  	[sflag:s0] =	ssyncset.done $0x0  }
0x86: {  	s7 =	simm.s32 $0x0;
	[sflag:s0] =	ssyncadd.s32 $0xFFFFD800  }
0x87: {  	[hbm4b:s15+s7] =	stream.linear.scatter [tilespmem:s4], [sflag:$0x3], $0x2800, $0x38;
	[tilespmem:$0x19800] =	vst v63  }
0x88: {  	_ =	swait.ge [sflag:s30], $0x2800  }
0x89: {  	[sflag:s30] =	ssyncset.done $0x0  }
0x8a: {  	[sflag:s30] =	ssyncadd.s32 $0xFFFFD800  }
0x8b: {  	[tilespmem:s31], [sflag:$0x2] =	stream.linear.gather [hbm4b:s16+s7], $0x2800, $0x38;
	[tilespmem:$0x19800] =	vst v63  }
0x8c: {  	_ =	swait.ge [sflag:s5], $0x2800  }
0x8d: {  	s8 =	simm.s32 $0x0;
	[sflag:s5] =	ssyncset.done $0x0  }
0x8e: {  	s9 =	simm.s32 $0x5000;
	s7 =	simm.s32 $0x200;
	[sflag:s5] =	ssyncadd.s32 $0xFFFFD800  }
.LBB2_14:
0x8f: {  	[tilespmem:s9], [sflag:$0x1] =	stream.indirect.gather [spmem:s1], $0x1, s8, s17, $0xb8;
	[tilespmem:$0x19800] =	vst v63  }
0x90: {  	s8 =	smov.u32 s7;
	p0 =	sne.s32 s7, $0x9E00  }
.Ltmp6:
0x91: {  	s7 =	sadd.s32 $0x200, s7;
	(pc) =	sbr.rel @p0 .LBB2_14-.Ltmp6, $3  }
0x92: {  	_ =	sdelay $0x1  }
0x93: {  	s8 =	sshra.s32 s8, $0x2  }
0x94: {  	s9 =	sadd.s32 $0x5000, s8  }
0x95: {  	[tilespmem:s9], [sflag:$0x1] =	stream.indirect.gather [spmem:s1], $0x1, s8, s17, $0xb8;
	[tilespmem:$0x19800] =	vst v63  }
0x96: {  	_ =	swait.ge [sflag:s0], $0x2800  }
0x97: {  	[sflag:s0] =	ssyncset.done $0x0  }
0x98: {  	s7 =	simm.s32 $0x0;
	[sflag:s0] =	ssyncadd.s32 $0xFFFFD800  }
0x99: {  	[hbm4b:s18+s7] =	stream.linear.scatter [tilespmem:s3], [sflag:$0x3], $0x2800, $0x38;
	[tilespmem:$0x19800] =	vst v63  }
0x9a: {  	_ =	swait.ge [sflag:s30], $0x2800  }
0x9b: {  	[sflag:s30] =	ssyncset.done $0x0  }
0x9c: {  	[sflag:s30] =	ssyncadd.s32 $0xFFFFD800  }
0x9d: {  	[tilespmem:s7], [sflag:$0x2] =	stream.linear.gather [hbm4b:s20+s7], $0x2800, $0x38;
	[tilespmem:$0x19800] =	vst v63  }
0x9e: {  	_ =	swait.ge [sflag:s5], $0x2800  }
0x9f: {  	s8 =	simm.s32 $0x7800;
	[sflag:s5] =	ssyncset.done $0x0  }
0xa0: {  	s9 =	simm.s32 $0x2800;
	s7 =	simm.s32 $0x200;
	[sflag:s5] =	ssyncadd.s32 $0xFFFFD800  }
.LBB2_16:
0xa1: {  	[tilespmem:s8], [sflag:$0x1] =	stream.indirect.gather [spmem:s1], $0x1, s9, s17, $0xb8;
	[tilespmem:$0x19800] =	vst v63  }
0xa2: {  	s8 =	smov.u32 s7;
	p0 =	sne.s32 s7, $0x9E00  }
.Ltmp7:
0xa3: {  	s7 =	sadd.s32 $0x200, s7;
	(pc) =	sbr.rel @p0 .LBB2_16-.Ltmp7, $3  }
0xa4: {  	_ =	sdelay $0x1  }
0xa5: {  	s9 =	sshra.s32 s8, $0x2  }
0xa6: {  	s8 =	sadd.s32 $0x7800, s9;
	s9 =	sadd.s32 $0x2800, s9  }
0xa7: {  	[tilespmem:s8], [sflag:$0x1] =	stream.indirect.gather [spmem:s1], $0x1, s9, s17, $0xb8;
	[tilespmem:$0x19800] =	vst v63  }
0xa8: {  	_ =	swait.ge [sflag:s0], $0x2800  }
0xa9: {  	[sflag:s0] =	ssyncset.done $0x0  }
0xaa: {  	s7 =	simm.s32 $0x0;
	[sflag:s0] =	ssyncadd.s32 $0xFFFFD800  }
0xab: {  	[hbm4b:s19+s7] =	stream.linear.scatter [tilespmem:s4], [sflag:$0x3], $0x2800, $0x38;
	[tilespmem:$0x19800] =	vst v63  }
0xac: {  	_ =	swait.ge [sflag:s30], $0x2800  }
0xad: {  	[sflag:s30] =	ssyncset.done $0x0  }
0xae: {  	[sflag:s30] =	ssyncadd.s32 $0xFFFFD800  }
0xaf: {  	[tilespmem:s31], [sflag:$0x2] =	stream.linear.gather [hbm4b:s21+s7], $0x2800, $0x38;
	[tilespmem:$0x19800] =	vst v63  }
0xb0: {  	_ =	swait.ge [sflag:s5], $0x2800  }
0xb1: {  	s8 =	simm.s32 $0x0;
	[sflag:s5] =	ssyncset.done $0x0  }
0xb2: {  	s9 =	simm.s32 $0x5000;
	s7 =	simm.s32 $0x200;
	[sflag:s5] =	ssyncadd.s32 $0xFFFFD800  }
.LBB2_18:
0xb3: {  	[tilespmem:s9], [sflag:$0x1] =	stream.indirect.gather [spmem:s1], $0x1, s8, s17, $0xb8;
	[tilespmem:$0x19800] =	vst v63  }
0xb4: {  	s8 =	smov.u32 s7;
	p0 =	sne.s32 s7, $0x9E00  }
.Ltmp8:
0xb5: {  	s7 =	sadd.s32 $0x200, s7;
	(pc) =	sbr.rel @p0 .LBB2_18-.Ltmp8, $3  }
0xb6: {  	_ =	sdelay $0x1  }
0xb7: {  	s8 =	sshra.s32 s8, $0x2  }
0xb8: {  	s9 =	sadd.s32 $0x5000, s8  }
0xb9: {  	[tilespmem:s9], [sflag:$0x1] =	stream.indirect.gather [spmem:s1], $0x1, s8, s17, $0xb8;
	[tilespmem:$0x19800] =	vst v63  }
0xba: {  	_ =	swait.ge [sflag:s0], $0x2800  }
0xbb: {  	[sflag:s0] =	ssyncset.done $0x0  }
0xbc: {  	s7 =	simm.s32 $0x0;
	[sflag:s0] =	ssyncadd.s32 $0xFFFFD800  }
0xbd: {  	[hbm4b:s22+s7] =	stream.linear.scatter [tilespmem:s3], [sflag:$0x3], $0x2800, $0x38;
	[tilespmem:$0x19800] =	vst v63  }
0xbe: {  	_ =	swait.ge [sflag:s30], $0x2800  }
0xbf: {  	[sflag:s30] =	ssyncset.done $0x0  }
0xc0: {  	[sflag:s30] =	ssyncadd.s32 $0xFFFFD800  }
0xc1: {  	_ =	swait.ge [sflag:s5], $0x2800  }
0xc2: {  	s8 =	simm.s32 $0x7800;
	[sflag:s5] =	ssyncset.done $0x0  }
0xc3: {  	s9 =	simm.s32 $0x2800;
	s7 =	simm.s32 $0x200;
	[sflag:s5] =	ssyncadd.s32 $0xFFFFD800  }
.LBB2_20:
0xc4: {  	[tilespmem:s8], [sflag:$0x1] =	stream.indirect.gather [spmem:s1], $0x1, s9, s17, $0xb8;
	[tilespmem:$0x19800] =	vst v63  }
0xc5: {  	s8 =	smov.u32 s7;
	p0 =	sne.s32 s7, $0x9E00  }
.Ltmp9:
0xc6: {  	s7 =	sadd.s32 $0x200, s7;
	(pc) =	sbr.rel @p0 .LBB2_20-.Ltmp9, $3  }
0xc7: {  	_ =	sdelay $0x1  }
0xc8: {  	s9 =	sshra.s32 s8, $0x2  }
0xc9: {  	s8 =	sadd.s32 $0x7800, s9;
	s9 =	sadd.s32 $0x2800, s9  }
0xca: {  	[tilespmem:s8], [sflag:$0x1] =	stream.indirect.gather [spmem:s1], $0x1, s9, s17, $0xb8;
	[tilespmem:$0x19800] =	vst v63  }
0xcb: {  	_ =	swait.ge [sflag:s0], $0x2800  }
0xcc: {  	[sflag:s0] =	ssyncset.done $0x0  }
0xcd: {  	s6 =	sadd.s32 $0x1, s6;
	[sflag:s0] =	ssyncadd.s32 $0xFFFFD800  }
0xce: {  	[hbm4b:s23+s2] =	stream.linear.scatter [tilespmem:s4], [sflag:$0x3], $0x2800, $0x38;
	[tilespmem:$0x19800] =	vst v63  }
0xcf: {  	p0 =	sne.s32 s6, s26;
	_ =	swait.ge [sflag:s5], $0x2800  }
.Ltmp10:
0xd0: {  	[sflag:s5] =	ssyncset.done $0x0;
	(pc) =	sbr.rel @p0 .LBB2_1-.Ltmp10, $4  }
0xd1: {  	[sflag:s5] =	ssyncadd.s32 $0xFFFFD800  }
0xd2: {  	_ =	swait.ge [sflag:s5], $0x2800  }
0xd3: {  	[sflag:s5] =	ssyncset.done $0x0  }
0xd4: {  	[sflag:s5] =	ssyncadd.s32 $0xFFFFD800  }
0xd5: {  	_ =	sfence.sel $0x180000  }
0xd6: {  	[bflag:$0x0] =	sbarrier.arrive $0xFFFF  }
0xd7: {  	_ =	strace $0x9000004A  }
0xd8: {  	s0 =	stileid.u32;
	[bflag:$0x2] =	sbarrier.arrive $0xFFFF  }
0xd9: {  	p0 =	sne.s32 s0, $0x0;
	s0 =	rddreg [dreg:$0x3]  }
0xda: {  	s0 =	sadd.s32 @!p0 $0x100000, s0  }
0xdb: {  	[sflag:s0] =	ssyncadd.tile.s32 @!p0 $0x1;
	_ =	shalt  }
.Lfunc_end2:
_tile_overlayer_lowered:
.L_overlay_start_2:
0xdc: {  	(tag) =	ssettag $0x2  }
0xdd: {  	s0 =	rddreg [dreg:$0x0];
	s2 =	stileid.u32  }
0xde: {  	s1 =	rddreg [dreg:$0x1];
	p0 =	sne.s32 s2, $0x0  }
0xdf: {  	s3 =	rddreg [dreg:$0x2];
	[bflag:$0x3] =	sbarrier.arrive $0xFFFF;
	s2 =	simm.s32 @!p0 $0x1C04  }
0xe0: {  	[timem:s3], [sflag:s2] =	dma.local @!p0 [hbm:s0], s1  }
0xe1: {  	s0 =	simm.s32 @!p0 $0x4  }
0xe2: {  	_ =	swait.ge @!p0 [sflag:s0], s1  }
0xe3: {  	s1 =	ssub.s32 @!p0 $0x0, s1;
	[sflag:s0] =	ssyncset.done @!p0 $0x0  }
0xe4: {  	[sflag:s0] =	ssyncadd.s32 @!p0 s1  }
0xe5: {  	[bflag:$0x3] =	sbarrier.arrive $0xFFFF  }
0xe6: {  	_ =	shalt  }

</sc_bundles>
